<compile_context>
chip_gen: v7x
topology: tpu7x:2x2x1
jax: 0.10.2.dev20260603
libtpu: 0.0.44.dev20260713+nightly
codegen_flags: <defaults>
</compile_context>

<pallas_src>
import jax
import jax.numpy as jnp
from jax import lax
from jax.experimental import pallas as pl
from jax.experimental.pallas import tpu as pltpu
from jax.experimental.pallas import tpu_sc as plsc

B, N, S, D = 4096, 10, 20, 32
VOCAB_ROWS = 1000000
R = B * S
NUM_CORES = 2
NUM_SUBCORES = 16
NW = NUM_CORES * NUM_SUBCORES
BPW = B // NW
G = 8
C = G * S
NCHUNK = BPW // G
LANES = 16


def _cbow_body(idx_hbm, table_hbm, out_hbm, idx_v, acc_v, sem):
    wid = lax.axis_index("s") * NUM_CORES + lax.axis_index("c")
    bbase = wid * BPW

    def chunk_body(ci, carry):
        b0 = bbase + ci * G
        pltpu.sync_copy(idx_hbm.at[pl.ds(b0, G)], idx_v)
        first = [
            pltpu.async_copy(
                table_hbm.at[idx_v.at[g, 0]], acc_v.at[pl.ds(g * S, S)], sem)
            for g in range(G)
        ]
        for cp in first:
            cp.wait()
        rest = [
            pltpu.async_copy(
                table_hbm.at[idx_v.at[g, n]], acc_v.at[pl.ds(g * S, S)], sem,
                add=True)
            for g in range(G)
            for n in range(1, N)
        ]
        for cp in rest:
            cp.wait()

        def row_body(r, c2):
            for h in range(0, D, LANES):
                acc_v[r, pl.ds(h, LANES)] = acc_v[r, pl.ds(h, LANES)] * 0.1
            return c2

        lax.fori_loop(0, C, row_body, 0, unroll=4)
        pltpu.sync_copy(acc_v, out_hbm.at[pl.ds(b0 * S, C)])
        return carry

    lax.fori_loop(0, NCHUNK, chunk_body, 0)


@jax.jit
def kernel(x, table):
    mesh = plsc.VectorSubcoreMesh(core_axis_name="c", subcore_axis_name="s")
    run = pl.kernel(
        _cbow_body,
        mesh=mesh,
        out_type=jax.ShapeDtypeStruct((R, D), jnp.float32),
        scratch_types=[
            pltpu.VMEM((G, N, S), jnp.int32),
            pltpu.VMEM((C, D), jnp.float32),
            pltpu.SemaphoreType.DMA,
        ],
        compiler_params=pltpu.CompilerParams(use_tc_tiling_on_sc=False),
    )
    out = run(x.astype(jnp.int32), table)
    return out.reshape(B, 1, S, D)

# --- scband reference (transcript-rebuilt; emitter-appended) ---
"""Pipeline reference for scband-cbow-46694884442573 (READ-ONLY COPY).

The authoritative reference and input builder live on the scoring server;
editing this copy changes nothing except your own understanding.
"""

import jax, jax.numpy as jnp
import numpy as np

VOCAB = 1000000
EMBED_DIM = 32

def setup_inputs(seed: int = 0) -> dict:
    key = jax.random.key(seed)
    k1, k2 = jax.random.split(key)
    x = jax.random.randint(k1, (4096, 10, 20), 0, VOCAB, dtype=jnp.int64 if jax.config.jax_enable_x64 else jnp.int32)
    table = jax.random.normal(k2, (VOCAB, EMBED_DIM), dtype=jnp.float32) * 0.02
    return {"x": x, "table": table}

def reference(x, table):
    # nn.Embedding lookup: (B, N, S) -> (B, N, S, D)
    y = jnp.take(table, x, axis=0)
    # reduction='mean' over dim=1 with keepdim
    return jnp.mean(y, axis=1, keepdims=True)

if __name__ == "__main__":
    import jax
    _d = setup_inputs()
    print(jax.jit(kernel)(*tuple(_d.values())))

</pallas_src>

<mosaic_0001>
#map = affine_map<(d0, d1) -> (0, 0, 0)>
#map1 = affine_map<(d0, d1) -> (0, 0)>
module attributes {stable_mosaic.version = 14 : i64} {
  func.func @_cbow_body(%arg0: i32, %arg1: i32, %arg2: memref<4096x10x20xi32, #tpu.memory_space<hbm>>, %arg3: memref<1000000x32xf32, #tpu.memory_space<hbm>>, %arg4: memref<81920x32xf32, #tpu.memory_space<hbm>>, %arg5: memref<8x10x20xi32, #tpu.memory_space<vmem>>, %arg6: memref<160x32xf32, #tpu.memory_space<vmem>>, %arg7: memref<!tpu.dma_semaphore, #tpu.memory_space<semaphore_mem>>) attributes {dimension_semantics = [#tpu.dimension_semantics<core_parallel>, #tpu.dimension_semantics<subcore_parallel>], iteration_bounds = array<i64: 2, 16>, scalar_prefetch = 0 : i64, scratch_operands = 3 : i64, tpu.core_type = #tpu.core_type<sc_vector_subcore>, window_params = [{transform_indices = #map}, {transform_indices = #map1}, {transform_indices = #map1}]} {
    %mul3A = arith.constant 2 : i32
    %mul3A_0 = arith.muli %arg1, %mul3A : i32
    %add3A = arith.addi %mul3A_0, %arg0 : i32
    %mul3A_1 = arith.constant 128 : i32
    %mul3A_2 = arith.muli %add3A, %mul3A_1 : i32
    %scan3A = arith.constant 0 : i32
    %scan3A_3 = arith.constant 0 : i32
    %scan3A_4 = arith.constant 16 : i32
    %scan3A_5 = arith.addi %scan3A_3, %scan3A_4 : i32
    %scan3A_6 = arith.constant 1 : i32
    scf.for %scan3A_8 = %scan3A_3 to %scan3A_5 step %scan3A_6  : i32 {
      %mul3A_9 = arith.constant 8 : i32
      %mul3A_10 = arith.muli %scan3A_8, %mul3A_9 : i32
      %add3A_11 = arith.addi %mul3A_2, %mul3A_10 : i32
      "tpu.region"() ({
        %run_scoped3A = tpu.sem_alloc : memref<!tpu.dma_semaphore, #tpu.memory_space<semaphore_mem>>
        %dma_start3A_1778 = arith.constant 0 : i32
        %dma_start3A_1779 = arith.constant 0 : i32
        %dma_start3A_1780 = tpu.memref_slice %arg2[%add3A_11, %dma_start3A_1778, %dma_start3A_1779] : memref<4096x10x20xi32, #tpu.memory_space<hbm>> -> memref<8x10x20xi32, #tpu.memory_space<hbm>>
        %dma_start3A_1781 = arith.constant 0 : i32
        %dma_start3A_1782 = arith.constant 0 : i32
        %dma_start3A_1783 = tpu.memref_slice %arg2[%add3A_11, %dma_start3A_1781, %dma_start3A_1782] : memref<4096x10x20xi32, #tpu.memory_space<hbm>> -> memref<8x10x20xi32, #tpu.memory_space<hbm>>
        tpu.enqueue_dma source(%dma_start3A_1783 : memref<8x10x20xi32, #tpu.memory_space<hbm>>) target(%arg5 : memref<8x10x20xi32, #tpu.memory_space<vmem>>) target_semaphore(%run_scoped3A : memref<!tpu.dma_semaphore, #tpu.memory_space<semaphore_mem>>)
        %dma_wait3A_1784 = arith.constant 0 : i32
        %dma_wait3A_1785 = arith.constant 0 : i32
        %dma_wait3A_1786 = tpu.memref_slice %arg2[%add3A_11, %dma_wait3A_1784, %dma_wait3A_1785] : memref<4096x10x20xi32, #tpu.memory_space<hbm>> -> memref<8x10x20xi32, #tpu.memory_space<hbm>>
        %dma_wait3A_1787 = arith.constant 0 : i32
        %dma_wait3A_1788 = arith.constant 0 : i32
        %dma_wait3A_1789 = tpu.memref_slice %arg2[%add3A_11, %dma_wait3A_1787, %dma_wait3A_1788] : memref<4096x10x20xi32, #tpu.memory_space<hbm>> -> memref<8x10x20xi32, #tpu.memory_space<hbm>>
        tpu.wait_dma2 semaphore(%run_scoped3A : memref<!tpu.dma_semaphore, #tpu.memory_space<semaphore_mem>>) src(%dma_wait3A_1789 : memref<8x10x20xi32, #tpu.memory_space<hbm>>) dst(%arg5 : memref<8x10x20xi32, #tpu.memory_space<vmem>>)
        tpu.yield
      }) : () -> ()
      %dma_start3A = arith.constant 0 : i32
      %dma_start3A_12 = arith.constant 0 : i32
      %dma_start3A_13 = arith.constant 0 : i32
      %dma_start3A_14 = arith.constant 0 : i32
      %dma_start3A_15 = tpu.memref_slice %arg6[%dma_start3A_13, %dma_start3A_14] : memref<160x32xf32, #tpu.memory_space<vmem>> -> memref<20x32xf32, #tpu.memory_space<vmem>>
      %dma_start3A_16 = arith.constant 0 : i32
      %dma_start3A_17 = tpu.memref_slice %arg5[%dma_start3A, %dma_start3A_12, %dma_start3A_16] : memref<8x10x20xi32, #tpu.memory_space<vmem>> -> memref<1x1x20xi32, #tpu.memory_space<vmem>>
      %dma_start3A_18 = tpu.memref_squeeze %dma_start3A_17 : memref<1x1x20xi32, #tpu.memory_space<vmem>> -> memref<20xi32, #tpu.memory_space<vmem>>
      %dma_start3A_19 = arith.constant 0 : i32
      %dma_start3A_20 = arith.constant 0 : i32
      %dma_start3A_21 = tpu.memref_slice %arg3[%dma_start3A_19, %dma_start3A_20] : memref<1000000x32xf32, #tpu.memory_space<hbm>> -> memref<1000000x32xf32, #tpu.memory_space<hbm>>
      tpu.enqueue_indirect_dma source(%dma_start3A_21 : memref<1000000x32xf32, #tpu.memory_space<hbm>>) target(%dma_start3A_15 : memref<20x32xf32, #tpu.memory_space<vmem>>) offsets(%dma_start3A_18 : memref<20xi32, #tpu.memory_space<vmem>>) semaphore(%arg7 : memref<!tpu.dma_semaphore, #tpu.memory_space<semaphore_mem>>)
      %dma_start3A_22 = arith.constant 1 : i32
      %dma_start3A_23 = arith.constant 0 : i32
      %dma_start3A_24 = arith.constant 20 : i32
      %dma_start3A_25 = arith.constant 0 : i32
      %dma_start3A_26 = tpu.memref_slice %arg6[%dma_start3A_24, %dma_start3A_25] : memref<160x32xf32, #tpu.memory_space<vmem>> -> memref<20x32xf32, #tpu.memory_space<vmem>>
      %dma_start3A_27 = arith.constant 0 : i32
      %dma_start3A_28 = tpu.memref_slice %arg5[%dma_start3A_22, %dma_start3A_23, %dma_start3A_27] : memref<8x10x20xi32, #tpu.memory_space<vmem>> -> memref<1x1x20xi32, #tpu.memory_space<vmem>>
      %dma_start3A_29 = tpu.memref_squeeze %dma_start3A_28 : memref<1x1x20xi32, #tpu.memory_space<vmem>> -> memref<20xi32, #tpu.memory_space<vmem>>
      %dma_start3A_30 = arith.constant 0 : i32
      %dma_start3A_31 = arith.constant 0 : i32
      %dma_start3A_32 = tpu.memref_slice %arg3[%dma_start3A_30, %dma_start3A_31] : memref<1000000x32xf32, #tpu.memory_space<hbm>> -> memref<1000000x32xf32, #tpu.memory_space<hbm>>
      tpu.enqueue_indirect_dma source(%dma_start3A_32 : memref<1000000x32xf32, #tpu.memory_space<hbm>>) target(%dma_start3A_26 : memref<20x32xf32, #tpu.memory_space<vmem>>) offsets(%dma_start3A_29 : memref<20xi32, #tpu.memory_space<vmem>>) semaphore(%arg7 : memref<!tpu.dma_semaphore, #tpu.memory_space<semaphore_mem>>)
      %dma_start3A_33 = arith.constant 2 : i32
      %dma_start3A_34 = arith.constant 0 : i32
      %dma_start3A_35 = arith.constant 40 : i32
      %dma_start3A_36 = arith.constant 0 : i32
      %dma_start3A_37 = tpu.memref_slice %arg6[%dma_start3A_35, %dma_start3A_36] : memref<160x32xf32, #tpu.memory_space<vmem>> -> memref<20x32xf32, #tpu.memory_space<vmem>>
      %dma_start3A_38 = arith.constant 0 : i32
      %dma_start3A_39 = tpu.memref_slice %arg5[%dma_start3A_33, %dma_start3A_34, %dma_start3A_38] : memref<8x10x20xi32, #tpu.memory_space<vmem>> -> memref<1x1x20xi32, #tpu.memory_space<vmem>>
      %dma_start3A_40 = tpu.memref_squeeze %dma_start3A_39 : memref<1x1x20xi32, #tpu.memory_space<vmem>> -> memref<20xi32, #tpu.memory_space<vmem>>
      %dma_start3A_41 = arith.constant 0 : i32
      %dma_start3A_42 = arith.constant 0 : i32
      %dma_start3A_43 = tpu.memref_slice %arg3[%dma_start3A_41, %dma_start3A_42] : memref<1000000x32xf32, #tpu.memory_space<hbm>> -> memref<1000000x32xf32, #tpu.memory_space<hbm>>
      tpu.enqueue_indirect_dma source(%dma_start3A_43 : memref<1000000x32xf32, #tpu.memory_space<hbm>>) target(%dma_start3A_37 : memref<20x32xf32, #tpu.memory_space<vmem>>) offsets(%dma_start3A_40 : memref<20xi32, #tpu.memory_space<vmem>>) semaphore(%arg7 : memref<!tpu.dma_semaphore, #tpu.memory_space<semaphore_mem>>)
      %dma_start3A_44 = arith.constant 3 : i32
      %dma_start3A_45 = arith.constant 0 : i32
      %dma_start3A_46 = arith.constant 60 : i32
      %dma_start3A_47 = arith.constant 0 : i32
      %dma_start3A_48 = tpu.memref_slice %arg6[%dma_start3A_46, %dma_start3A_47] : memref<160x32xf32, #tpu.memory_space<vmem>> -> memref<20x32xf32, #tpu.memory_space<vmem>>
      %dma_start3A_49 = arith.constant 0 : i32
      %dma_start3A_50 = tpu.memref_slice %arg5[%dma_start3A_44, %dma_start3A_45, %dma_start3A_49] : memref<8x10x20xi32, #tpu.memory_space<vmem>> -> memref<1x1x20xi32, #tpu.memory_space<vmem>>
      %dma_start3A_51 = tpu.memref_squeeze %dma_start3A_50 : memref<1x1x20xi32, #tpu.memory_space<vmem>> -> memref<20xi32, #tpu.memory_space<vmem>>
      %dma_start3A_52 = arith.constant 0 : i32
      %dma_start3A_53 = arith.constant 0 : i32
      %dma_start3A_54 = tpu.memref_slice %arg3[%dma_start3A_52, %dma_start3A_53] : memref<1000000x32xf32, #tpu.memory_space<hbm>> -> memref<1000000x32xf32, #tpu.memory_space<hbm>>
      tpu.enqueue_indirect_dma source(%dma_start3A_54 : memref<1000000x32xf32, #tpu.memory_space<hbm>>) target(%dma_start3A_48 : memref<20x32xf32, #tpu.memory_space<vmem>>) offsets(%dma_start3A_51 : memref<20xi32, #tpu.memory_space<vmem>>) semaphore(%arg7 : memref<!tpu.dma_semaphore, #tpu.memory_space<semaphore_mem>>)
      %dma_start3A_55 = arith.constant 4 : i32
      %dma_start3A_56 = arith.constant 0 : i32
      %dma_start3A_57 = arith.constant 80 : i32
      %dma_start3A_58 = arith.constant 0 : i32
      %dma_start3A_59 = tpu.memref_slice %arg6[%dma_start3A_57, %dma_start3A_58] : memref<160x32xf32, #tpu.memory_space<vmem>> -> memref<20x32xf32, #tpu.memory_space<vmem>>
      %dma_start3A_60 = arith.constant 0 : i32
      %dma_start3A_61 = tpu.memref_slice %arg5[%dma_start3A_55, %dma_start3A_56, %dma_start3A_60] : memref<8x10x20xi32, #tpu.memory_space<vmem>> -> memref<1x1x20xi32, #tpu.memory_space<vmem>>
      %dma_start3A_62 = tpu.memref_squeeze %dma_start3A_61 : memref<1x1x20xi32, #tpu.memory_space<vmem>> -> memref<20xi32, #tpu.memory_space<vmem>>
      %dma_start3A_63 = arith.constant 0 : i32
      %dma_start3A_64 = arith.constant 0 : i32
      %dma_start3A_65 = tpu.memref_slice %arg3[%dma_start3A_63, %dma_start3A_64] : memref<1000000x32xf32, #tpu.memory_space<hbm>> -> memref<1000000x32xf32, #tpu.memory_space<hbm>>
      tpu.enqueue_indirect_dma source(%dma_start3A_65 : memref<1000000x32xf32, #tpu.memory_space<hbm>>) target(%dma_start3A_59 : memref<20x32xf32, #tpu.memory_space<vmem>>) offsets(%dma_start3A_62 : memref<20xi32, #tpu.memory_space<vmem>>) semaphore(%arg7 : memref<!tpu.dma_semaphore, #tpu.memory_space<semaphore_mem>>)
      %dma_start3A_66 = arith.constant 5 : i32
      %dma_start3A_67 = arith.constant 0 : i32
      %dma_start3A_68 = arith.constant 100 : i32
      %dma_start3A_69 = arith.constant 0 : i32
      %dma_start3A_70 = tpu.memref_slice %arg6[%dma_start3A_68, %dma_start3A_69] : memref<160x32xf32, #tpu.memory_space<vmem>> -> memref<20x32xf32, #tpu.memory_space<vmem>>
      %dma_start3A_71 = arith.constant 0 : i32
      %dma_start3A_72 = tpu.memref_slice %arg5[%dma_start3A_66, %dma_start3A_67, %dma_start3A_71] : memref<8x10x20xi32, #tpu.memory_space<vmem>> -> memref<1x1x20xi32, #tpu.memory_space<vmem>>
      %dma_start3A_73 = tpu.memref_squeeze %dma_start3A_72 : memref<1x1x20xi32, #tpu.memory_space<vmem>> -> memref<20xi32, #tpu.memory_space<vmem>>
      %dma_start3A_74 = arith.constant 0 : i32
      %dma_start3A_75 = arith.constant 0 : i32
      %dma_start3A_76 = tpu.memref_slice %arg3[%dma_start3A_74, %dma_start3A_75] : memref<1000000x32xf32, #tpu.memory_space<hbm>> -> memref<1000000x32xf32, #tpu.memory_space<hbm>>
      tpu.enqueue_indirect_dma source(%dma_start3A_76 : memref<1000000x32xf32, #tpu.memory_space<hbm>>) target(%dma_start3A_70 : memref<20x32xf32, #tpu.memory_space<vmem>>) offsets(%dma_start3A_73 : memref<20xi32, #tpu.memory_space<vmem>>) semaphore(%arg7 : memref<!tpu.dma_semaphore, #tpu.memory_space<semaphore_mem>>)
      %dma_start3A_77 = arith.constant 6 : i32
      %dma_start3A_78 = arith.constant 0 : i32
      %dma_start3A_79 = arith.constant 120 : i32
      %dma_start3A_80 = arith.constant 0 : i32
      %dma_start3A_81 = tpu.memref_slice %arg6[%dma_start3A_79, %dma_start3A_80] : memref<160x32xf32, #tpu.memory_space<vmem>> -> memref<20x32xf32, #tpu.memory_space<vmem>>
      %dma_start3A_82 = arith.constant 0 : i32
      %dma_start3A_83 = tpu.memref_slice %arg5[%dma_start3A_77, %dma_start3A_78, %dma_start3A_82] : memref<8x10x20xi32, #tpu.memory_space<vmem>> -> memref<1x1x20xi32, #tpu.memory_space<vmem>>
      %dma_start3A_84 = tpu.memref_squeeze %dma_start3A_83 : memref<1x1x20xi32, #tpu.memory_space<vmem>> -> memref<20xi32, #tpu.memory_space<vmem>>
      %dma_start3A_85 = arith.constant 0 : i32
      %dma_start3A_86 = arith.constant 0 : i32
      %dma_start3A_87 = tpu.memref_slice %arg3[%dma_start3A_85, %dma_start3A_86] : memref<1000000x32xf32, #tpu.memory_space<hbm>> -> memref<1000000x32xf32, #tpu.memory_space<hbm>>
      tpu.enqueue_indirect_dma source(%dma_start3A_87 : memref<1000000x32xf32, #tpu.memory_space<hbm>>) target(%dma_start3A_81 : memref<20x32xf32, #tpu.memory_space<vmem>>) offsets(%dma_start3A_84 : memref<20xi32, #tpu.memory_space<vmem>>) semaphore(%arg7 : memref<!tpu.dma_semaphore, #tpu.memory_space<semaphore_mem>>)
      %dma_start3A_88 = arith.constant 7 : i32
      %dma_start3A_89 = arith.constant 0 : i32
      %dma_start3A_90 = arith.constant 140 : i32
      %dma_start3A_91 = arith.constant 0 : i32
      %dma_start3A_92 = tpu.memref_slice %arg6[%dma_start3A_90, %dma_start3A_91] : memref<160x32xf32, #tpu.memory_space<vmem>> -> memref<20x32xf32, #tpu.memory_space<vmem>>
      %dma_start3A_93 = arith.constant 0 : i32
      %dma_start3A_94 = tpu.memref_slice %arg5[%dma_start3A_88, %dma_start3A_89, %dma_start3A_93] : memref<8x10x20xi32, #tpu.memory_space<vmem>> -> memref<1x1x20xi32, #tpu.memory_space<vmem>>
      %dma_start3A_95 = tpu.memref_squeeze %dma_start3A_94 : memref<1x1x20xi32, #tpu.memory_space<vmem>> -> memref<20xi32, #tpu.memory_space<vmem>>
      %dma_start3A_96 = arith.constant 0 : i32
      %dma_start3A_97 = arith.constant 0 : i32
      %dma_start3A_98 = tpu.memref_slice %arg3[%dma_start3A_96, %dma_start3A_97] : memref<1000000x32xf32, #tpu.memory_space<hbm>> -> memref<1000000x32xf32, #tpu.memory_space<hbm>>
      tpu.enqueue_indirect_dma source(%dma_start3A_98 : memref<1000000x32xf32, #tpu.memory_space<hbm>>) target(%dma_start3A_92 : memref<20x32xf32, #tpu.memory_space<vmem>>) offsets(%dma_start3A_95 : memref<20xi32, #tpu.memory_space<vmem>>) semaphore(%arg7 : memref<!tpu.dma_semaphore, #tpu.memory_space<semaphore_mem>>)
      %dma_wait3A = arith.constant 0 : i32
      %dma_wait3A_99 = arith.constant 0 : i32
      %dma_wait3A_100 = arith.constant 0 : i32
      %dma_wait3A_101 = arith.constant 0 : i32
      %dma_wait3A_102 = tpu.memref_slice %arg6[%dma_wait3A_100, %dma_wait3A_101] : memref<160x32xf32, #tpu.memory_space<vmem>> -> memref<20x32xf32, #tpu.memory_space<vmem>>
      %dma_wait3A_103 = arith.constant 0 : i32
      %dma_wait3A_104 = tpu.memref_slice %arg5[%dma_wait3A, %dma_wait3A_99, %dma_wait3A_103] : memref<8x10x20xi32, #tpu.memory_space<vmem>> -> memref<1x1x20xi32, #tpu.memory_space<vmem>>
      %dma_wait3A_105 = tpu.memref_squeeze %dma_wait3A_104 : memref<1x1x20xi32, #tpu.memory_space<vmem>> -> memref<20xi32, #tpu.memory_space<vmem>>
      %dma_wait3A_106 = arith.constant 0 : i32
      %dma_wait3A_107 = arith.constant 0 : i32
      %dma_wait3A_108 = tpu.memref_slice %arg3[%dma_wait3A_106, %dma_wait3A_107] : memref<1000000x32xf32, #tpu.memory_space<hbm>> -> memref<1000000x32xf32, #tpu.memory_space<hbm>>
      tpu.wait_indirect_dma semaphore(%arg7 : memref<!tpu.dma_semaphore, #tpu.memory_space<semaphore_mem>>) src(%dma_wait3A_108 : memref<1000000x32xf32, #tpu.memory_space<hbm>>) dst(%dma_wait3A_102 : memref<20x32xf32, #tpu.memory_space<vmem>>)
      %dma_wait3A_109 = arith.constant 1 : i32
      %dma_wait3A_110 = arith.constant 0 : i32
      %dma_wait3A_111 = arith.constant 20 : i32
      %dma_wait3A_112 = arith.constant 0 : i32
      %dma_wait3A_113 = tpu.memref_slice %arg6[%dma_wait3A_111, %dma_wait3A_112] : memref<160x32xf32, #tpu.memory_space<vmem>> -> memref<20x32xf32, #tpu.memory_space<vmem>>
      %dma_wait3A_114 = arith.constant 0 : i32
      %dma_wait3A_115 = tpu.memref_slice %arg5[%dma_wait3A_109, %dma_wait3A_110, %dma_wait3A_114] : memref<8x10x20xi32, #tpu.memory_space<vmem>> -> memref<1x1x20xi32, #tpu.memory_space<vmem>>
      %dma_wait3A_116 = tpu.memref_squeeze %dma_wait3A_115 : memref<1x1x20xi32, #tpu.memory_space<vmem>> -> memref<20xi32, #tpu.memory_space<vmem>>
      %dma_wait3A_117 = arith.constant 0 : i32
      %dma_wait3A_118 = arith.constant 0 : i32
      %dma_wait3A_119 = tpu.memref_slice %arg3[%dma_wait3A_117, %dma_wait3A_118] : memref<1000000x32xf32, #tpu.memory_space<hbm>> -> memref<1000000x32xf32, #tpu.memory_space<hbm>>
      tpu.wait_indirect_dma semaphore(%arg7 : memref<!tpu.dma_semaphore, #tpu.memory_space<semaphore_mem>>) src(%dma_wait3A_119 : memref<1000000x32xf32, #tpu.memory_space<hbm>>) dst(%dma_wait3A_113 : memref<20x32xf32, #tpu.memory_space<vmem>>)
      %dma_wait3A_120 = arith.constant 2 : i32
      %dma_wait3A_121 = arith.constant 0 : i32
      %dma_wait3A_122 = arith.constant 40 : i32
      %dma_wait3A_123 = arith.constant 0 : i32
      %dma_wait3A_124 = tpu.memref_slice %arg6[%dma_wait3A_122, %dma_wait3A_123] : memref<160x32xf32, #tpu.memory_space<vmem>> -> memref<20x32xf32, #tpu.memory_space<vmem>>
      %dma_wait3A_125 = arith.constant 0 : i32
      %dma_wait3A_126 = tpu.memref_slice %arg5[%dma_wait3A_120, %dma_wait3A_121, %dma_wait3A_125] : memref<8x10x20xi32, #tpu.memory_space<vmem>> -> memref<1x1x20xi32, #tpu.memory_space<vmem>>
      %dma_wait3A_127 = tpu.memref_squeeze %dma_wait3A_126 : memref<1x1x20xi32, #tpu.memory_space<vmem>> -> memref<20xi32, #tpu.memory_space<vmem>>
      %dma_wait3A_128 = arith.constant 0 : i32
      %dma_wait3A_129 = arith.constant 0 : i32
      %dma_wait3A_130 = tpu.memref_slice %arg3[%dma_wait3A_128, %dma_wait3A_129] : memref<1000000x32xf32, #tpu.memory_space<hbm>> -> memref<1000000x32xf32, #tpu.memory_space<hbm>>
      tpu.wait_indirect_dma semaphore(%arg7 : memref<!tpu.dma_semaphore, #tpu.memory_space<semaphore_mem>>) src(%dma_wait3A_130 : memref<1000000x32xf32, #tpu.memory_space<hbm>>) dst(%dma_wait3A_124 : memref<20x32xf32, #tpu.memory_space<vmem>>)
      %dma_wait3A_131 = arith.constant 3 : i32
      %dma_wait3A_132 = arith.constant 0 : i32
      %dma_wait3A_133 = arith.constant 60 : i32
      %dma_wait3A_134 = arith.constant 0 : i32
      %dma_wait3A_135 = tpu.memref_slice %arg6[%dma_wait3A_133, %dma_wait3A_134] : memref<160x32xf32, #tpu.memory_space<vmem>> -> memref<20x32xf32, #tpu.memory_space<vmem>>
      %dma_wait3A_136 = arith.constant 0 : i32
      %dma_wait3A_137 = tpu.memref_slice %arg5[%dma_wait3A_131, %dma_wait3A_132, %dma_wait3A_136] : memref<8x10x20xi32, #tpu.memory_space<vmem>> -> memref<1x1x20xi32, #tpu.memory_space<vmem>>
      %dma_wait3A_138 = tpu.memref_squeeze %dma_wait3A_137 : memref<1x1x20xi32, #tpu.memory_space<vmem>> -> memref<20xi32, #tpu.memory_space<vmem>>
      %dma_wait3A_139 = arith.constant 0 : i32
      %dma_wait3A_140 = arith.constant 0 : i32
      %dma_wait3A_141 = tpu.memref_slice %arg3[%dma_wait3A_139, %dma_wait3A_140] : memref<1000000x32xf32, #tpu.memory_space<hbm>> -> memref<1000000x32xf32, #tpu.memory_space<hbm>>
      tpu.wait_indirect_dma semaphore(%arg7 : memref<!tpu.dma_semaphore, #tpu.memory_space<semaphore_mem>>) src(%dma_wait3A_141 : memref<1000000x32xf32, #tpu.memory_space<hbm>>) dst(%dma_wait3A_135 : memref<20x32xf32, #tpu.memory_space<vmem>>)
      %dma_wait3A_142 = arith.constant 4 : i32
      %dma_wait3A_143 = arith.constant 0 : i32
      %dma_wait3A_144 = arith.constant 80 : i32
      %dma_wait3A_145 = arith.constant 0 : i32
      %dma_wait3A_146 = tpu.memref_slice %arg6[%dma_wait3A_144, %dma_wait3A_145] : memref<160x32xf32, #tpu.memory_space<vmem>> -> memref<20x32xf32, #tpu.memory_space<vmem>>
      %dma_wait3A_147 = arith.constant 0 : i32
      %dma_wait3A_148 = tpu.memref_slice %arg5[%dma_wait3A_142, %dma_wait3A_143, %dma_wait3A_147] : memref<8x10x20xi32, #tpu.memory_space<vmem>> -> memref<1x1x20xi32, #tpu.memory_space<vmem>>
      %dma_wait3A_149 = tpu.memref_squeeze %dma_wait3A_148 : memref<1x1x20xi32, #tpu.memory_space<vmem>> -> memref<20xi32, #tpu.memory_space<vmem>>
      %dma_wait3A_150 = arith.constant 0 : i32
      %dma_wait3A_151 = arith.constant 0 : i32
      %dma_wait3A_152 = tpu.memref_slice %arg3[%dma_wait3A_150, %dma_wait3A_151] : memref<1000000x32xf32, #tpu.memory_space<hbm>> -> memref<1000000x32xf32, #tpu.memory_space<hbm>>
      tpu.wait_indirect_dma semaphore(%arg7 : memref<!tpu.dma_semaphore, #tpu.memory_space<semaphore_mem>>) src(%dma_wait3A_152 : memref<1000000x32xf32, #tpu.memory_space<hbm>>) dst(%dma_wait3A_146 : memref<20x32xf32, #tpu.memory_space<vmem>>)
      %dma_wait3A_153 = arith.constant 5 : i32
      %dma_wait3A_154 = arith.constant 0 : i32
      %dma_wait3A_155 = arith.constant 100 : i32
      %dma_wait3A_156 = arith.constant 0 : i32
      %dma_wait3A_157 = tpu.memref_slice %arg6[%dma_wait3A_155, %dma_wait3A_156] : memref<160x32xf32, #tpu.memory_space<vmem>> -> memref<20x32xf32, #tpu.memory_space<vmem>>
      %dma_wait3A_158 = arith.constant 0 : i32
      %dma_wait3A_159 = tpu.memref_slice %arg5[%dma_wait3A_153, %dma_wait3A_154, %dma_wait3A_158] : memref<8x10x20xi32, #tpu.memory_space<vmem>> -> memref<1x1x20xi32, #tpu.memory_space<vmem>>
      %dma_wait3A_160 = tpu.memref_squeeze %dma_wait3A_159 : memref<1x1x20xi32, #tpu.memory_space<vmem>> -> memref<20xi32, #tpu.memory_space<vmem>>
      %dma_wait3A_161 = arith.constant 0 : i32
      %dma_wait3A_162 = arith.constant 0 : i32
      %dma_wait3A_163 = tpu.memref_slice %arg3[%dma_wait3A_161, %dma_wait3A_162] : memref<1000000x32xf32, #tpu.memory_space<hbm>> -> memref<1000000x32xf32, #tpu.memory_space<hbm>>
      tpu.wait_indirect_dma semaphore(%arg7 : memref<!tpu.dma_semaphore, #tpu.memory_space<semaphore_mem>>) src(%dma_wait3A_163 : memref<1000000x32xf32, #tpu.memory_space<hbm>>) dst(%dma_wait3A_157 : memref<20x32xf32, #tpu.memory_space<vmem>>)
      %dma_wait3A_164 = arith.constant 6 : i32
      %dma_wait3A_165 = arith.constant 0 : i32
      %dma_wait3A_166 = arith.constant 120 : i32
      %dma_wait3A_167 = arith.constant 0 : i32
      %dma_wait3A_168 = tpu.memref_slice %arg6[%dma_wait3A_166, %dma_wait3A_167] : memref<160x32xf32, #tpu.memory_space<vmem>> -> memref<20x32xf32, #tpu.memory_space<vmem>>
      %dma_wait3A_169 = arith.constant 0 : i32
      %dma_wait3A_170 = tpu.memref_slice %arg5[%dma_wait3A_164, %dma_wait3A_165, %dma_wait3A_169] : memref<8x10x20xi32, #tpu.memory_space<vmem>> -> memref<1x1x20xi32, #tpu.memory_space<vmem>>
      %dma_wait3A_171 = tpu.memref_squeeze %dma_wait3A_170 : memref<1x1x20xi32, #tpu.memory_space<vmem>> -> memref<20xi32, #tpu.memory_space<vmem>>
      %dma_wait3A_172 = arith.constant 0 : i32
      %dma_wait3A_173 = arith.constant 0 : i32
      %dma_wait3A_174 = tpu.memref_slice %arg3[%dma_wait3A_172, %dma_wait3A_173] : memref<1000000x32xf32, #tpu.memory_space<hbm>> -> memref<1000000x32xf32, #tpu.memory_space<hbm>>
      tpu.wait_indirect_dma semaphore(%arg7 : memref<!tpu.dma_semaphore, #tpu.memory_space<semaphore_mem>>) src(%dma_wait3A_174 : memref<1000000x32xf32, #tpu.memory_space<hbm>>) dst(%dma_wait3A_168 : memref<20x32xf32, #tpu.memory_space<vmem>>)
      %dma_wait3A_175 = arith.constant 7 : i32
      %dma_wait3A_176 = arith.constant 0 : i32
      %dma_wait3A_177 = arith.constant 140 : i32
      %dma_wait3A_178 = arith.constant 0 : i32
      %dma_wait3A_179 = tpu.memref_slice %arg6[%dma_wait3A_177, %dma_wait3A_178] : memref<160x32xf32, #tpu.memory_space<vmem>> -> memref<20x32xf32, #tpu.memory_space<vmem>>
      %dma_wait3A_180 = arith.constant 0 : i32
      %dma_wait3A_181 = tpu.memref_slice %arg5[%dma_wait3A_175, %dma_wait3A_176, %dma_wait3A_180] : memref<8x10x20xi32, #tpu.memory_space<vmem>> -> memref<1x1x20xi32, #tpu.memory_space<vmem>>
      %dma_wait3A_182 = tpu.memref_squeeze %dma_wait3A_181 : memref<1x1x20xi32, #tpu.memory_space<vmem>> -> memref<20xi32, #tpu.memory_space<vmem>>
      %dma_wait3A_183 = arith.constant 0 : i32
      %dma_wait3A_184 = arith.constant 0 : i32
      %dma_wait3A_185 = tpu.memref_slice %arg3[%dma_wait3A_183, %dma_wait3A_184] : memref<1000000x32xf32, #tpu.memory_space<hbm>> -> memref<1000000x32xf32, #tpu.memory_space<hbm>>
      tpu.wait_indirect_dma semaphore(%arg7 : memref<!tpu.dma_semaphore, #tpu.memory_space<semaphore_mem>>) src(%dma_wait3A_185 : memref<1000000x32xf32, #tpu.memory_space<hbm>>) dst(%dma_wait3A_179 : memref<20x32xf32, #tpu.memory_space<vmem>>)
      %dma_start3A_186 = arith.constant 0 : i32
      %dma_start3A_187 = arith.constant 1 : i32
      %dma_start3A_188 = arith.constant 0 : i32
      %dma_start3A_189 = arith.constant 0 : i32
      %dma_start3A_190 = tpu.memref_slice %arg6[%dma_start3A_188, %dma_start3A_189] : memref<160x32xf32, #tpu.memory_space<vmem>> -> memref<20x32xf32, #tpu.memory_space<vmem>>
      %dma_start3A_191 = arith.constant 0 : i32
      %dma_start3A_192 = tpu.memref_slice %arg5[%dma_start3A_186, %dma_start3A_187, %dma_start3A_191] : memref<8x10x20xi32, #tpu.memory_space<vmem>> -> memref<1x1x20xi32, #tpu.memory_space<vmem>>
      %dma_start3A_193 = tpu.memref_squeeze %dma_start3A_192 : memref<1x1x20xi32, #tpu.memory_space<vmem>> -> memref<20xi32, #tpu.memory_space<vmem>>
      %dma_start3A_194 = arith.constant 0 : i32
      %dma_start3A_195 = arith.constant 0 : i32
      %dma_start3A_196 = tpu.memref_slice %arg3[%dma_start3A_194, %dma_start3A_195] : memref<1000000x32xf32, #tpu.memory_space<hbm>> -> memref<1000000x32xf32, #tpu.memory_space<hbm>>
      tpu.enqueue_indirect_dma source(%dma_start3A_196 : memref<1000000x32xf32, #tpu.memory_space<hbm>>) target(%dma_start3A_190 : memref<20x32xf32, #tpu.memory_space<vmem>>) offsets(%dma_start3A_193 : memref<20xi32, #tpu.memory_space<vmem>>) semaphore(%arg7 : memref<!tpu.dma_semaphore, #tpu.memory_space<semaphore_mem>>) {add = true}
      %dma_start3A_197 = arith.constant 0 : i32
      %dma_start3A_198 = arith.constant 2 : i32
      %dma_start3A_199 = arith.constant 0 : i32
      %dma_start3A_200 = arith.constant 0 : i32
      %dma_start3A_201 = tpu.memref_slice %arg6[%dma_start3A_199, %dma_start3A_200] : memref<160x32xf32, #tpu.memory_space<vmem>> -> memref<20x32xf32, #tpu.memory_space<vmem>>
      %dma_start3A_202 = arith.constant 0 : i32
      %dma_start3A_203 = tpu.memref_slice %arg5[%dma_start3A_197, %dma_start3A_198, %dma_start3A_202] : memref<8x10x20xi32, #tpu.memory_space<vmem>> -> memref<1x1x20xi32, #tpu.memory_space<vmem>>
      %dma_start3A_204 = tpu.memref_squeeze %dma_start3A_203 : memref<1x1x20xi32, #tpu.memory_space<vmem>> -> memref<20xi32, #tpu.memory_space<vmem>>
      %dma_start3A_205 = arith.constant 0 : i32
      %dma_start3A_206 = arith.constant 0 : i32
      %dma_start3A_207 = tpu.memref_slice %arg3[%dma_start3A_205, %dma_start3A_206] : memref<1000000x32xf32, #tpu.memory_space<hbm>> -> memref<1000000x32xf32, #tpu.memory_space<hbm>>
      tpu.enqueue_indirect_dma source(%dma_start3A_207 : memref<1000000x32xf32, #tpu.memory_space<hbm>>) target(%dma_start3A_201 : memref<20x32xf32, #tpu.memory_space<vmem>>) offsets(%dma_start3A_204 : memref<20xi32, #tpu.memory_space<vmem>>) semaphore(%arg7 : memref<!tpu.dma_semaphore, #tpu.memory_space<semaphore_mem>>) {add = true}
      %dma_start3A_208 = arith.constant 0 : i32
      %dma_start3A_209 = arith.constant 3 : i32
      %dma_start3A_210 = arith.constant 0 : i32
      %dma_start3A_211 = arith.constant 0 : i32
      %dma_start3A_212 = tpu.memref_slice %arg6[%dma_start3A_210, %dma_start3A_211] : memref<160x32xf32, #tpu.memory_space<vmem>> -> memref<20x32xf32, #tpu.memory_space<vmem>>
      %dma_start3A_213 = arith.constant 0 : i32
      %dma_start3A_214 = tpu.memref_slice %arg5[%dma_start3A_208, %dma_start3A_209, %dma_start3A_213] : memref<8x10x20xi32, #tpu.memory_space<vmem>> -> memref<1x1x20xi32, #tpu.memory_space<vmem>>
      %dma_start3A_215 = tpu.memref_squeeze %dma_start3A_214 : memref<1x1x20xi32, #tpu.memory_space<vmem>> -> memref<20xi32, #tpu.memory_space<vmem>>
      %dma_start3A_216 = arith.constant 0 : i32
      %dma_start3A_217 = arith.constant 0 : i32
      %dma_start3A_218 = tpu.memref_slice %arg3[%dma_start3A_216, %dma_start3A_217] : memref<1000000x32xf32, #tpu.memory_space<hbm>> -> memref<1000000x32xf32, #tpu.memory_space<hbm>>
      tpu.enqueue_indirect_dma source(%dma_start3A_218 : memref<1000000x32xf32, #tpu.memory_space<hbm>>) target(%dma_start3A_212 : memref<20x32xf32, #tpu.memory_space<vmem>>) offsets(%dma_start3A_215 : memref<20xi32, #tpu.memory_space<vmem>>) semaphore(%arg7 : memref<!tpu.dma_semaphore, #tpu.memory_space<semaphore_mem>>) {add = true}
      %dma_start3A_219 = arith.constant 0 : i32
      %dma_start3A_220 = arith.constant 4 : i32
      %dma_start3A_221 = arith.constant 0 : i32
      %dma_start3A_222 = arith.constant 0 : i32
      %dma_start3A_223 = tpu.memref_slice %arg6[%dma_start3A_221, %dma_start3A_222] : memref<160x32xf32, #tpu.memory_space<vmem>> -> memref<20x32xf32, #tpu.memory_space<vmem>>
      %dma_start3A_224 = arith.constant 0 : i32
      %dma_start3A_225 = tpu.memref_slice %arg5[%dma_start3A_219, %dma_start3A_220, %dma_start3A_224] : memref<8x10x20xi32, #tpu.memory_space<vmem>> -> memref<1x1x20xi32, #tpu.memory_space<vmem>>
      %dma_start3A_226 = tpu.memref_squeeze %dma_start3A_225 : memref<1x1x20xi32, #tpu.memory_space<vmem>> -> memref<20xi32, #tpu.memory_space<vmem>>
      %dma_start3A_227 = arith.constant 0 : i32
      %dma_start3A_228 = arith.constant 0 : i32
      %dma_start3A_229 = tpu.memref_slice %arg3[%dma_start3A_227, %dma_start3A_228] : memref<1000000x32xf32, #tpu.memory_space<hbm>> -> memref<1000000x32xf32, #tpu.memory_space<hbm>>
      tpu.enqueue_indirect_dma source(%dma_start3A_229 : memref<1000000x32xf32, #tpu.memory_space<hbm>>) target(%dma_start3A_223 : memref<20x32xf32, #tpu.memory_space<vmem>>) offsets(%dma_start3A_226 : memref<20xi32, #tpu.memory_space<vmem>>) semaphore(%arg7 : memref<!tpu.dma_semaphore, #tpu.memory_space<semaphore_mem>>) {add = true}
      %dma_start3A_230 = arith.constant 0 : i32
      %dma_start3A_231 = arith.constant 5 : i32
      %dma_start3A_232 = arith.constant 0 : i32
      %dma_start3A_233 = arith.constant 0 : i32
      %dma_start3A_234 = tpu.memref_slice %arg6[%dma_start3A_232, %dma_start3A_233] : memref<160x32xf32, #tpu.memory_space<vmem>> -> memref<20x32xf32, #tpu.memory_space<vmem>>
      %dma_start3A_235 = arith.constant 0 : i32
      %dma_start3A_236 = tpu.memref_slice %arg5[%dma_start3A_230, %dma_start3A_231, %dma_start3A_235] : memref<8x10x20xi32, #tpu.memory_space<vmem>> -> memref<1x1x20xi32, #tpu.memory_space<vmem>>
      %dma_start3A_237 = tpu.memref_squeeze %dma_start3A_236 : memref<1x1x20xi32, #tpu.memory_space<vmem>> -> memref<20xi32, #tpu.memory_space<vmem>>
      %dma_start3A_238 = arith.constant 0 : i32
      %dma_start3A_239 = arith.constant 0 : i32
      %dma_start3A_240 = tpu.memref_slice %arg3[%dma_start3A_238, %dma_start3A_239] : memref<1000000x32xf32, #tpu.memory_space<hbm>> -> memref<1000000x32xf32, #tpu.memory_space<hbm>>
      tpu.enqueue_indirect_dma source(%dma_start3A_240 : memref<1000000x32xf32, #tpu.memory_space<hbm>>) target(%dma_start3A_234 : memref<20x32xf32, #tpu.memory_space<vmem>>) offsets(%dma_start3A_237 : memref<20xi32, #tpu.memory_space<vmem>>) semaphore(%arg7 : memref<!tpu.dma_semaphore, #tpu.memory_space<semaphore_mem>>) {add = true}
      %dma_start3A_241 = arith.constant 0 : i32
      %dma_start3A_242 = arith.constant 6 : i32
      %dma_start3A_243 = arith.constant 0 : i32
      %dma_start3A_244 = arith.constant 0 : i32
      %dma_start3A_245 = tpu.memref_slice %arg6[%dma_start3A_243, %dma_start3A_244] : memref<160x32xf32, #tpu.memory_space<vmem>> -> memref<20x32xf32, #tpu.memory_space<vmem>>
      %dma_start3A_246 = arith.constant 0 : i32
      %dma_start3A_247 = tpu.memref_slice %arg5[%dma_start3A_241, %dma_start3A_242, %dma_start3A_246] : memref<8x10x20xi32, #tpu.memory_space<vmem>> -> memref<1x1x20xi32, #tpu.memory_space<vmem>>
      %dma_start3A_248 = tpu.memref_squeeze %dma_start3A_247 : memref<1x1x20xi32, #tpu.memory_space<vmem>> -> memref<20xi32, #tpu.memory_space<vmem>>
      %dma_start3A_249 = arith.constant 0 : i32
      %dma_start3A_250 = arith.constant 0 : i32
      %dma_start3A_251 = tpu.memref_slice %arg3[%dma_start3A_249, %dma_start3A_250] : memref<1000000x32xf32, #tpu.memory_space<hbm>> -> memref<1000000x32xf32, #tpu.memory_space<hbm>>
      tpu.enqueue_indirect_dma source(%dma_start3A_251 : memref<1000000x32xf32, #tpu.memory_space<hbm>>) target(%dma_start3A_245 : memref<20x32xf32, #tpu.memory_space<vmem>>) offsets(%dma_start3A_248 : memref<20xi32, #tpu.memory_space<vmem>>) semaphore(%arg7 : memref<!tpu.dma_semaphore, #tpu.memory_space<semaphore_mem>>) {add = true}
      %dma_start3A_252 = arith.constant 0 : i32
      %dma_start3A_253 = arith.constant 7 : i32
      %dma_start3A_254 = arith.constant 0 : i32
      %dma_start3A_255 = arith.constant 0 : i32
      %dma_start3A_256 = tpu.memref_slice %arg6[%dma_start3A_254, %dma_start3A_255] : memref<160x32xf32, #tpu.memory_space<vmem>> -> memref<20x32xf32, #tpu.memory_space<vmem>>
      %dma_start3A_257 = arith.constant 0 : i32
      %dma_start3A_258 = tpu.memref_slice %arg5[%dma_start3A_252, %dma_start3A_253, %dma_start3A_257] : memref<8x10x20xi32, #tpu.memory_space<vmem>> -> memref<1x1x20xi32, #tpu.memory_space<vmem>>
      %dma_start3A_259 = tpu.memref_squeeze %dma_start3A_258 : memref<1x1x20xi32, #tpu.memory_space<vmem>> -> memref<20xi32, #tpu.memory_space<vmem>>
      %dma_start3A_260 = arith.constant 0 : i32
      %dma_start3A_261 = arith.constant 0 : i32
      %dma_start3A_262 = tpu.memref_slice %arg3[%dma_start3A_260, %dma_start3A_261] : memref<1000000x32xf32, #tpu.memory_space<hbm>> -> memref<1000000x32xf32, #tpu.memory_space<hbm>>
      tpu.enqueue_indirect_dma source(%dma_start3A_262 : memref<1000000x32xf32, #tpu.memory_space<hbm>>) target(%dma_start3A_256 : memref<20x32xf32, #tpu.memory_space<vmem>>) offsets(%dma_start3A_259 : memref<20xi32, #tpu.memory_space<vmem>>) semaphore(%arg7 : memref<!tpu.dma_semaphore, #tpu.memory_space<semaphore_mem>>) {add = true}
      %dma_start3A_263 = arith.constant 0 : i32
      %dma_start3A_264 = arith.constant 8 : i32
      %dma_start3A_265 = arith.constant 0 : i32
      %dma_start3A_266 = arith.constant 0 : i32
      %dma_start3A_267 = tpu.memref_slice %arg6[%dma_start3A_265, %dma_start3A_266] : memref<160x32xf32, #tpu.memory_space<vmem>> -> memref<20x32xf32, #tpu.memory_space<vmem>>
      %dma_start3A_268 = arith.constant 0 : i32
      %dma_start3A_269 = tpu.memref_slice %arg5[%dma_start3A_263, %dma_start3A_264, %dma_start3A_268] : memref<8x10x20xi32, #tpu.memory_space<vmem>> -> memref<1x1x20xi32, #tpu.memory_space<vmem>>
      %dma_start3A_270 = tpu.memref_squeeze %dma_start3A_269 : memref<1x1x20xi32, #tpu.memory_space<vmem>> -> memref<20xi32, #tpu.memory_space<vmem>>
      %dma_start3A_271 = arith.constant 0 : i32
      %dma_start3A_272 = arith.constant 0 : i32
      %dma_start3A_273 = tpu.memref_slice %arg3[%dma_start3A_271, %dma_start3A_272] : memref<1000000x32xf32, #tpu.memory_space<hbm>> -> memref<1000000x32xf32, #tpu.memory_space<hbm>>
      tpu.enqueue_indirect_dma source(%dma_start3A_273 : memref<1000000x32xf32, #tpu.memory_space<hbm>>) target(%dma_start3A_267 : memref<20x32xf32, #tpu.memory_space<vmem>>) offsets(%dma_start3A_270 : memref<20xi32, #tpu.memory_space<vmem>>) semaphore(%arg7 : memref<!tpu.dma_semaphore, #tpu.memory_space<semaphore_mem>>) {add = true}
      %dma_start3A_274 = arith.constant 0 : i32
      %dma_start3A_275 = arith.constant 9 : i32
      %dma_start3A_276 = arith.constant 0 : i32
      %dma_start3A_277 = arith.constant 0 : i32
      %dma_start3A_278 = tpu.memref_slice %arg6[%dma_start3A_276, %dma_start3A_277] : memref<160x32xf32, #tpu.memory_space<vmem>> -> memref<20x32xf32, #tpu.memory_space<vmem>>
      %dma_start3A_279 = arith.constant 0 : i32
      %dma_start3A_280 = tpu.memref_slice %arg5[%dma_start3A_274, %dma_start3A_275, %dma_start3A_279] : memref<8x10x20xi32, #tpu.memory_space<vmem>> -> memref<1x1x20xi32, #tpu.memory_space<vmem>>
      %dma_start3A_281 = tpu.memref_squeeze %dma_start3A_280 : memref<1x1x20xi32, #tpu.memory_space<vmem>> -> memref<20xi32, #tpu.memory_space<vmem>>
      %dma_start3A_282 = arith.constant 0 : i32
      %dma_start3A_283 = arith.constant 0 : i32
      %dma_start3A_284 = tpu.memref_slice %arg3[%dma_start3A_282, %dma_start3A_283] : memref<1000000x32xf32, #tpu.memory_space<hbm>> -> memref<1000000x32xf32, #tpu.memory_space<hbm>>
      tpu.enqueue_indirect_dma source(%dma_start3A_284 : memref<1000000x32xf32, #tpu.memory_space<hbm>>) target(%dma_start3A_278 : memref<20x32xf32, #tpu.memory_space<vmem>>) offsets(%dma_start3A_281 : memref<20xi32, #tpu.memory_space<vmem>>) semaphore(%arg7 : memref<!tpu.dma_semaphore, #tpu.memory_space<semaphore_mem>>) {add = true}
      %dma_start3A_285 = arith.constant 1 : i32
      %dma_start3A_286 = arith.constant 1 : i32
      %dma_start3A_287 = arith.constant 20 : i32
      %dma_start3A_288 = arith.constant 0 : i32
      %dma_start3A_289 = tpu.memref_slice %arg6[%dma_start3A_287, %dma_start3A_288] : memref<160x32xf32, #tpu.memory_space<vmem>> -> memref<20x32xf32, #tpu.memory_space<vmem>>
      %dma_start3A_290 = arith.constant 0 : i32
      %dma_start3A_291 = tpu.memref_slice %arg5[%dma_start3A_285, %dma_start3A_286, %dma_start3A_290] : memref<8x10x20xi32, #tpu.memory_space<vmem>> -> memref<1x1x20xi32, #tpu.memory_space<vmem>>
      %dma_start3A_292 = tpu.memref_squeeze %dma_start3A_291 : memref<1x1x20xi32, #tpu.memory_space<vmem>> -> memref<20xi32, #tpu.memory_space<vmem>>
      %dma_start3A_293 = arith.constant 0 : i32
      %dma_start3A_294 = arith.constant 0 : i32
      %dma_start3A_295 = tpu.memref_slice %arg3[%dma_start3A_293, %dma_start3A_294] : memref<1000000x32xf32, #tpu.memory_space<hbm>> -> memref<1000000x32xf32, #tpu.memory_space<hbm>>
      tpu.enqueue_indirect_dma source(%dma_start3A_295 : memref<1000000x32xf32, #tpu.memory_space<hbm>>) target(%dma_start3A_289 : memref<20x32xf32, #tpu.memory_space<vmem>>) offsets(%dma_start3A_292 : memref<20xi32, #tpu.memory_space<vmem>>) semaphore(%arg7 : memref<!tpu.dma_semaphore, #tpu.memory_space<semaphore_mem>>) {add = true}
      %dma_start3A_296 = arith.constant 1 : i32
      %dma_start3A_297 = arith.constant 2 : i32
      %dma_start3A_298 = arith.constant 20 : i32
      %dma_start3A_299 = arith.constant 0 : i32
      %dma_start3A_300 = tpu.memref_slice %arg6[%dma_start3A_298, %dma_start3A_299] : memref<160x32xf32, #tpu.memory_space<vmem>> -> memref<20x32xf32, #tpu.memory_space<vmem>>
      %dma_start3A_301 = arith.constant 0 : i32
      %dma_start3A_302 = tpu.memref_slice %arg5[%dma_start3A_296, %dma_start3A_297, %dma_start3A_301] : memref<8x10x20xi32, #tpu.memory_space<vmem>> -> memref<1x1x20xi32, #tpu.memory_space<vmem>>
      %dma_start3A_303 = tpu.memref_squeeze %dma_start3A_302 : memref<1x1x20xi32, #tpu.memory_space<vmem>> -> memref<20xi32, #tpu.memory_space<vmem>>
      %dma_start3A_304 = arith.constant 0 : i32
      %dma_start3A_305 = arith.constant 0 : i32
      %dma_start3A_306 = tpu.memref_slice %arg3[%dma_start3A_304, %dma_start3A_305] : memref<1000000x32xf32, #tpu.memory_space<hbm>> -> memref<1000000x32xf32, #tpu.memory_space<hbm>>
      tpu.enqueue_indirect_dma source(%dma_start3A_306 : memref<1000000x32xf32, #tpu.memory_space<hbm>>) target(%dma_start3A_300 : memref<20x32xf32, #tpu.memory_space<vmem>>) offsets(%dma_start3A_303 : memref<20xi32, #tpu.memory_space<vmem>>) semaphore(%arg7 : memref<!tpu.dma_semaphore, #tpu.memory_space<semaphore_mem>>) {add = true}
      %dma_start3A_307 = arith.constant 1 : i32
      %dma_start3A_308 = arith.constant 3 : i32
      %dma_start3A_309 = arith.constant 20 : i32
      %dma_start3A_310 = arith.constant 0 : i32
      %dma_start3A_311 = tpu.memref_slice %arg6[%dma_start3A_309, %dma_start3A_310] : memref<160x32xf32, #tpu.memory_space<vmem>> -> memref<20x32xf32, #tpu.memory_space<vmem>>
      %dma_start3A_312 = arith.constant 0 : i32
      %dma_start3A_313 = tpu.memref_slice %arg5[%dma_start3A_307, %dma_start3A_308, %dma_start3A_312] : memref<8x10x20xi32, #tpu.memory_space<vmem>> -> memref<1x1x20xi32, #tpu.memory_space<vmem>>
      %dma_start3A_314 = tpu.memref_squeeze %dma_start3A_313 : memref<1x1x20xi32, #tpu.memory_space<vmem>> -> memref<20xi32, #tpu.memory_space<vmem>>
      %dma_start3A_315 = arith.constant 0 : i32
      %dma_start3A_316 = arith.constant 0 : i32
      %dma_start3A_317 = tpu.memref_slice %arg3[%dma_start3A_315, %dma_start3A_316] : memref<1000000x32xf32, #tpu.memory_space<hbm>> -> memref<1000000x32xf32, #tpu.memory_space<hbm>>
      tpu.enqueue_indirect_dma source(%dma_start3A_317 : memref<1000000x32xf32, #tpu.memory_space<hbm>>) target(%dma_start3A_311 : memref<20x32xf32, #tpu.memory_space<vmem>>) offsets(%dma_start3A_314 : memref<20xi32, #tpu.memory_space<vmem>>) semaphore(%arg7 : memref<!tpu.dma_semaphore, #tpu.memory_space<semaphore_mem>>) {add = true}
      %dma_start3A_318 = arith.constant 1 : i32
      %dma_start3A_319 = arith.constant 4 : i32
      %dma_start3A_320 = arith.constant 20 : i32
      %dma_start3A_321 = arith.constant 0 : i32
      %dma_start3A_322 = tpu.memref_slice %arg6[%dma_start3A_320, %dma_start3A_321] : memref<160x32xf32, #tpu.memory_space<vmem>> -> memref<20x32xf32, #tpu.memory_space<vmem>>
      %dma_start3A_323 = arith.constant 0 : i32
      %dma_start3A_324 = tpu.memref_slice %arg5[%dma_start3A_318, %dma_start3A_319, %dma_start3A_323] : memref<8x10x20xi32, #tpu.memory_space<vmem>> -> memref<1x1x20xi32, #tpu.memory_space<vmem>>
      %dma_start3A_325 = tpu.memref_squeeze %dma_start3A_324 : memref<1x1x20xi32, #tpu.memory_space<vmem>> -> memref<20xi32, #tpu.memory_space<vmem>>
      %dma_start3A_326 = arith.constant 0 : i32
      %dma_start3A_327 = arith.constant 0 : i32
      %dma_start3A_328 = tpu.memref_slice %arg3[%dma_start3A_326, %dma_start3A_327] : memref<1000000x32xf32, #tpu.memory_space<hbm>> -> memref<1000000x32xf32, #tpu.memory_space<hbm>>
      tpu.enqueue_indirect_dma source(%dma_start3A_328 : memref<1000000x32xf32, #tpu.memory_space<hbm>>) target(%dma_start3A_322 : memref<20x32xf32, #tpu.memory_space<vmem>>) offsets(%dma_start3A_325 : memref<20xi32, #tpu.memory_space<vmem>>) semaphore(%arg7 : memref<!tpu.dma_semaphore, #tpu.memory_space<semaphore_mem>>) {add = true}
      %dma_start3A_329 = arith.constant 1 : i32
      %dma_start3A_330 = arith.constant 5 : i32
      %dma_start3A_331 = arith.constant 20 : i32
      %dma_start3A_332 = arith.constant 0 : i32
      %dma_start3A_333 = tpu.memref_slice %arg6[%dma_start3A_331, %dma_start3A_332] : memref<160x32xf32, #tpu.memory_space<vmem>> -> memref<20x32xf32, #tpu.memory_space<vmem>>
      %dma_start3A_334 = arith.constant 0 : i32
      %dma_start3A_335 = tpu.memref_slice %arg5[%dma_start3A_329, %dma_start3A_330, %dma_start3A_334] : memref<8x10x20xi32, #tpu.memory_space<vmem>> -> memref<1x1x20xi32, #tpu.memory_space<vmem>>
      %dma_start3A_336 = tpu.memref_squeeze %dma_start3A_335 : memref<1x1x20xi32, #tpu.memory_space<vmem>> -> memref<20xi32, #tpu.memory_space<vmem>>
      %dma_start3A_337 = arith.constant 0 : i32
      %dma_start3A_338 = arith.constant 0 : i32
      %dma_start3A_339 = tpu.memref_slice %arg3[%dma_start3A_337, %dma_start3A_338] : memref<1000000x32xf32, #tpu.memory_space<hbm>> -> memref<1000000x32xf32, #tpu.memory_space<hbm>>
      tpu.enqueue_indirect_dma source(%dma_start3A_339 : memref<1000000x32xf32, #tpu.memory_space<hbm>>) target(%dma_start3A_333 : memref<20x32xf32, #tpu.memory_space<vmem>>) offsets(%dma_start3A_336 : memref<20xi32, #tpu.memory_space<vmem>>) semaphore(%arg7 : memref<!tpu.dma_semaphore, #tpu.memory_space<semaphore_mem>>) {add = true}
      %dma_start3A_340 = arith.constant 1 : i32
      %dma_start3A_341 = arith.constant 6 : i32
      %dma_start3A_342 = arith.constant 20 : i32
      %dma_start3A_343 = arith.constant 0 : i32
      %dma_start3A_344 = tpu.memref_slice %arg6[%dma_start3A_342, %dma_start3A_343] : memref<160x32xf32, #tpu.memory_space<vmem>> -> memref<20x32xf32, #tpu.memory_space<vmem>>
      %dma_start3A_345 = arith.constant 0 : i32
      %dma_start3A_346 = tpu.memref_slice %arg5[%dma_start3A_340, %dma_start3A_341, %dma_start3A_345] : memref<8x10x20xi32, #tpu.memory_space<vmem>> -> memref<1x1x20xi32, #tpu.memory_space<vmem>>
      %dma_start3A_347 = tpu.memref_squeeze %dma_start3A_346 : memref<1x1x20xi32, #tpu.memory_space<vmem>> -> memref<20xi32, #tpu.memory_space<vmem>>
      %dma_start3A_348 = arith.constant 0 : i32
      %dma_start3A_349 = arith.constant 0 : i32
      %dma_start3A_350 = tpu.memref_slice %arg3[%dma_start3A_348, %dma_start3A_349] : memref<1000000x32xf32, #tpu.memory_space<hbm>> -> memref<1000000x32xf32, #tpu.memory_space<hbm>>
      tpu.enqueue_indirect_dma source(%dma_start3A_350 : memref<1000000x32xf32, #tpu.memory_space<hbm>>) target(%dma_start3A_344 : memref<20x32xf32, #tpu.memory_space<vmem>>) offsets(%dma_start3A_347 : memref<20xi32, #tpu.memory_space<vmem>>) semaphore(%arg7 : memref<!tpu.dma_semaphore, #tpu.memory_space<semaphore_mem>>) {add = true}
      %dma_start3A_351 = arith.constant 1 : i32
      %dma_start3A_352 = arith.constant 7 : i32
      %dma_start3A_353 = arith.constant 20 : i32
      %dma_start3A_354 = arith.constant 0 : i32
      %dma_start3A_355 = tpu.memref_slice %arg6[%dma_start3A_353, %dma_start3A_354] : memref<160x32xf32, #tpu.memory_space<vmem>> -> memref<20x32xf32, #tpu.memory_space<vmem>>
      %dma_start3A_356 = arith.constant 0 : i32
      %dma_start3A_357 = tpu.memref_slice %arg5[%dma_start3A_351, %dma_start3A_352, %dma_start3A_356] : memref<8x10x20xi32, #tpu.memory_space<vmem>> -> memref<1x1x20xi32, #tpu.memory_space<vmem>>
      %dma_start3A_358 = tpu.memref_squeeze %dma_start3A_357 : memref<1x1x20xi32, #tpu.memory_space<vmem>> -> memref<20xi32, #tpu.memory_space<vmem>>
      %dma_start3A_359 = arith.constant 0 : i32
      %dma_start3A_360 = arith.constant 0 : i32
      %dma_start3A_361 = tpu.memref_slice %arg3[%dma_start3A_359, %dma_start3A_360] : memref<1000000x32xf32, #tpu.memory_space<hbm>> -> memref<1000000x32xf32, #tpu.memory_space<hbm>>
      tpu.enqueue_indirect_dma source(%dma_start3A_361 : memref<1000000x32xf32, #tpu.memory_space<hbm>>) target(%dma_start3A_355 : memref<20x32xf32, #tpu.memory_space<vmem>>) offsets(%dma_start3A_358 : memref<20xi32, #tpu.memory_space<vmem>>) semaphore(%arg7 : memref<!tpu.dma_semaphore, #tpu.memory_space<semaphore_mem>>) {add = true}
      %dma_start3A_362 = arith.constant 1 : i32
      %dma_start3A_363 = arith.constant 8 : i32
      %dma_start3A_364 = arith.constant 20 : i32
      %dma_start3A_365 = arith.constant 0 : i32
      %dma_start3A_366 = tpu.memref_slice %arg6[%dma_start3A_364, %dma_start3A_365] : memref<160x32xf32, #tpu.memory_space<vmem>> -> memref<20x32xf32, #tpu.memory_space<vmem>>
      %dma_start3A_367 = arith.constant 0 : i32
      %dma_start3A_368 = tpu.memref_slice %arg5[%dma_start3A_362, %dma_start3A_363, %dma_start3A_367] : memref<8x10x20xi32, #tpu.memory_space<vmem>> -> memref<1x1x20xi32, #tpu.memory_space<vmem>>
      %dma_start3A_369 = tpu.memref_squeeze %dma_start3A_368 : memref<1x1x20xi32, #tpu.memory_space<vmem>> -> memref<20xi32, #tpu.memory_space<vmem>>
      %dma_start3A_370 = arith.constant 0 : i32
      %dma_start3A_371 = arith.constant 0 : i32
      %dma_start3A_372 = tpu.memref_slice %arg3[%dma_start3A_370, %dma_start3A_371] : memref<1000000x32xf32, #tpu.memory_space<hbm>> -> memref<1000000x32xf32, #tpu.memory_space<hbm>>
      tpu.enqueue_indirect_dma source(%dma_start3A_372 : memref<1000000x32xf32, #tpu.memory_space<hbm>>) target(%dma_start3A_366 : memref<20x32xf32, #tpu.memory_space<vmem>>) offsets(%dma_start3A_369 : memref<20xi32, #tpu.memory_space<vmem>>) semaphore(%arg7 : memref<!tpu.dma_semaphore, #tpu.memory_space<semaphore_mem>>) {add = true}
      %dma_start3A_373 = arith.constant 1 : i32
      %dma_start3A_374 = arith.constant 9 : i32
      %dma_start3A_375 = arith.constant 20 : i32
      %dma_start3A_376 = arith.constant 0 : i32
      %dma_start3A_377 = tpu.memref_slice %arg6[%dma_start3A_375, %dma_start3A_376] : memref<160x32xf32, #tpu.memory_space<vmem>> -> memref<20x32xf32, #tpu.memory_space<vmem>>
      %dma_start3A_378 = arith.constant 0 : i32
      %dma_start3A_379 = tpu.memref_slice %arg5[%dma_start3A_373, %dma_start3A_374, %dma_start3A_378] : memref<8x10x20xi32, #tpu.memory_space<vmem>> -> memref<1x1x20xi32, #tpu.memory_space<vmem>>
      %dma_start3A_380 = tpu.memref_squeeze %dma_start3A_379 : memref<1x1x20xi32, #tpu.memory_space<vmem>> -> memref<20xi32, #tpu.memory_space<vmem>>
      %dma_start3A_381 = arith.constant 0 : i32
      %dma_start3A_382 = arith.constant 0 : i32
      %dma_start3A_383 = tpu.memref_slice %arg3[%dma_start3A_381, %dma_start3A_382] : memref<1000000x32xf32, #tpu.memory_space<hbm>> -> memref<1000000x32xf32, #tpu.memory_space<hbm>>
      tpu.enqueue_indirect_dma source(%dma_start3A_383 : memref<1000000x32xf32, #tpu.memory_space<hbm>>) target(%dma_start3A_377 : memref<20x32xf32, #tpu.memory_space<vmem>>) offsets(%dma_start3A_380 : memref<20xi32, #tpu.memory_space<vmem>>) semaphore(%arg7 : memref<!tpu.dma_semaphore, #tpu.memory_space<semaphore_mem>>) {add = true}
      %dma_start3A_384 = arith.constant 2 : i32
      %dma_start3A_385 = arith.constant 1 : i32
      %dma_start3A_386 = arith.constant 40 : i32
      %dma_start3A_387 = arith.constant 0 : i32
      %dma_start3A_388 = tpu.memref_slice %arg6[%dma_start3A_386, %dma_start3A_387] : memref<160x32xf32, #tpu.memory_space<vmem>> -> memref<20x32xf32, #tpu.memory_space<vmem>>
      %dma_start3A_389 = arith.constant 0 : i32
      %dma_start3A_390 = tpu.memref_slice %arg5[%dma_start3A_384, %dma_start3A_385, %dma_start3A_389] : memref<8x10x20xi32, #tpu.memory_space<vmem>> -> memref<1x1x20xi32, #tpu.memory_space<vmem>>
      %dma_start3A_391 = tpu.memref_squeeze %dma_start3A_390 : memref<1x1x20xi32, #tpu.memory_space<vmem>> -> memref<20xi32, #tpu.memory_space<vmem>>
      %dma_start3A_392 = arith.constant 0 : i32
      %dma_start3A_393 = arith.constant 0 : i32
      %dma_start3A_394 = tpu.memref_slice %arg3[%dma_start3A_392, %dma_start3A_393] : memref<1000000x32xf32, #tpu.memory_space<hbm>> -> memref<1000000x32xf32, #tpu.memory_space<hbm>>
      tpu.enqueue_indirect_dma source(%dma_start3A_394 : memref<1000000x32xf32, #tpu.memory_space<hbm>>) target(%dma_start3A_388 : memref<20x32xf32, #tpu.memory_space<vmem>>) offsets(%dma_start3A_391 : memref<20xi32, #tpu.memory_space<vmem>>) semaphore(%arg7 : memref<!tpu.dma_semaphore, #tpu.memory_space<semaphore_mem>>) {add = true}
      %dma_start3A_395 = arith.constant 2 : i32
      %dma_start3A_396 = arith.constant 2 : i32
      %dma_start3A_397 = arith.constant 40 : i32
      %dma_start3A_398 = arith.constant 0 : i32
      %dma_start3A_399 = tpu.memref_slice %arg6[%dma_start3A_397, %dma_start3A_398] : memref<160x32xf32, #tpu.memory_space<vmem>> -> memref<20x32xf32, #tpu.memory_space<vmem>>
      %dma_start3A_400 = arith.constant 0 : i32
      %dma_start3A_401 = tpu.memref_slice %arg5[%dma_start3A_395, %dma_start3A_396, %dma_start3A_400] : memref<8x10x20xi32, #tpu.memory_space<vmem>> -> memref<1x1x20xi32, #tpu.memory_space<vmem>>
      %dma_start3A_402 = tpu.memref_squeeze %dma_start3A_401 : memref<1x1x20xi32, #tpu.memory_space<vmem>> -> memref<20xi32, #tpu.memory_space<vmem>>
      %dma_start3A_403 = arith.constant 0 : i32
      %dma_start3A_404 = arith.constant 0 : i32
      %dma_start3A_405 = tpu.memref_slice %arg3[%dma_start3A_403, %dma_start3A_404] : memref<1000000x32xf32, #tpu.memory_space<hbm>> -> memref<1000000x32xf32, #tpu.memory_space<hbm>>
      tpu.enqueue_indirect_dma source(%dma_start3A_405 : memref<1000000x32xf32, #tpu.memory_space<hbm>>) target(%dma_start3A_399 : memref<20x32xf32, #tpu.memory_space<vmem>>) offsets(%dma_start3A_402 : memref<20xi32, #tpu.memory_space<vmem>>) semaphore(%arg7 : memref<!tpu.dma_semaphore, #tpu.memory_space<semaphore_mem>>) {add = true}
      %dma_start3A_406 = arith.constant 2 : i32
      %dma_start3A_407 = arith.constant 3 : i32
      %dma_start3A_408 = arith.constant 40 : i32
      %dma_start3A_409 = arith.constant 0 : i32
      %dma_start3A_410 = tpu.memref_slice %arg6[%dma_start3A_408, %dma_start3A_409] : memref<160x32xf32, #tpu.memory_space<vmem>> -> memref<20x32xf32, #tpu.memory_space<vmem>>
      %dma_start3A_411 = arith.constant 0 : i32
      %dma_start3A_412 = tpu.memref_slice %arg5[%dma_start3A_406, %dma_start3A_407, %dma_start3A_411] : memref<8x10x20xi32, #tpu.memory_space<vmem>> -> memref<1x1x20xi32, #tpu.memory_space<vmem>>
      %dma_start3A_413 = tpu.memref_squeeze %dma_start3A_412 : memref<1x1x20xi32, #tpu.memory_space<vmem>> -> memref<20xi32, #tpu.memory_space<vmem>>
      %dma_start3A_414 = arith.constant 0 : i32
      %dma_start3A_415 = arith.constant 0 : i32
      %dma_start3A_416 = tpu.memref_slice %arg3[%dma_start3A_414, %dma_start3A_415] : memref<1000000x32xf32, #tpu.memory_space<hbm>> -> memref<1000000x32xf32, #tpu.memory_space<hbm>>
      tpu.enqueue_indirect_dma source(%dma_start3A_416 : memref<1000000x32xf32, #tpu.memory_space<hbm>>) target(%dma_start3A_410 : memref<20x32xf32, #tpu.memory_space<vmem>>) offsets(%dma_start3A_413 : memref<20xi32, #tpu.memory_space<vmem>>) semaphore(%arg7 : memref<!tpu.dma_semaphore, #tpu.memory_space<semaphore_mem>>) {add = true}
      %dma_start3A_417 = arith.constant 2 : i32
      %dma_start3A_418 = arith.constant 4 : i32
      %dma_start3A_419 = arith.constant 40 : i32
      %dma_start3A_420 = arith.constant 0 : i32
      %dma_start3A_421 = tpu.memref_slice %arg6[%dma_start3A_419, %dma_start3A_420] : memref<160x32xf32, #tpu.memory_space<vmem>> -> memref<20x32xf32, #tpu.memory_space<vmem>>
      %dma_start3A_422 = arith.constant 0 : i32
      %dma_start3A_423 = tpu.memref_slice %arg5[%dma_start3A_417, %dma_start3A_418, %dma_start3A_422] : memref<8x10x20xi32, #tpu.memory_space<vmem>> -> memref<1x1x20xi32, #tpu.memory_space<vmem>>
      %dma_start3A_424 = tpu.memref_squeeze %dma_start3A_423 : memref<1x1x20xi32, #tpu.memory_space<vmem>> -> memref<20xi32, #tpu.memory_space<vmem>>
      %dma_start3A_425 = arith.constant 0 : i32
      %dma_start3A_426 = arith.constant 0 : i32
      %dma_start3A_427 = tpu.memref_slice %arg3[%dma_start3A_425, %dma_start3A_426] : memref<1000000x32xf32, #tpu.memory_space<hbm>> -> memref<1000000x32xf32, #tpu.memory_space<hbm>>
      tpu.enqueue_indirect_dma source(%dma_start3A_427 : memref<1000000x32xf32, #tpu.memory_space<hbm>>) target(%dma_start3A_421 : memref<20x32xf32, #tpu.memory_space<vmem>>) offsets(%dma_start3A_424 : memref<20xi32, #tpu.memory_space<vmem>>) semaphore(%arg7 : memref<!tpu.dma_semaphore, #tpu.memory_space<semaphore_mem>>) {add = true}
      %dma_start3A_428 = arith.constant 2 : i32
      %dma_start3A_429 = arith.constant 5 : i32
      %dma_start3A_430 = arith.constant 40 : i32
      %dma_start3A_431 = arith.constant 0 : i32
      %dma_start3A_432 = tpu.memref_slice %arg6[%dma_start3A_430, %dma_start3A_431] : memref<160x32xf32, #tpu.memory_space<vmem>> -> memref<20x32xf32, #tpu.memory_space<vmem>>
      %dma_start3A_433 = arith.constant 0 : i32
      %dma_start3A_434 = tpu.memref_slice %arg5[%dma_start3A_428, %dma_start3A_429, %dma_start3A_433] : memref<8x10x20xi32, #tpu.memory_space<vmem>> -> memref<1x1x20xi32, #tpu.memory_space<vmem>>
      %dma_start3A_435 = tpu.memref_squeeze %dma_start3A_434 : memref<1x1x20xi32, #tpu.memory_space<vmem>> -> memref<20xi32, #tpu.memory_space<vmem>>
      %dma_start3A_436 = arith.constant 0 : i32
      %dma_start3A_437 = arith.constant 0 : i32
      %dma_start3A_438 = tpu.memref_slice %arg3[%dma_start3A_436, %dma_start3A_437] : memref<1000000x32xf32, #tpu.memory_space<hbm>> -> memref<1000000x32xf32, #tpu.memory_space<hbm>>
      tpu.enqueue_indirect_dma source(%dma_start3A_438 : memref<1000000x32xf32, #tpu.memory_space<hbm>>) target(%dma_start3A_432 : memref<20x32xf32, #tpu.memory_space<vmem>>) offsets(%dma_start3A_435 : memref<20xi32, #tpu.memory_space<vmem>>) semaphore(%arg7 : memref<!tpu.dma_semaphore, #tpu.memory_space<semaphore_mem>>) {add = true}
      %dma_start3A_439 = arith.constant 2 : i32
      %dma_start3A_440 = arith.constant 6 : i32
      %dma_start3A_441 = arith.constant 40 : i32
      %dma_start3A_442 = arith.constant 0 : i32
      %dma_start3A_443 = tpu.memref_slice %arg6[%dma_start3A_441, %dma_start3A_442] : memref<160x32xf32, #tpu.memory_space<vmem>> -> memref<20x32xf32, #tpu.memory_space<vmem>>
      %dma_start3A_444 = arith.constant 0 : i32
      %dma_start3A_445 = tpu.memref_slice %arg5[%dma_start3A_439, %dma_start3A_440, %dma_start3A_444] : memref<8x10x20xi32, #tpu.memory_space<vmem>> -> memref<1x1x20xi32, #tpu.memory_space<vmem>>
      %dma_start3A_446 = tpu.memref_squeeze %dma_start3A_445 : memref<1x1x20xi32, #tpu.memory_space<vmem>> -> memref<20xi32, #tpu.memory_space<vmem>>
      %dma_start3A_447 = arith.constant 0 : i32
      %dma_start3A_448 = arith.constant 0 : i32
      %dma_start3A_449 = tpu.memref_slice %arg3[%dma_start3A_447, %dma_start3A_448] : memref<1000000x32xf32, #tpu.memory_space<hbm>> -> memref<1000000x32xf32, #tpu.memory_space<hbm>>
      tpu.enqueue_indirect_dma source(%dma_start3A_449 : memref<1000000x32xf32, #tpu.memory_space<hbm>>) target(%dma_start3A_443 : memref<20x32xf32, #tpu.memory_space<vmem>>) offsets(%dma_start3A_446 : memref<20xi32, #tpu.memory_space<vmem>>) semaphore(%arg7 : memref<!tpu.dma_semaphore, #tpu.memory_space<semaphore_mem>>) {add = true}
      %dma_start3A_450 = arith.constant 2 : i32
      %dma_start3A_451 = arith.constant 7 : i32
      %dma_start3A_452 = arith.constant 40 : i32
      %dma_start3A_453 = arith.constant 0 : i32
      %dma_start3A_454 = tpu.memref_slice %arg6[%dma_start3A_452, %dma_start3A_453] : memref<160x32xf32, #tpu.memory_space<vmem>> -> memref<20x32xf32, #tpu.memory_space<vmem>>
      %dma_start3A_455 = arith.constant 0 : i32
      %dma_start3A_456 = tpu.memref_slice %arg5[%dma_start3A_450, %dma_start3A_451, %dma_start3A_455] : memref<8x10x20xi32, #tpu.memory_space<vmem>> -> memref<1x1x20xi32, #tpu.memory_space<vmem>>
      %dma_start3A_457 = tpu.memref_squeeze %dma_start3A_456 : memref<1x1x20xi32, #tpu.memory_space<vmem>> -> memref<20xi32, #tpu.memory_space<vmem>>
      %dma_start3A_458 = arith.constant 0 : i32
      %dma_start3A_459 = arith.constant 0 : i32
      %dma_start3A_460 = tpu.memref_slice %arg3[%dma_start3A_458, %dma_start3A_459] : memref<1000000x32xf32, #tpu.memory_space<hbm>> -> memref<1000000x32xf32, #tpu.memory_space<hbm>>
      tpu.enqueue_indirect_dma source(%dma_start3A_460 : memref<1000000x32xf32, #tpu.memory_space<hbm>>) target(%dma_start3A_454 : memref<20x32xf32, #tpu.memory_space<vmem>>) offsets(%dma_start3A_457 : memref<20xi32, #tpu.memory_space<vmem>>) semaphore(%arg7 : memref<!tpu.dma_semaphore, #tpu.memory_space<semaphore_mem>>) {add = true}
      %dma_start3A_461 = arith.constant 2 : i32
      %dma_start3A_462 = arith.constant 8 : i32
      %dma_start3A_463 = arith.constant 40 : i32
      %dma_start3A_464 = arith.constant 0 : i32
      %dma_start3A_465 = tpu.memref_slice %arg6[%dma_start3A_463, %dma_start3A_464] : memref<160x32xf32, #tpu.memory_space<vmem>> -> memref<20x32xf32, #tpu.memory_space<vmem>>
      %dma_start3A_466 = arith.constant 0 : i32
      %dma_start3A_467 = tpu.memref_slice %arg5[%dma_start3A_461, %dma_start3A_462, %dma_start3A_466] : memref<8x10x20xi32, #tpu.memory_space<vmem>> -> memref<1x1x20xi32, #tpu.memory_space<vmem>>
      %dma_start3A_468 = tpu.memref_squeeze %dma_start3A_467 : memref<1x1x20xi32, #tpu.memory_space<vmem>> -> memref<20xi32, #tpu.memory_space<vmem>>
      %dma_start3A_469 = arith.constant 0 : i32
      %dma_start3A_470 = arith.constant 0 : i32
      %dma_start3A_471 = tpu.memref_slice %arg3[%dma_start3A_469, %dma_start3A_470] : memref<1000000x32xf32, #tpu.memory_space<hbm>> -> memref<1000000x32xf32, #tpu.memory_space<hbm>>
      tpu.enqueue_indirect_dma source(%dma_start3A_471 : memref<1000000x32xf32, #tpu.memory_space<hbm>>) target(%dma_start3A_465 : memref<20x32xf32, #tpu.memory_space<vmem>>) offsets(%dma_start3A_468 : memref<20xi32, #tpu.memory_space<vmem>>) semaphore(%arg7 : memref<!tpu.dma_semaphore, #tpu.memory_space<semaphore_mem>>) {add = true}
      %dma_start3A_472 = arith.constant 2 : i32
      %dma_start3A_473 = arith.constant 9 : i32
      %dma_start3A_474 = arith.constant 40 : i32
      %dma_start3A_475 = arith.constant 0 : i32
      %dma_start3A_476 = tpu.memref_slice %arg6[%dma_start3A_474, %dma_start3A_475] : memref<160x32xf32, #tpu.memory_space<vmem>> -> memref<20x32xf32, #tpu.memory_space<vmem>>
      %dma_start3A_477 = arith.constant 0 : i32
      %dma_start3A_478 = tpu.memref_slice %arg5[%dma_start3A_472, %dma_start3A_473, %dma_start3A_477] : memref<8x10x20xi32, #tpu.memory_space<vmem>> -> memref<1x1x20xi32, #tpu.memory_space<vmem>>
      %dma_start3A_479 = tpu.memref_squeeze %dma_start3A_478 : memref<1x1x20xi32, #tpu.memory_space<vmem>> -> memref<20xi32, #tpu.memory_space<vmem>>
      %dma_start3A_480 = arith.constant 0 : i32
      %dma_start3A_481 = arith.constant 0 : i32
      %dma_start3A_482 = tpu.memref_slice %arg3[%dma_start3A_480, %dma_start3A_481] : memref<1000000x32xf32, #tpu.memory_space<hbm>> -> memref<1000000x32xf32, #tpu.memory_space<hbm>>
      tpu.enqueue_indirect_dma source(%dma_start3A_482 : memref<1000000x32xf32, #tpu.memory_space<hbm>>) target(%dma_start3A_476 : memref<20x32xf32, #tpu.memory_space<vmem>>) offsets(%dma_start3A_479 : memref<20xi32, #tpu.memory_space<vmem>>) semaphore(%arg7 : memref<!tpu.dma_semaphore, #tpu.memory_space<semaphore_mem>>) {add = true}
      %dma_start3A_483 = arith.constant 3 : i32
      %dma_start3A_484 = arith.constant 1 : i32
      %dma_start3A_485 = arith.constant 60 : i32
      %dma_start3A_486 = arith.constant 0 : i32
      %dma_start3A_487 = tpu.memref_slice %arg6[%dma_start3A_485, %dma_start3A_486] : memref<160x32xf32, #tpu.memory_space<vmem>> -> memref<20x32xf32, #tpu.memory_space<vmem>>
      %dma_start3A_488 = arith.constant 0 : i32
      %dma_start3A_489 = tpu.memref_slice %arg5[%dma_start3A_483, %dma_start3A_484, %dma_start3A_488] : memref<8x10x20xi32, #tpu.memory_space<vmem>> -> memref<1x1x20xi32, #tpu.memory_space<vmem>>
      %dma_start3A_490 = tpu.memref_squeeze %dma_start3A_489 : memref<1x1x20xi32, #tpu.memory_space<vmem>> -> memref<20xi32, #tpu.memory_space<vmem>>
      %dma_start3A_491 = arith.constant 0 : i32
      %dma_start3A_492 = arith.constant 0 : i32
      %dma_start3A_493 = tpu.memref_slice %arg3[%dma_start3A_491, %dma_start3A_492] : memref<1000000x32xf32, #tpu.memory_space<hbm>> -> memref<1000000x32xf32, #tpu.memory_space<hbm>>
      tpu.enqueue_indirect_dma source(%dma_start3A_493 : memref<1000000x32xf32, #tpu.memory_space<hbm>>) target(%dma_start3A_487 : memref<20x32xf32, #tpu.memory_space<vmem>>) offsets(%dma_start3A_490 : memref<20xi32, #tpu.memory_space<vmem>>) semaphore(%arg7 : memref<!tpu.dma_semaphore, #tpu.memory_space<semaphore_mem>>) {add = true}
      %dma_start3A_494 = arith.constant 3 : i32
      %dma_start3A_495 = arith.constant 2 : i32
      %dma_start3A_496 = arith.constant 60 : i32
      %dma_start3A_497 = arith.constant 0 : i32
      %dma_start3A_498 = tpu.memref_slice %arg6[%dma_start3A_496, %dma_start3A_497] : memref<160x32xf32, #tpu.memory_space<vmem>> -> memref<20x32xf32, #tpu.memory_space<vmem>>
      %dma_start3A_499 = arith.constant 0 : i32
      %dma_start3A_500 = tpu.memref_slice %arg5[%dma_start3A_494, %dma_start3A_495, %dma_start3A_499] : memref<8x10x20xi32, #tpu.memory_space<vmem>> -> memref<1x1x20xi32, #tpu.memory_space<vmem>>
      %dma_start3A_501 = tpu.memref_squeeze %dma_start3A_500 : memref<1x1x20xi32, #tpu.memory_space<vmem>> -> memref<20xi32, #tpu.memory_space<vmem>>
      %dma_start3A_502 = arith.constant 0 : i32
      %dma_start3A_503 = arith.constant 0 : i32
      %dma_start3A_504 = tpu.memref_slice %arg3[%dma_start3A_502, %dma_start3A_503] : memref<1000000x32xf32, #tpu.memory_space<hbm>> -> memref<1000000x32xf32, #tpu.memory_space<hbm>>
      tpu.enqueue_indirect_dma source(%dma_start3A_504 : memref<1000000x32xf32, #tpu.memory_space<hbm>>) target(%dma_start3A_498 : memref<20x32xf32, #tpu.memory_space<vmem>>) offsets(%dma_start3A_501 : memref<20xi32, #tpu.memory_space<vmem>>) semaphore(%arg7 : memref<!tpu.dma_semaphore, #tpu.memory_space<semaphore_mem>>) {add = true}
      %dma_start3A_505 = arith.constant 3 : i32
      %dma_start3A_506 = arith.constant 3 : i32
      %dma_start3A_507 = arith.constant 60 : i32
      %dma_start3A_508 = arith.constant 0 : i32
      %dma_start3A_509 = tpu.memref_slice %arg6[%dma_start3A_507, %dma_start3A_508] : memref<160x32xf32, #tpu.memory_space<vmem>> -> memref<20x32xf32, #tpu.memory_space<vmem>>
      %dma_start3A_510 = arith.constant 0 : i32
      %dma_start3A_511 = tpu.memref_slice %arg5[%dma_start3A_505, %dma_start3A_506, %dma_start3A_510] : memref<8x10x20xi32, #tpu.memory_space<vmem>> -> memref<1x1x20xi32, #tpu.memory_space<vmem>>
      %dma_start3A_512 = tpu.memref_squeeze %dma_start3A_511 : memref<1x1x20xi32, #tpu.memory_space<vmem>> -> memref<20xi32, #tpu.memory_space<vmem>>
      %dma_start3A_513 = arith.constant 0 : i32
      %dma_start3A_514 = arith.constant 0 : i32
      %dma_start3A_515 = tpu.memref_slice %arg3[%dma_start3A_513, %dma_start3A_514] : memref<1000000x32xf32, #tpu.memory_space<hbm>> -> memref<1000000x32xf32, #tpu.memory_space<hbm>>
      tpu.enqueue_indirect_dma source(%dma_start3A_515 : memref<1000000x32xf32, #tpu.memory_space<hbm>>) target(%dma_start3A_509 : memref<20x32xf32, #tpu.memory_space<vmem>>) offsets(%dma_start3A_512 : memref<20xi32, #tpu.memory_space<vmem>>) semaphore(%arg7 : memref<!tpu.dma_semaphore, #tpu.memory_space<semaphore_mem>>) {add = true}
      %dma_start3A_516 = arith.constant 3 : i32
      %dma_start3A_517 = arith.constant 4 : i32
      %dma_start3A_518 = arith.constant 60 : i32
      %dma_start3A_519 = arith.constant 0 : i32
      %dma_start3A_520 = tpu.memref_slice %arg6[%dma_start3A_518, %dma_start3A_519] : memref<160x32xf32, #tpu.memory_space<vmem>> -> memref<20x32xf32, #tpu.memory_space<vmem>>
      %dma_start3A_521 = arith.constant 0 : i32
      %dma_start3A_522 = tpu.memref_slice %arg5[%dma_start3A_516, %dma_start3A_517, %dma_start3A_521] : memref<8x10x20xi32, #tpu.memory_space<vmem>> -> memref<1x1x20xi32, #tpu.memory_space<vmem>>
      %dma_start3A_523 = tpu.memref_squeeze %dma_start3A_522 : memref<1x1x20xi32, #tpu.memory_space<vmem>> -> memref<20xi32, #tpu.memory_space<vmem>>
      %dma_start3A_524 = arith.constant 0 : i32
      %dma_start3A_525 = arith.constant 0 : i32
      %dma_start3A_526 = tpu.memref_slice %arg3[%dma_start3A_524, %dma_start3A_525] : memref<1000000x32xf32, #tpu.memory_space<hbm>> -> memref<1000000x32xf32, #tpu.memory_space<hbm>>
      tpu.enqueue_indirect_dma source(%dma_start3A_526 : memref<1000000x32xf32, #tpu.memory_space<hbm>>) target(%dma_start3A_520 : memref<20x32xf32, #tpu.memory_space<vmem>>) offsets(%dma_start3A_523 : memref<20xi32, #tpu.memory_space<vmem>>) semaphore(%arg7 : memref<!tpu.dma_semaphore, #tpu.memory_space<semaphore_mem>>) {add = true}
      %dma_start3A_527 = arith.constant 3 : i32
      %dma_start3A_528 = arith.constant 5 : i32
      %dma_start3A_529 = arith.constant 60 : i32
      %dma_start3A_530 = arith.constant 0 : i32
      %dma_start3A_531 = tpu.memref_slice %arg6[%dma_start3A_529, %dma_start3A_530] : memref<160x32xf32, #tpu.memory_space<vmem>> -> memref<20x32xf32, #tpu.memory_space<vmem>>
      %dma_start3A_532 = arith.constant 0 : i32
      %dma_start3A_533 = tpu.memref_slice %arg5[%dma_start3A_527, %dma_start3A_528, %dma_start3A_532] : memref<8x10x20xi32, #tpu.memory_space<vmem>> -> memref<1x1x20xi32, #tpu.memory_space<vmem>>
      %dma_start3A_534 = tpu.memref_squeeze %dma_start3A_533 : memref<1x1x20xi32, #tpu.memory_space<vmem>> -> memref<20xi32, #tpu.memory_space<vmem>>
      %dma_start3A_535 = arith.constant 0 : i32
      %dma_start3A_536 = arith.constant 0 : i32
      %dma_start3A_537 = tpu.memref_slice %arg3[%dma_start3A_535, %dma_start3A_536] : memref<1000000x32xf32, #tpu.memory_space<hbm>> -> memref<1000000x32xf32, #tpu.memory_space<hbm>>
      tpu.enqueue_indirect_dma source(%dma_start3A_537 : memref<1000000x32xf32, #tpu.memory_space<hbm>>) target(%dma_start3A_531 : memref<20x32xf32, #tpu.memory_space<vmem>>) offsets(%dma_start3A_534 : memref<20xi32, #tpu.memory_space<vmem>>) semaphore(%arg7 : memref<!tpu.dma_semaphore, #tpu.memory_space<semaphore_mem>>) {add = true}
      %dma_start3A_538 = arith.constant 3 : i32
      %dma_start3A_539 = arith.constant 6 : i32
      %dma_start3A_540 = arith.constant 60 : i32
      %dma_start3A_541 = arith.constant 0 : i32
      %dma_start3A_542 = tpu.memref_slice %arg6[%dma_start3A_540, %dma_start3A_541] : memref<160x32xf32, #tpu.memory_space<vmem>> -> memref<20x32xf32, #tpu.memory_space<vmem>>
      %dma_start3A_543 = arith.constant 0 : i32
      %dma_start3A_544 = tpu.memref_slice %arg5[%dma_start3A_538, %dma_start3A_539, %dma_start3A_543] : memref<8x10x20xi32, #tpu.memory_space<vmem>> -> memref<1x1x20xi32, #tpu.memory_space<vmem>>
      %dma_start3A_545 = tpu.memref_squeeze %dma_start3A_544 : memref<1x1x20xi32, #tpu.memory_space<vmem>> -> memref<20xi32, #tpu.memory_space<vmem>>
      %dma_start3A_546 = arith.constant 0 : i32
      %dma_start3A_547 = arith.constant 0 : i32
      %dma_start3A_548 = tpu.memref_slice %arg3[%dma_start3A_546, %dma_start3A_547] : memref<1000000x32xf32, #tpu.memory_space<hbm>> -> memref<1000000x32xf32, #tpu.memory_space<hbm>>
      tpu.enqueue_indirect_dma source(%dma_start3A_548 : memref<1000000x32xf32, #tpu.memory_space<hbm>>) target(%dma_start3A_542 : memref<20x32xf32, #tpu.memory_space<vmem>>) offsets(%dma_start3A_545 : memref<20xi32, #tpu.memory_space<vmem>>) semaphore(%arg7 : memref<!tpu.dma_semaphore, #tpu.memory_space<semaphore_mem>>) {add = true}
      %dma_start3A_549 = arith.constant 3 : i32
      %dma_start3A_550 = arith.constant 7 : i32
      %dma_start3A_551 = arith.constant 60 : i32
      %dma_start3A_552 = arith.constant 0 : i32
      %dma_start3A_553 = tpu.memref_slice %arg6[%dma_start3A_551, %dma_start3A_552] : memref<160x32xf32, #tpu.memory_space<vmem>> -> memref<20x32xf32, #tpu.memory_space<vmem>>
      %dma_start3A_554 = arith.constant 0 : i32
      %dma_start3A_555 = tpu.memref_slice %arg5[%dma_start3A_549, %dma_start3A_550, %dma_start3A_554] : memref<8x10x20xi32, #tpu.memory_space<vmem>> -> memref<1x1x20xi32, #tpu.memory_space<vmem>>
      %dma_start3A_556 = tpu.memref_squeeze %dma_start3A_555 : memref<1x1x20xi32, #tpu.memory_space<vmem>> -> memref<20xi32, #tpu.memory_space<vmem>>
      %dma_start3A_557 = arith.constant 0 : i32
      %dma_start3A_558 = arith.constant 0 : i32
      %dma_start3A_559 = tpu.memref_slice %arg3[%dma_start3A_557, %dma_start3A_558] : memref<1000000x32xf32, #tpu.memory_space<hbm>> -> memref<1000000x32xf32, #tpu.memory_space<hbm>>
      tpu.enqueue_indirect_dma source(%dma_start3A_559 : memref<1000000x32xf32, #tpu.memory_space<hbm>>) target(%dma_start3A_553 : memref<20x32xf32, #tpu.memory_space<vmem>>) offsets(%dma_start3A_556 : memref<20xi32, #tpu.memory_space<vmem>>) semaphore(%arg7 : memref<!tpu.dma_semaphore, #tpu.memory_space<semaphore_mem>>) {add = true}
      %dma_start3A_560 = arith.constant 3 : i32
      %dma_start3A_561 = arith.constant 8 : i32
      %dma_start3A_562 = arith.constant 60 : i32
      %dma_start3A_563 = arith.constant 0 : i32
      %dma_start3A_564 = tpu.memref_slice %arg6[%dma_start3A_562, %dma_start3A_563] : memref<160x32xf32, #tpu.memory_space<vmem>> -> memref<20x32xf32, #tpu.memory_space<vmem>>
      %dma_start3A_565 = arith.constant 0 : i32
      %dma_start3A_566 = tpu.memref_slice %arg5[%dma_start3A_560, %dma_start3A_561, %dma_start3A_565] : memref<8x10x20xi32, #tpu.memory_space<vmem>> -> memref<1x1x20xi32, #tpu.memory_space<vmem>>
      %dma_start3A_567 = tpu.memref_squeeze %dma_start3A_566 : memref<1x1x20xi32, #tpu.memory_space<vmem>> -> memref<20xi32, #tpu.memory_space<vmem>>
      %dma_start3A_568 = arith.constant 0 : i32
      %dma_start3A_569 = arith.constant 0 : i32
      %dma_start3A_570 = tpu.memref_slice %arg3[%dma_start3A_568, %dma_start3A_569] : memref<1000000x32xf32, #tpu.memory_space<hbm>> -> memref<1000000x32xf32, #tpu.memory_space<hbm>>
      tpu.enqueue_indirect_dma source(%dma_start3A_570 : memref<1000000x32xf32, #tpu.memory_space<hbm>>) target(%dma_start3A_564 : memref<20x32xf32, #tpu.memory_space<vmem>>) offsets(%dma_start3A_567 : memref<20xi32, #tpu.memory_space<vmem>>) semaphore(%arg7 : memref<!tpu.dma_semaphore, #tpu.memory_space<semaphore_mem>>) {add = true}
      %dma_start3A_571 = arith.constant 3 : i32
      %dma_start3A_572 = arith.constant 9 : i32
      %dma_start3A_573 = arith.constant 60 : i32
      %dma_start3A_574 = arith.constant 0 : i32
      %dma_start3A_575 = tpu.memref_slice %arg6[%dma_start3A_573, %dma_start3A_574] : memref<160x32xf32, #tpu.memory_space<vmem>> -> memref<20x32xf32, #tpu.memory_space<vmem>>
      %dma_start3A_576 = arith.constant 0 : i32
      %dma_start3A_577 = tpu.memref_slice %arg5[%dma_start3A_571, %dma_start3A_572, %dma_start3A_576] : memref<8x10x20xi32, #tpu.memory_space<vmem>> -> memref<1x1x20xi32, #tpu.memory_space<vmem>>
      %dma_start3A_578 = tpu.memref_squeeze %dma_start3A_577 : memref<1x1x20xi32, #tpu.memory_space<vmem>> -> memref<20xi32, #tpu.memory_space<vmem>>
      %dma_start3A_579 = arith.constant 0 : i32
      %dma_start3A_580 = arith.constant 0 : i32
      %dma_start3A_581 = tpu.memref_slice %arg3[%dma_start3A_579, %dma_start3A_580] : memref<1000000x32xf32, #tpu.memory_space<hbm>> -> memref<1000000x32xf32, #tpu.memory_space<hbm>>
      tpu.enqueue_indirect_dma source(%dma_start3A_581 : memref<1000000x32xf32, #tpu.memory_space<hbm>>) target(%dma_start3A_575 : memref<20x32xf32, #tpu.memory_space<vmem>>) offsets(%dma_start3A_578 : memref<20xi32, #tpu.memory_space<vmem>>) semaphore(%arg7 : memref<!tpu.dma_semaphore, #tpu.memory_space<semaphore_mem>>) {add = true}
      %dma_start3A_582 = arith.constant 4 : i32
      %dma_start3A_583 = arith.constant 1 : i32
      %dma_start3A_584 = arith.constant 80 : i32
      %dma_start3A_585 = arith.constant 0 : i32
      %dma_start3A_586 = tpu.memref_slice %arg6[%dma_start3A_584, %dma_start3A_585] : memref<160x32xf32, #tpu.memory_space<vmem>> -> memref<20x32xf32, #tpu.memory_space<vmem>>
      %dma_start3A_587 = arith.constant 0 : i32
      %dma_start3A_588 = tpu.memref_slice %arg5[%dma_start3A_582, %dma_start3A_583, %dma_start3A_587] : memref<8x10x20xi32, #tpu.memory_space<vmem>> -> memref<1x1x20xi32, #tpu.memory_space<vmem>>
      %dma_start3A_589 = tpu.memref_squeeze %dma_start3A_588 : memref<1x1x20xi32, #tpu.memory_space<vmem>> -> memref<20xi32, #tpu.memory_space<vmem>>
      %dma_start3A_590 = arith.constant 0 : i32
      %dma_start3A_591 = arith.constant 0 : i32
      %dma_start3A_592 = tpu.memref_slice %arg3[%dma_start3A_590, %dma_start3A_591] : memref<1000000x32xf32, #tpu.memory_space<hbm>> -> memref<1000000x32xf32, #tpu.memory_space<hbm>>
      tpu.enqueue_indirect_dma source(%dma_start3A_592 : memref<1000000x32xf32, #tpu.memory_space<hbm>>) target(%dma_start3A_586 : memref<20x32xf32, #tpu.memory_space<vmem>>) offsets(%dma_start3A_589 : memref<20xi32, #tpu.memory_space<vmem>>) semaphore(%arg7 : memref<!tpu.dma_semaphore, #tpu.memory_space<semaphore_mem>>) {add = true}
      %dma_start3A_593 = arith.constant 4 : i32
      %dma_start3A_594 = arith.constant 2 : i32
      %dma_start3A_595 = arith.constant 80 : i32
      %dma_start3A_596 = arith.constant 0 : i32
      %dma_start3A_597 = tpu.memref_slice %arg6[%dma_start3A_595, %dma_start3A_596] : memref<160x32xf32, #tpu.memory_space<vmem>> -> memref<20x32xf32, #tpu.memory_space<vmem>>
      %dma_start3A_598 = arith.constant 0 : i32
      %dma_start3A_599 = tpu.memref_slice %arg5[%dma_start3A_593, %dma_start3A_594, %dma_start3A_598] : memref<8x10x20xi32, #tpu.memory_space<vmem>> -> memref<1x1x20xi32, #tpu.memory_space<vmem>>
      %dma_start3A_600 = tpu.memref_squeeze %dma_start3A_599 : memref<1x1x20xi32, #tpu.memory_space<vmem>> -> memref<20xi32, #tpu.memory_space<vmem>>
      %dma_start3A_601 = arith.constant 0 : i32
      %dma_start3A_602 = arith.constant 0 : i32
      %dma_start3A_603 = tpu.memref_slice %arg3[%dma_start3A_601, %dma_start3A_602] : memref<1000000x32xf32, #tpu.memory_space<hbm>> -> memref<1000000x32xf32, #tpu.memory_space<hbm>>
      tpu.enqueue_indirect_dma source(%dma_start3A_603 : memref<1000000x32xf32, #tpu.memory_space<hbm>>) target(%dma_start3A_597 : memref<20x32xf32, #tpu.memory_space<vmem>>) offsets(%dma_start3A_600 : memref<20xi32, #tpu.memory_space<vmem>>) semaphore(%arg7 : memref<!tpu.dma_semaphore, #tpu.memory_space<semaphore_mem>>) {add = true}
      %dma_start3A_604 = arith.constant 4 : i32
      %dma_start3A_605 = arith.constant 3 : i32
      %dma_start3A_606 = arith.constant 80 : i32
      %dma_start3A_607 = arith.constant 0 : i32
      %dma_start3A_608 = tpu.memref_slice %arg6[%dma_start3A_606, %dma_start3A_607] : memref<160x32xf32, #tpu.memory_space<vmem>> -> memref<20x32xf32, #tpu.memory_space<vmem>>
      %dma_start3A_609 = arith.constant 0 : i32
      %dma_start3A_610 = tpu.memref_slice %arg5[%dma_start3A_604, %dma_start3A_605, %dma_start3A_609] : memref<8x10x20xi32, #tpu.memory_space<vmem>> -> memref<1x1x20xi32, #tpu.memory_space<vmem>>
      %dma_start3A_611 = tpu.memref_squeeze %dma_start3A_610 : memref<1x1x20xi32, #tpu.memory_space<vmem>> -> memref<20xi32, #tpu.memory_space<vmem>>
      %dma_start3A_612 = arith.constant 0 : i32
      %dma_start3A_613 = arith.constant 0 : i32
      %dma_start3A_614 = tpu.memref_slice %arg3[%dma_start3A_612, %dma_start3A_613] : memref<1000000x32xf32, #tpu.memory_space<hbm>> -> memref<1000000x32xf32, #tpu.memory_space<hbm>>
      tpu.enqueue_indirect_dma source(%dma_start3A_614 : memref<1000000x32xf32, #tpu.memory_space<hbm>>) target(%dma_start3A_608 : memref<20x32xf32, #tpu.memory_space<vmem>>) offsets(%dma_start3A_611 : memref<20xi32, #tpu.memory_space<vmem>>) semaphore(%arg7 : memref<!tpu.dma_semaphore, #tpu.memory_space<semaphore_mem>>) {add = true}
      %dma_start3A_615 = arith.constant 4 : i32
      %dma_start3A_616 = arith.constant 4 : i32
      %dma_start3A_617 = arith.constant 80 : i32
      %dma_start3A_618 = arith.constant 0 : i32
      %dma_start3A_619 = tpu.memref_slice %arg6[%dma_start3A_617, %dma_start3A_618] : memref<160x32xf32, #tpu.memory_space<vmem>> -> memref<20x32xf32, #tpu.memory_space<vmem>>
      %dma_start3A_620 = arith.constant 0 : i32
      %dma_start3A_621 = tpu.memref_slice %arg5[%dma_start3A_615, %dma_start3A_616, %dma_start3A_620] : memref<8x10x20xi32, #tpu.memory_space<vmem>> -> memref<1x1x20xi32, #tpu.memory_space<vmem>>
      %dma_start3A_622 = tpu.memref_squeeze %dma_start3A_621 : memref<1x1x20xi32, #tpu.memory_space<vmem>> -> memref<20xi32, #tpu.memory_space<vmem>>
      %dma_start3A_623 = arith.constant 0 : i32
      %dma_start3A_624 = arith.constant 0 : i32
      %dma_start3A_625 = tpu.memref_slice %arg3[%dma_start3A_623, %dma_start3A_624] : memref<1000000x32xf32, #tpu.memory_space<hbm>> -> memref<1000000x32xf32, #tpu.memory_space<hbm>>
      tpu.enqueue_indirect_dma source(%dma_start3A_625 : memref<1000000x32xf32, #tpu.memory_space<hbm>>) target(%dma_start3A_619 : memref<20x32xf32, #tpu.memory_space<vmem>>) offsets(%dma_start3A_622 : memref<20xi32, #tpu.memory_space<vmem>>) semaphore(%arg7 : memref<!tpu.dma_semaphore, #tpu.memory_space<semaphore_mem>>) {add = true}
      %dma_start3A_626 = arith.constant 4 : i32
      %dma_start3A_627 = arith.constant 5 : i32
      %dma_start3A_628 = arith.constant 80 : i32
      %dma_start3A_629 = arith.constant 0 : i32
      %dma_start3A_630 = tpu.memref_slice %arg6[%dma_start3A_628, %dma_start3A_629] : memref<160x32xf32, #tpu.memory_space<vmem>> -> memref<20x32xf32, #tpu.memory_space<vmem>>
      %dma_start3A_631 = arith.constant 0 : i32
      %dma_start3A_632 = tpu.memref_slice %arg5[%dma_start3A_626, %dma_start3A_627, %dma_start3A_631] : memref<8x10x20xi32, #tpu.memory_space<vmem>> -> memref<1x1x20xi32, #tpu.memory_space<vmem>>
      %dma_start3A_633 = tpu.memref_squeeze %dma_start3A_632 : memref<1x1x20xi32, #tpu.memory_space<vmem>> -> memref<20xi32, #tpu.memory_space<vmem>>
      %dma_start3A_634 = arith.constant 0 : i32
      %dma_start3A_635 = arith.constant 0 : i32
      %dma_start3A_636 = tpu.memref_slice %arg3[%dma_start3A_634, %dma_start3A_635] : memref<1000000x32xf32, #tpu.memory_space<hbm>> -> memref<1000000x32xf32, #tpu.memory_space<hbm>>
      tpu.enqueue_indirect_dma source(%dma_start3A_636 : memref<1000000x32xf32, #tpu.memory_space<hbm>>) target(%dma_start3A_630 : memref<20x32xf32, #tpu.memory_space<vmem>>) offsets(%dma_start3A_633 : memref<20xi32, #tpu.memory_space<vmem>>) semaphore(%arg7 : memref<!tpu.dma_semaphore, #tpu.memory_space<semaphore_mem>>) {add = true}
      %dma_start3A_637 = arith.constant 4 : i32
      %dma_start3A_638 = arith.constant 6 : i32
      %dma_start3A_639 = arith.constant 80 : i32
      %dma_start3A_640 = arith.constant 0 : i32
      %dma_start3A_641 = tpu.memref_slice %arg6[%dma_start3A_639, %dma_start3A_640] : memref<160x32xf32, #tpu.memory_space<vmem>> -> memref<20x32xf32, #tpu.memory_space<vmem>>
      %dma_start3A_642 = arith.constant 0 : i32
      %dma_start3A_643 = tpu.memref_slice %arg5[%dma_start3A_637, %dma_start3A_638, %dma_start3A_642] : memref<8x10x20xi32, #tpu.memory_space<vmem>> -> memref<1x1x20xi32, #tpu.memory_space<vmem>>
      %dma_start3A_644 = tpu.memref_squeeze %dma_start3A_643 : memref<1x1x20xi32, #tpu.memory_space<vmem>> -> memref<20xi32, #tpu.memory_space<vmem>>
      %dma_start3A_645 = arith.constant 0 : i32
      %dma_start3A_646 = arith.constant 0 : i32
      %dma_start3A_647 = tpu.memref_slice %arg3[%dma_start3A_645, %dma_start3A_646] : memref<1000000x32xf32, #tpu.memory_space<hbm>> -> memref<1000000x32xf32, #tpu.memory_space<hbm>>
      tpu.enqueue_indirect_dma source(%dma_start3A_647 : memref<1000000x32xf32, #tpu.memory_space<hbm>>) target(%dma_start3A_641 : memref<20x32xf32, #tpu.memory_space<vmem>>) offsets(%dma_start3A_644 : memref<20xi32, #tpu.memory_space<vmem>>) semaphore(%arg7 : memref<!tpu.dma_semaphore, #tpu.memory_space<semaphore_mem>>) {add = true}
      %dma_start3A_648 = arith.constant 4 : i32
      %dma_start3A_649 = arith.constant 7 : i32
      %dma_start3A_650 = arith.constant 80 : i32
      %dma_start3A_651 = arith.constant 0 : i32
      %dma_start3A_652 = tpu.memref_slice %arg6[%dma_start3A_650, %dma_start3A_651] : memref<160x32xf32, #tpu.memory_space<vmem>> -> memref<20x32xf32, #tpu.memory_space<vmem>>
      %dma_start3A_653 = arith.constant 0 : i32
      %dma_start3A_654 = tpu.memref_slice %arg5[%dma_start3A_648, %dma_start3A_649, %dma_start3A_653] : memref<8x10x20xi32, #tpu.memory_space<vmem>> -> memref<1x1x20xi32, #tpu.memory_space<vmem>>
      %dma_start3A_655 = tpu.memref_squeeze %dma_start3A_654 : memref<1x1x20xi32, #tpu.memory_space<vmem>> -> memref<20xi32, #tpu.memory_space<vmem>>
      %dma_start3A_656 = arith.constant 0 : i32
      %dma_start3A_657 = arith.constant 0 : i32
      %dma_start3A_658 = tpu.memref_slice %arg3[%dma_start3A_656, %dma_start3A_657] : memref<1000000x32xf32, #tpu.memory_space<hbm>> -> memref<1000000x32xf32, #tpu.memory_space<hbm>>
      tpu.enqueue_indirect_dma source(%dma_start3A_658 : memref<1000000x32xf32, #tpu.memory_space<hbm>>) target(%dma_start3A_652 : memref<20x32xf32, #tpu.memory_space<vmem>>) offsets(%dma_start3A_655 : memref<20xi32, #tpu.memory_space<vmem>>) semaphore(%arg7 : memref<!tpu.dma_semaphore, #tpu.memory_space<semaphore_mem>>) {add = true}
      %dma_start3A_659 = arith.constant 4 : i32
      %dma_start3A_660 = arith.constant 8 : i32
      %dma_start3A_661 = arith.constant 80 : i32
      %dma_start3A_662 = arith.constant 0 : i32
      %dma_start3A_663 = tpu.memref_slice %arg6[%dma_start3A_661, %dma_start3A_662] : memref<160x32xf32, #tpu.memory_space<vmem>> -> memref<20x32xf32, #tpu.memory_space<vmem>>
      %dma_start3A_664 = arith.constant 0 : i32
      %dma_start3A_665 = tpu.memref_slice %arg5[%dma_start3A_659, %dma_start3A_660, %dma_start3A_664] : memref<8x10x20xi32, #tpu.memory_space<vmem>> -> memref<1x1x20xi32, #tpu.memory_space<vmem>>
      %dma_start3A_666 = tpu.memref_squeeze %dma_start3A_665 : memref<1x1x20xi32, #tpu.memory_space<vmem>> -> memref<20xi32, #tpu.memory_space<vmem>>
      %dma_start3A_667 = arith.constant 0 : i32
      %dma_start3A_668 = arith.constant 0 : i32
      %dma_start3A_669 = tpu.memref_slice %arg3[%dma_start3A_667, %dma_start3A_668] : memref<1000000x32xf32, #tpu.memory_space<hbm>> -> memref<1000000x32xf32, #tpu.memory_space<hbm>>
      tpu.enqueue_indirect_dma source(%dma_start3A_669 : memref<1000000x32xf32, #tpu.memory_space<hbm>>) target(%dma_start3A_663 : memref<20x32xf32, #tpu.memory_space<vmem>>) offsets(%dma_start3A_666 : memref<20xi32, #tpu.memory_space<vmem>>) semaphore(%arg7 : memref<!tpu.dma_semaphore, #tpu.memory_space<semaphore_mem>>) {add = true}
      %dma_start3A_670 = arith.constant 4 : i32
      %dma_start3A_671 = arith.constant 9 : i32
      %dma_start3A_672 = arith.constant 80 : i32
      %dma_start3A_673 = arith.constant 0 : i32
      %dma_start3A_674 = tpu.memref_slice %arg6[%dma_start3A_672, %dma_start3A_673] : memref<160x32xf32, #tpu.memory_space<vmem>> -> memref<20x32xf32, #tpu.memory_space<vmem>>
      %dma_start3A_675 = arith.constant 0 : i32
      %dma_start3A_676 = tpu.memref_slice %arg5[%dma_start3A_670, %dma_start3A_671, %dma_start3A_675] : memref<8x10x20xi32, #tpu.memory_space<vmem>> -> memref<1x1x20xi32, #tpu.memory_space<vmem>>
      %dma_start3A_677 = tpu.memref_squeeze %dma_start3A_676 : memref<1x1x20xi32, #tpu.memory_space<vmem>> -> memref<20xi32, #tpu.memory_space<vmem>>
      %dma_start3A_678 = arith.constant 0 : i32
      %dma_start3A_679 = arith.constant 0 : i32
      %dma_start3A_680 = tpu.memref_slice %arg3[%dma_start3A_678, %dma_start3A_679] : memref<1000000x32xf32, #tpu.memory_space<hbm>> -> memref<1000000x32xf32, #tpu.memory_space<hbm>>
      tpu.enqueue_indirect_dma source(%dma_start3A_680 : memref<1000000x32xf32, #tpu.memory_space<hbm>>) target(%dma_start3A_674 : memref<20x32xf32, #tpu.memory_space<vmem>>) offsets(%dma_start3A_677 : memref<20xi32, #tpu.memory_space<vmem>>) semaphore(%arg7 : memref<!tpu.dma_semaphore, #tpu.memory_space<semaphore_mem>>) {add = true}
      %dma_start3A_681 = arith.constant 5 : i32
      %dma_start3A_682 = arith.constant 1 : i32
      %dma_start3A_683 = arith.constant 100 : i32
      %dma_start3A_684 = arith.constant 0 : i32
      %dma_start3A_685 = tpu.memref_slice %arg6[%dma_start3A_683, %dma_start3A_684] : memref<160x32xf32, #tpu.memory_space<vmem>> -> memref<20x32xf32, #tpu.memory_space<vmem>>
      %dma_start3A_686 = arith.constant 0 : i32
      %dma_start3A_687 = tpu.memref_slice %arg5[%dma_start3A_681, %dma_start3A_682, %dma_start3A_686] : memref<8x10x20xi32, #tpu.memory_space<vmem>> -> memref<1x1x20xi32, #tpu.memory_space<vmem>>
      %dma_start3A_688 = tpu.memref_squeeze %dma_start3A_687 : memref<1x1x20xi32, #tpu.memory_space<vmem>> -> memref<20xi32, #tpu.memory_space<vmem>>
      %dma_start3A_689 = arith.constant 0 : i32
      %dma_start3A_690 = arith.constant 0 : i32
      %dma_start3A_691 = tpu.memref_slice %arg3[%dma_start3A_689, %dma_start3A_690] : memref<1000000x32xf32, #tpu.memory_space<hbm>> -> memref<1000000x32xf32, #tpu.memory_space<hbm>>
      tpu.enqueue_indirect_dma source(%dma_start3A_691 : memref<1000000x32xf32, #tpu.memory_space<hbm>>) target(%dma_start3A_685 : memref<20x32xf32, #tpu.memory_space<vmem>>) offsets(%dma_start3A_688 : memref<20xi32, #tpu.memory_space<vmem>>) semaphore(%arg7 : memref<!tpu.dma_semaphore, #tpu.memory_space<semaphore_mem>>) {add = true}
      %dma_start3A_692 = arith.constant 5 : i32
      %dma_start3A_693 = arith.constant 2 : i32
      %dma_start3A_694 = arith.constant 100 : i32
      %dma_start3A_695 = arith.constant 0 : i32
      %dma_start3A_696 = tpu.memref_slice %arg6[%dma_start3A_694, %dma_start3A_695] : memref<160x32xf32, #tpu.memory_space<vmem>> -> memref<20x32xf32, #tpu.memory_space<vmem>>
      %dma_start3A_697 = arith.constant 0 : i32
      %dma_start3A_698 = tpu.memref_slice %arg5[%dma_start3A_692, %dma_start3A_693, %dma_start3A_697] : memref<8x10x20xi32, #tpu.memory_space<vmem>> -> memref<1x1x20xi32, #tpu.memory_space<vmem>>
      %dma_start3A_699 = tpu.memref_squeeze %dma_start3A_698 : memref<1x1x20xi32, #tpu.memory_space<vmem>> -> memref<20xi32, #tpu.memory_space<vmem>>
      %dma_start3A_700 = arith.constant 0 : i32
      %dma_start3A_701 = arith.constant 0 : i32
      %dma_start3A_702 = tpu.memref_slice %arg3[%dma_start3A_700, %dma_start3A_701] : memref<1000000x32xf32, #tpu.memory_space<hbm>> -> memref<1000000x32xf32, #tpu.memory_space<hbm>>
      tpu.enqueue_indirect_dma source(%dma_start3A_702 : memref<1000000x32xf32, #tpu.memory_space<hbm>>) target(%dma_start3A_696 : memref<20x32xf32, #tpu.memory_space<vmem>>) offsets(%dma_start3A_699 : memref<20xi32, #tpu.memory_space<vmem>>) semaphore(%arg7 : memref<!tpu.dma_semaphore, #tpu.memory_space<semaphore_mem>>) {add = true}
      %dma_start3A_703 = arith.constant 5 : i32
      %dma_start3A_704 = arith.constant 3 : i32
      %dma_start3A_705 = arith.constant 100 : i32
      %dma_start3A_706 = arith.constant 0 : i32
      %dma_start3A_707 = tpu.memref_slice %arg6[%dma_start3A_705, %dma_start3A_706] : memref<160x32xf32, #tpu.memory_space<vmem>> -> memref<20x32xf32, #tpu.memory_space<vmem>>
      %dma_start3A_708 = arith.constant 0 : i32
      %dma_start3A_709 = tpu.memref_slice %arg5[%dma_start3A_703, %dma_start3A_704, %dma_start3A_708] : memref<8x10x20xi32, #tpu.memory_space<vmem>> -> memref<1x1x20xi32, #tpu.memory_space<vmem>>
      %dma_start3A_710 = tpu.memref_squeeze %dma_start3A_709 : memref<1x1x20xi32, #tpu.memory_space<vmem>> -> memref<20xi32, #tpu.memory_space<vmem>>
      %dma_start3A_711 = arith.constant 0 : i32
      %dma_start3A_712 = arith.constant 0 : i32
      %dma_start3A_713 = tpu.memref_slice %arg3[%dma_start3A_711, %dma_start3A_712] : memref<1000000x32xf32, #tpu.memory_space<hbm>> -> memref<1000000x32xf32, #tpu.memory_space<hbm>>
      tpu.enqueue_indirect_dma source(%dma_start3A_713 : memref<1000000x32xf32, #tpu.memory_space<hbm>>) target(%dma_start3A_707 : memref<20x32xf32, #tpu.memory_space<vmem>>) offsets(%dma_start3A_710 : memref<20xi32, #tpu.memory_space<vmem>>) semaphore(%arg7 : memref<!tpu.dma_semaphore, #tpu.memory_space<semaphore_mem>>) {add = true}
      %dma_start3A_714 = arith.constant 5 : i32
      %dma_start3A_715 = arith.constant 4 : i32
      %dma_start3A_716 = arith.constant 100 : i32
      %dma_start3A_717 = arith.constant 0 : i32
      %dma_start3A_718 = tpu.memref_slice %arg6[%dma_start3A_716, %dma_start3A_717] : memref<160x32xf32, #tpu.memory_space<vmem>> -> memref<20x32xf32, #tpu.memory_space<vmem>>
      %dma_start3A_719 = arith.constant 0 : i32
      %dma_start3A_720 = tpu.memref_slice %arg5[%dma_start3A_714, %dma_start3A_715, %dma_start3A_719] : memref<8x10x20xi32, #tpu.memory_space<vmem>> -> memref<1x1x20xi32, #tpu.memory_space<vmem>>
      %dma_start3A_721 = tpu.memref_squeeze %dma_start3A_720 : memref<1x1x20xi32, #tpu.memory_space<vmem>> -> memref<20xi32, #tpu.memory_space<vmem>>
      %dma_start3A_722 = arith.constant 0 : i32
      %dma_start3A_723 = arith.constant 0 : i32
      %dma_start3A_724 = tpu.memref_slice %arg3[%dma_start3A_722, %dma_start3A_723] : memref<1000000x32xf32, #tpu.memory_space<hbm>> -> memref<1000000x32xf32, #tpu.memory_space<hbm>>
      tpu.enqueue_indirect_dma source(%dma_start3A_724 : memref<1000000x32xf32, #tpu.memory_space<hbm>>) target(%dma_start3A_718 : memref<20x32xf32, #tpu.memory_space<vmem>>) offsets(%dma_start3A_721 : memref<20xi32, #tpu.memory_space<vmem>>) semaphore(%arg7 : memref<!tpu.dma_semaphore, #tpu.memory_space<semaphore_mem>>) {add = true}
      %dma_start3A_725 = arith.constant 5 : i32
      %dma_start3A_726 = arith.constant 5 : i32
      %dma_start3A_727 = arith.constant 100 : i32
      %dma_start3A_728 = arith.constant 0 : i32
      %dma_start3A_729 = tpu.memref_slice %arg6[%dma_start3A_727, %dma_start3A_728] : memref<160x32xf32, #tpu.memory_space<vmem>> -> memref<20x32xf32, #tpu.memory_space<vmem>>
      %dma_start3A_730 = arith.constant 0 : i32
      %dma_start3A_731 = tpu.memref_slice %arg5[%dma_start3A_725, %dma_start3A_726, %dma_start3A_730] : memref<8x10x20xi32, #tpu.memory_space<vmem>> -> memref<1x1x20xi32, #tpu.memory_space<vmem>>
      %dma_start3A_732 = tpu.memref_squeeze %dma_start3A_731 : memref<1x1x20xi32, #tpu.memory_space<vmem>> -> memref<20xi32, #tpu.memory_space<vmem>>
      %dma_start3A_733 = arith.constant 0 : i32
      %dma_start3A_734 = arith.constant 0 : i32
      %dma_start3A_735 = tpu.memref_slice %arg3[%dma_start3A_733, %dma_start3A_734] : memref<1000000x32xf32, #tpu.memory_space<hbm>> -> memref<1000000x32xf32, #tpu.memory_space<hbm>>
      tpu.enqueue_indirect_dma source(%dma_start3A_735 : memref<1000000x32xf32, #tpu.memory_space<hbm>>) target(%dma_start3A_729 : memref<20x32xf32, #tpu.memory_space<vmem>>) offsets(%dma_start3A_732 : memref<20xi32, #tpu.memory_space<vmem>>) semaphore(%arg7 : memref<!tpu.dma_semaphore, #tpu.memory_space<semaphore_mem>>) {add = true}
      %dma_start3A_736 = arith.constant 5 : i32
      %dma_start3A_737 = arith.constant 6 : i32
      %dma_start3A_738 = arith.constant 100 : i32
      %dma_start3A_739 = arith.constant 0 : i32
      %dma_start3A_740 = tpu.memref_slice %arg6[%dma_start3A_738, %dma_start3A_739] : memref<160x32xf32, #tpu.memory_space<vmem>> -> memref<20x32xf32, #tpu.memory_space<vmem>>
      %dma_start3A_741 = arith.constant 0 : i32
      %dma_start3A_742 = tpu.memref_slice %arg5[%dma_start3A_736, %dma_start3A_737, %dma_start3A_741] : memref<8x10x20xi32, #tpu.memory_space<vmem>> -> memref<1x1x20xi32, #tpu.memory_space<vmem>>
      %dma_start3A_743 = tpu.memref_squeeze %dma_start3A_742 : memref<1x1x20xi32, #tpu.memory_space<vmem>> -> memref<20xi32, #tpu.memory_space<vmem>>
      %dma_start3A_744 = arith.constant 0 : i32
      %dma_start3A_745 = arith.constant 0 : i32
      %dma_start3A_746 = tpu.memref_slice %arg3[%dma_start3A_744, %dma_start3A_745] : memref<1000000x32xf32, #tpu.memory_space<hbm>> -> memref<1000000x32xf32, #tpu.memory_space<hbm>>
      tpu.enqueue_indirect_dma source(%dma_start3A_746 : memref<1000000x32xf32, #tpu.memory_space<hbm>>) target(%dma_start3A_740 : memref<20x32xf32, #tpu.memory_space<vmem>>) offsets(%dma_start3A_743 : memref<20xi32, #tpu.memory_space<vmem>>) semaphore(%arg7 : memref<!tpu.dma_semaphore, #tpu.memory_space<semaphore_mem>>) {add = true}
      %dma_start3A_747 = arith.constant 5 : i32
      %dma_start3A_748 = arith.constant 7 : i32
      %dma_start3A_749 = arith.constant 100 : i32
      %dma_start3A_750 = arith.constant 0 : i32
      %dma_start3A_751 = tpu.memref_slice %arg6[%dma_start3A_749, %dma_start3A_750] : memref<160x32xf32, #tpu.memory_space<vmem>> -> memref<20x32xf32, #tpu.memory_space<vmem>>
      %dma_start3A_752 = arith.constant 0 : i32
      %dma_start3A_753 = tpu.memref_slice %arg5[%dma_start3A_747, %dma_start3A_748, %dma_start3A_752] : memref<8x10x20xi32, #tpu.memory_space<vmem>> -> memref<1x1x20xi32, #tpu.memory_space<vmem>>
      %dma_start3A_754 = tpu.memref_squeeze %dma_start3A_753 : memref<1x1x20xi32, #tpu.memory_space<vmem>> -> memref<20xi32, #tpu.memory_space<vmem>>
      %dma_start3A_755 = arith.constant 0 : i32
      %dma_start3A_756 = arith.constant 0 : i32
      %dma_start3A_757 = tpu.memref_slice %arg3[%dma_start3A_755, %dma_start3A_756] : memref<1000000x32xf32, #tpu.memory_space<hbm>> -> memref<1000000x32xf32, #tpu.memory_space<hbm>>
      tpu.enqueue_indirect_dma source(%dma_start3A_757 : memref<1000000x32xf32, #tpu.memory_space<hbm>>) target(%dma_start3A_751 : memref<20x32xf32, #tpu.memory_space<vmem>>) offsets(%dma_start3A_754 : memref<20xi32, #tpu.memory_space<vmem>>) semaphore(%arg7 : memref<!tpu.dma_semaphore, #tpu.memory_space<semaphore_mem>>) {add = true}
      %dma_start3A_758 = arith.constant 5 : i32
      %dma_start3A_759 = arith.constant 8 : i32
      %dma_start3A_760 = arith.constant 100 : i32
      %dma_start3A_761 = arith.constant 0 : i32
      %dma_start3A_762 = tpu.memref_slice %arg6[%dma_start3A_760, %dma_start3A_761] : memref<160x32xf32, #tpu.memory_space<vmem>> -> memref<20x32xf32, #tpu.memory_space<vmem>>
      %dma_start3A_763 = arith.constant 0 : i32
      %dma_start3A_764 = tpu.memref_slice %arg5[%dma_start3A_758, %dma_start3A_759, %dma_start3A_763] : memref<8x10x20xi32, #tpu.memory_space<vmem>> -> memref<1x1x20xi32, #tpu.memory_space<vmem>>
      %dma_start3A_765 = tpu.memref_squeeze %dma_start3A_764 : memref<1x1x20xi32, #tpu.memory_space<vmem>> -> memref<20xi32, #tpu.memory_space<vmem>>
      %dma_start3A_766 = arith.constant 0 : i32
      %dma_start3A_767 = arith.constant 0 : i32
      %dma_start3A_768 = tpu.memref_slice %arg3[%dma_start3A_766, %dma_start3A_767] : memref<1000000x32xf32, #tpu.memory_space<hbm>> -> memref<1000000x32xf32, #tpu.memory_space<hbm>>
      tpu.enqueue_indirect_dma source(%dma_start3A_768 : memref<1000000x32xf32, #tpu.memory_space<hbm>>) target(%dma_start3A_762 : memref<20x32xf32, #tpu.memory_space<vmem>>) offsets(%dma_start3A_765 : memref<20xi32, #tpu.memory_space<vmem>>) semaphore(%arg7 : memref<!tpu.dma_semaphore, #tpu.memory_space<semaphore_mem>>) {add = true}
      %dma_start3A_769 = arith.constant 5 : i32
      %dma_start3A_770 = arith.constant 9 : i32
      %dma_start3A_771 = arith.constant 100 : i32
      %dma_start3A_772 = arith.constant 0 : i32
      %dma_start3A_773 = tpu.memref_slice %arg6[%dma_start3A_771, %dma_start3A_772] : memref<160x32xf32, #tpu.memory_space<vmem>> -> memref<20x32xf32, #tpu.memory_space<vmem>>
      %dma_start3A_774 = arith.constant 0 : i32
      %dma_start3A_775 = tpu.memref_slice %arg5[%dma_start3A_769, %dma_start3A_770, %dma_start3A_774] : memref<8x10x20xi32, #tpu.memory_space<vmem>> -> memref<1x1x20xi32, #tpu.memory_space<vmem>>
      %dma_start3A_776 = tpu.memref_squeeze %dma_start3A_775 : memref<1x1x20xi32, #tpu.memory_space<vmem>> -> memref<20xi32, #tpu.memory_space<vmem>>
      %dma_start3A_777 = arith.constant 0 : i32
      %dma_start3A_778 = arith.constant 0 : i32
      %dma_start3A_779 = tpu.memref_slice %arg3[%dma_start3A_777, %dma_start3A_778] : memref<1000000x32xf32, #tpu.memory_space<hbm>> -> memref<1000000x32xf32, #tpu.memory_space<hbm>>
      tpu.enqueue_indirect_dma source(%dma_start3A_779 : memref<1000000x32xf32, #tpu.memory_space<hbm>>) target(%dma_start3A_773 : memref<20x32xf32, #tpu.memory_space<vmem>>) offsets(%dma_start3A_776 : memref<20xi32, #tpu.memory_space<vmem>>) semaphore(%arg7 : memref<!tpu.dma_semaphore, #tpu.memory_space<semaphore_mem>>) {add = true}
      %dma_start3A_780 = arith.constant 6 : i32
      %dma_start3A_781 = arith.constant 1 : i32
      %dma_start3A_782 = arith.constant 120 : i32
      %dma_start3A_783 = arith.constant 0 : i32
      %dma_start3A_784 = tpu.memref_slice %arg6[%dma_start3A_782, %dma_start3A_783] : memref<160x32xf32, #tpu.memory_space<vmem>> -> memref<20x32xf32, #tpu.memory_space<vmem>>
      %dma_start3A_785 = arith.constant 0 : i32
      %dma_start3A_786 = tpu.memref_slice %arg5[%dma_start3A_780, %dma_start3A_781, %dma_start3A_785] : memref<8x10x20xi32, #tpu.memory_space<vmem>> -> memref<1x1x20xi32, #tpu.memory_space<vmem>>
      %dma_start3A_787 = tpu.memref_squeeze %dma_start3A_786 : memref<1x1x20xi32, #tpu.memory_space<vmem>> -> memref<20xi32, #tpu.memory_space<vmem>>
      %dma_start3A_788 = arith.constant 0 : i32
      %dma_start3A_789 = arith.constant 0 : i32
      %dma_start3A_790 = tpu.memref_slice %arg3[%dma_start3A_788, %dma_start3A_789] : memref<1000000x32xf32, #tpu.memory_space<hbm>> -> memref<1000000x32xf32, #tpu.memory_space<hbm>>
      tpu.enqueue_indirect_dma source(%dma_start3A_790 : memref<1000000x32xf32, #tpu.memory_space<hbm>>) target(%dma_start3A_784 : memref<20x32xf32, #tpu.memory_space<vmem>>) offsets(%dma_start3A_787 : memref<20xi32, #tpu.memory_space<vmem>>) semaphore(%arg7 : memref<!tpu.dma_semaphore, #tpu.memory_space<semaphore_mem>>) {add = true}
      %dma_start3A_791 = arith.constant 6 : i32
      %dma_start3A_792 = arith.constant 2 : i32
      %dma_start3A_793 = arith.constant 120 : i32
      %dma_start3A_794 = arith.constant 0 : i32
      %dma_start3A_795 = tpu.memref_slice %arg6[%dma_start3A_793, %dma_start3A_794] : memref<160x32xf32, #tpu.memory_space<vmem>> -> memref<20x32xf32, #tpu.memory_space<vmem>>
      %dma_start3A_796 = arith.constant 0 : i32
      %dma_start3A_797 = tpu.memref_slice %arg5[%dma_start3A_791, %dma_start3A_792, %dma_start3A_796] : memref<8x10x20xi32, #tpu.memory_space<vmem>> -> memref<1x1x20xi32, #tpu.memory_space<vmem>>
      %dma_start3A_798 = tpu.memref_squeeze %dma_start3A_797 : memref<1x1x20xi32, #tpu.memory_space<vmem>> -> memref<20xi32, #tpu.memory_space<vmem>>
      %dma_start3A_799 = arith.constant 0 : i32
      %dma_start3A_800 = arith.constant 0 : i32
      %dma_start3A_801 = tpu.memref_slice %arg3[%dma_start3A_799, %dma_start3A_800] : memref<1000000x32xf32, #tpu.memory_space<hbm>> -> memref<1000000x32xf32, #tpu.memory_space<hbm>>
      tpu.enqueue_indirect_dma source(%dma_start3A_801 : memref<1000000x32xf32, #tpu.memory_space<hbm>>) target(%dma_start3A_795 : memref<20x32xf32, #tpu.memory_space<vmem>>) offsets(%dma_start3A_798 : memref<20xi32, #tpu.memory_space<vmem>>) semaphore(%arg7 : memref<!tpu.dma_semaphore, #tpu.memory_space<semaphore_mem>>) {add = true}
      %dma_start3A_802 = arith.constant 6 : i32
      %dma_start3A_803 = arith.constant 3 : i32
      %dma_start3A_804 = arith.constant 120 : i32
      %dma_start3A_805 = arith.constant 0 : i32
      %dma_start3A_806 = tpu.memref_slice %arg6[%dma_start3A_804, %dma_start3A_805] : memref<160x32xf32, #tpu.memory_space<vmem>> -> memref<20x32xf32, #tpu.memory_space<vmem>>
      %dma_start3A_807 = arith.constant 0 : i32
      %dma_start3A_808 = tpu.memref_slice %arg5[%dma_start3A_802, %dma_start3A_803, %dma_start3A_807] : memref<8x10x20xi32, #tpu.memory_space<vmem>> -> memref<1x1x20xi32, #tpu.memory_space<vmem>>
      %dma_start3A_809 = tpu.memref_squeeze %dma_start3A_808 : memref<1x1x20xi32, #tpu.memory_space<vmem>> -> memref<20xi32, #tpu.memory_space<vmem>>
      %dma_start3A_810 = arith.constant 0 : i32
      %dma_start3A_811 = arith.constant 0 : i32
      %dma_start3A_812 = tpu.memref_slice %arg3[%dma_start3A_810, %dma_start3A_811] : memref<1000000x32xf32, #tpu.memory_space<hbm>> -> memref<1000000x32xf32, #tpu.memory_space<hbm>>
      tpu.enqueue_indirect_dma source(%dma_start3A_812 : memref<1000000x32xf32, #tpu.memory_space<hbm>>) target(%dma_start3A_806 : memref<20x32xf32, #tpu.memory_space<vmem>>) offsets(%dma_start3A_809 : memref<20xi32, #tpu.memory_space<vmem>>) semaphore(%arg7 : memref<!tpu.dma_semaphore, #tpu.memory_space<semaphore_mem>>) {add = true}
      %dma_start3A_813 = arith.constant 6 : i32
      %dma_start3A_814 = arith.constant 4 : i32
      %dma_start3A_815 = arith.constant 120 : i32
      %dma_start3A_816 = arith.constant 0 : i32
      %dma_start3A_817 = tpu.memref_slice %arg6[%dma_start3A_815, %dma_start3A_816] : memref<160x32xf32, #tpu.memory_space<vmem>> -> memref<20x32xf32, #tpu.memory_space<vmem>>
      %dma_start3A_818 = arith.constant 0 : i32
      %dma_start3A_819 = tpu.memref_slice %arg5[%dma_start3A_813, %dma_start3A_814, %dma_start3A_818] : memref<8x10x20xi32, #tpu.memory_space<vmem>> -> memref<1x1x20xi32, #tpu.memory_space<vmem>>
      %dma_start3A_820 = tpu.memref_squeeze %dma_start3A_819 : memref<1x1x20xi32, #tpu.memory_space<vmem>> -> memref<20xi32, #tpu.memory_space<vmem>>
      %dma_start3A_821 = arith.constant 0 : i32
      %dma_start3A_822 = arith.constant 0 : i32
      %dma_start3A_823 = tpu.memref_slice %arg3[%dma_start3A_821, %dma_start3A_822] : memref<1000000x32xf32, #tpu.memory_space<hbm>> -> memref<1000000x32xf32, #tpu.memory_space<hbm>>
      tpu.enqueue_indirect_dma source(%dma_start3A_823 : memref<1000000x32xf32, #tpu.memory_space<hbm>>) target(%dma_start3A_817 : memref<20x32xf32, #tpu.memory_space<vmem>>) offsets(%dma_start3A_820 : memref<20xi32, #tpu.memory_space<vmem>>) semaphore(%arg7 : memref<!tpu.dma_semaphore, #tpu.memory_space<semaphore_mem>>) {add = true}
      %dma_start3A_824 = arith.constant 6 : i32
      %dma_start3A_825 = arith.constant 5 : i32
      %dma_start3A_826 = arith.constant 120 : i32
      %dma_start3A_827 = arith.constant 0 : i32
      %dma_start3A_828 = tpu.memref_slice %arg6[%dma_start3A_826, %dma_start3A_827] : memref<160x32xf32, #tpu.memory_space<vmem>> -> memref<20x32xf32, #tpu.memory_space<vmem>>
      %dma_start3A_829 = arith.constant 0 : i32
      %dma_start3A_830 = tpu.memref_slice %arg5[%dma_start3A_824, %dma_start3A_825, %dma_start3A_829] : memref<8x10x20xi32, #tpu.memory_space<vmem>> -> memref<1x1x20xi32, #tpu.memory_space<vmem>>
      %dma_start3A_831 = tpu.memref_squeeze %dma_start3A_830 : memref<1x1x20xi32, #tpu.memory_space<vmem>> -> memref<20xi32, #tpu.memory_space<vmem>>
      %dma_start3A_832 = arith.constant 0 : i32
      %dma_start3A_833 = arith.constant 0 : i32
      %dma_start3A_834 = tpu.memref_slice %arg3[%dma_start3A_832, %dma_start3A_833] : memref<1000000x32xf32, #tpu.memory_space<hbm>> -> memref<1000000x32xf32, #tpu.memory_space<hbm>>
      tpu.enqueue_indirect_dma source(%dma_start3A_834 : memref<1000000x32xf32, #tpu.memory_space<hbm>>) target(%dma_start3A_828 : memref<20x32xf32, #tpu.memory_space<vmem>>) offsets(%dma_start3A_831 : memref<20xi32, #tpu.memory_space<vmem>>) semaphore(%arg7 : memref<!tpu.dma_semaphore, #tpu.memory_space<semaphore_mem>>) {add = true}
      %dma_start3A_835 = arith.constant 6 : i32
      %dma_start3A_836 = arith.constant 6 : i32
      %dma_start3A_837 = arith.constant 120 : i32
      %dma_start3A_838 = arith.constant 0 : i32
      %dma_start3A_839 = tpu.memref_slice %arg6[%dma_start3A_837, %dma_start3A_838] : memref<160x32xf32, #tpu.memory_space<vmem>> -> memref<20x32xf32, #tpu.memory_space<vmem>>
      %dma_start3A_840 = arith.constant 0 : i32
      %dma_start3A_841 = tpu.memref_slice %arg5[%dma_start3A_835, %dma_start3A_836, %dma_start3A_840] : memref<8x10x20xi32, #tpu.memory_space<vmem>> -> memref<1x1x20xi32, #tpu.memory_space<vmem>>
      %dma_start3A_842 = tpu.memref_squeeze %dma_start3A_841 : memref<1x1x20xi32, #tpu.memory_space<vmem>> -> memref<20xi32, #tpu.memory_space<vmem>>
      %dma_start3A_843 = arith.constant 0 : i32
      %dma_start3A_844 = arith.constant 0 : i32
      %dma_start3A_845 = tpu.memref_slice %arg3[%dma_start3A_843, %dma_start3A_844] : memref<1000000x32xf32, #tpu.memory_space<hbm>> -> memref<1000000x32xf32, #tpu.memory_space<hbm>>
      tpu.enqueue_indirect_dma source(%dma_start3A_845 : memref<1000000x32xf32, #tpu.memory_space<hbm>>) target(%dma_start3A_839 : memref<20x32xf32, #tpu.memory_space<vmem>>) offsets(%dma_start3A_842 : memref<20xi32, #tpu.memory_space<vmem>>) semaphore(%arg7 : memref<!tpu.dma_semaphore, #tpu.memory_space<semaphore_mem>>) {add = true}
      %dma_start3A_846 = arith.constant 6 : i32
      %dma_start3A_847 = arith.constant 7 : i32
      %dma_start3A_848 = arith.constant 120 : i32
      %dma_start3A_849 = arith.constant 0 : i32
      %dma_start3A_850 = tpu.memref_slice %arg6[%dma_start3A_848, %dma_start3A_849] : memref<160x32xf32, #tpu.memory_space<vmem>> -> memref<20x32xf32, #tpu.memory_space<vmem>>
      %dma_start3A_851 = arith.constant 0 : i32
      %dma_start3A_852 = tpu.memref_slice %arg5[%dma_start3A_846, %dma_start3A_847, %dma_start3A_851] : memref<8x10x20xi32, #tpu.memory_space<vmem>> -> memref<1x1x20xi32, #tpu.memory_space<vmem>>
      %dma_start3A_853 = tpu.memref_squeeze %dma_start3A_852 : memref<1x1x20xi32, #tpu.memory_space<vmem>> -> memref<20xi32, #tpu.memory_space<vmem>>
      %dma_start3A_854 = arith.constant 0 : i32
      %dma_start3A_855 = arith.constant 0 : i32
      %dma_start3A_856 = tpu.memref_slice %arg3[%dma_start3A_854, %dma_start3A_855] : memref<1000000x32xf32, #tpu.memory_space<hbm>> -> memref<1000000x32xf32, #tpu.memory_space<hbm>>
      tpu.enqueue_indirect_dma source(%dma_start3A_856 : memref<1000000x32xf32, #tpu.memory_space<hbm>>) target(%dma_start3A_850 : memref<20x32xf32, #tpu.memory_space<vmem>>) offsets(%dma_start3A_853 : memref<20xi32, #tpu.memory_space<vmem>>) semaphore(%arg7 : memref<!tpu.dma_semaphore, #tpu.memory_space<semaphore_mem>>) {add = true}
      %dma_start3A_857 = arith.constant 6 : i32
      %dma_start3A_858 = arith.constant 8 : i32
      %dma_start3A_859 = arith.constant 120 : i32
      %dma_start3A_860 = arith.constant 0 : i32
      %dma_start3A_861 = tpu.memref_slice %arg6[%dma_start3A_859, %dma_start3A_860] : memref<160x32xf32, #tpu.memory_space<vmem>> -> memref<20x32xf32, #tpu.memory_space<vmem>>
      %dma_start3A_862 = arith.constant 0 : i32
      %dma_start3A_863 = tpu.memref_slice %arg5[%dma_start3A_857, %dma_start3A_858, %dma_start3A_862] : memref<8x10x20xi32, #tpu.memory_space<vmem>> -> memref<1x1x20xi32, #tpu.memory_space<vmem>>
      %dma_start3A_864 = tpu.memref_squeeze %dma_start3A_863 : memref<1x1x20xi32, #tpu.memory_space<vmem>> -> memref<20xi32, #tpu.memory_space<vmem>>
      %dma_start3A_865 = arith.constant 0 : i32
      %dma_start3A_866 = arith.constant 0 : i32
      %dma_start3A_867 = tpu.memref_slice %arg3[%dma_start3A_865, %dma_start3A_866] : memref<1000000x32xf32, #tpu.memory_space<hbm>> -> memref<1000000x32xf32, #tpu.memory_space<hbm>>
      tpu.enqueue_indirect_dma source(%dma_start3A_867 : memref<1000000x32xf32, #tpu.memory_space<hbm>>) target(%dma_start3A_861 : memref<20x32xf32, #tpu.memory_space<vmem>>) offsets(%dma_start3A_864 : memref<20xi32, #tpu.memory_space<vmem>>) semaphore(%arg7 : memref<!tpu.dma_semaphore, #tpu.memory_space<semaphore_mem>>) {add = true}
      %dma_start3A_868 = arith.constant 6 : i32
      %dma_start3A_869 = arith.constant 9 : i32
      %dma_start3A_870 = arith.constant 120 : i32
      %dma_start3A_871 = arith.constant 0 : i32
      %dma_start3A_872 = tpu.memref_slice %arg6[%dma_start3A_870, %dma_start3A_871] : memref<160x32xf32, #tpu.memory_space<vmem>> -> memref<20x32xf32, #tpu.memory_space<vmem>>
      %dma_start3A_873 = arith.constant 0 : i32
      %dma_start3A_874 = tpu.memref_slice %arg5[%dma_start3A_868, %dma_start3A_869, %dma_start3A_873] : memref<8x10x20xi32, #tpu.memory_space<vmem>> -> memref<1x1x20xi32, #tpu.memory_space<vmem>>
      %dma_start3A_875 = tpu.memref_squeeze %dma_start3A_874 : memref<1x1x20xi32, #tpu.memory_space<vmem>> -> memref<20xi32, #tpu.memory_space<vmem>>
      %dma_start3A_876 = arith.constant 0 : i32
      %dma_start3A_877 = arith.constant 0 : i32
      %dma_start3A_878 = tpu.memref_slice %arg3[%dma_start3A_876, %dma_start3A_877] : memref<1000000x32xf32, #tpu.memory_space<hbm>> -> memref<1000000x32xf32, #tpu.memory_space<hbm>>
      tpu.enqueue_indirect_dma source(%dma_start3A_878 : memref<1000000x32xf32, #tpu.memory_space<hbm>>) target(%dma_start3A_872 : memref<20x32xf32, #tpu.memory_space<vmem>>) offsets(%dma_start3A_875 : memref<20xi32, #tpu.memory_space<vmem>>) semaphore(%arg7 : memref<!tpu.dma_semaphore, #tpu.memory_space<semaphore_mem>>) {add = true}
      %dma_start3A_879 = arith.constant 7 : i32
      %dma_start3A_880 = arith.constant 1 : i32
      %dma_start3A_881 = arith.constant 140 : i32
      %dma_start3A_882 = arith.constant 0 : i32
      %dma_start3A_883 = tpu.memref_slice %arg6[%dma_start3A_881, %dma_start3A_882] : memref<160x32xf32, #tpu.memory_space<vmem>> -> memref<20x32xf32, #tpu.memory_space<vmem>>
      %dma_start3A_884 = arith.constant 0 : i32
      %dma_start3A_885 = tpu.memref_slice %arg5[%dma_start3A_879, %dma_start3A_880, %dma_start3A_884] : memref<8x10x20xi32, #tpu.memory_space<vmem>> -> memref<1x1x20xi32, #tpu.memory_space<vmem>>
      %dma_start3A_886 = tpu.memref_squeeze %dma_start3A_885 : memref<1x1x20xi32, #tpu.memory_space<vmem>> -> memref<20xi32, #tpu.memory_space<vmem>>
      %dma_start3A_887 = arith.constant 0 : i32
      %dma_start3A_888 = arith.constant 0 : i32
      %dma_start3A_889 = tpu.memref_slice %arg3[%dma_start3A_887, %dma_start3A_888] : memref<1000000x32xf32, #tpu.memory_space<hbm>> -> memref<1000000x32xf32, #tpu.memory_space<hbm>>
      tpu.enqueue_indirect_dma source(%dma_start3A_889 : memref<1000000x32xf32, #tpu.memory_space<hbm>>) target(%dma_start3A_883 : memref<20x32xf32, #tpu.memory_space<vmem>>) offsets(%dma_start3A_886 : memref<20xi32, #tpu.memory_space<vmem>>) semaphore(%arg7 : memref<!tpu.dma_semaphore, #tpu.memory_space<semaphore_mem>>) {add = true}
      %dma_start3A_890 = arith.constant 7 : i32
      %dma_start3A_891 = arith.constant 2 : i32
      %dma_start3A_892 = arith.constant 140 : i32
      %dma_start3A_893 = arith.constant 0 : i32
      %dma_start3A_894 = tpu.memref_slice %arg6[%dma_start3A_892, %dma_start3A_893] : memref<160x32xf32, #tpu.memory_space<vmem>> -> memref<20x32xf32, #tpu.memory_space<vmem>>
      %dma_start3A_895 = arith.constant 0 : i32
      %dma_start3A_896 = tpu.memref_slice %arg5[%dma_start3A_890, %dma_start3A_891, %dma_start3A_895] : memref<8x10x20xi32, #tpu.memory_space<vmem>> -> memref<1x1x20xi32, #tpu.memory_space<vmem>>
      %dma_start3A_897 = tpu.memref_squeeze %dma_start3A_896 : memref<1x1x20xi32, #tpu.memory_space<vmem>> -> memref<20xi32, #tpu.memory_space<vmem>>
      %dma_start3A_898 = arith.constant 0 : i32
      %dma_start3A_899 = arith.constant 0 : i32
      %dma_start3A_900 = tpu.memref_slice %arg3[%dma_start3A_898, %dma_start3A_899] : memref<1000000x32xf32, #tpu.memory_space<hbm>> -> memref<1000000x32xf32, #tpu.memory_space<hbm>>
      tpu.enqueue_indirect_dma source(%dma_start3A_900 : memref<1000000x32xf32, #tpu.memory_space<hbm>>) target(%dma_start3A_894 : memref<20x32xf32, #tpu.memory_space<vmem>>) offsets(%dma_start3A_897 : memref<20xi32, #tpu.memory_space<vmem>>) semaphore(%arg7 : memref<!tpu.dma_semaphore, #tpu.memory_space<semaphore_mem>>) {add = true}
      %dma_start3A_901 = arith.constant 7 : i32
      %dma_start3A_902 = arith.constant 3 : i32
      %dma_start3A_903 = arith.constant 140 : i32
      %dma_start3A_904 = arith.constant 0 : i32
      %dma_start3A_905 = tpu.memref_slice %arg6[%dma_start3A_903, %dma_start3A_904] : memref<160x32xf32, #tpu.memory_space<vmem>> -> memref<20x32xf32, #tpu.memory_space<vmem>>
      %dma_start3A_906 = arith.constant 0 : i32
      %dma_start3A_907 = tpu.memref_slice %arg5[%dma_start3A_901, %dma_start3A_902, %dma_start3A_906] : memref<8x10x20xi32, #tpu.memory_space<vmem>> -> memref<1x1x20xi32, #tpu.memory_space<vmem>>
      %dma_start3A_908 = tpu.memref_squeeze %dma_start3A_907 : memref<1x1x20xi32, #tpu.memory_space<vmem>> -> memref<20xi32, #tpu.memory_space<vmem>>
      %dma_start3A_909 = arith.constant 0 : i32
      %dma_start3A_910 = arith.constant 0 : i32
      %dma_start3A_911 = tpu.memref_slice %arg3[%dma_start3A_909, %dma_start3A_910] : memref<1000000x32xf32, #tpu.memory_space<hbm>> -> memref<1000000x32xf32, #tpu.memory_space<hbm>>
      tpu.enqueue_indirect_dma source(%dma_start3A_911 : memref<1000000x32xf32, #tpu.memory_space<hbm>>) target(%dma_start3A_905 : memref<20x32xf32, #tpu.memory_space<vmem>>) offsets(%dma_start3A_908 : memref<20xi32, #tpu.memory_space<vmem>>) semaphore(%arg7 : memref<!tpu.dma_semaphore, #tpu.memory_space<semaphore_mem>>) {add = true}
      %dma_start3A_912 = arith.constant 7 : i32
      %dma_start3A_913 = arith.constant 4 : i32
      %dma_start3A_914 = arith.constant 140 : i32
      %dma_start3A_915 = arith.constant 0 : i32
      %dma_start3A_916 = tpu.memref_slice %arg6[%dma_start3A_914, %dma_start3A_915] : memref<160x32xf32, #tpu.memory_space<vmem>> -> memref<20x32xf32, #tpu.memory_space<vmem>>
      %dma_start3A_917 = arith.constant 0 : i32
      %dma_start3A_918 = tpu.memref_slice %arg5[%dma_start3A_912, %dma_start3A_913, %dma_start3A_917] : memref<8x10x20xi32, #tpu.memory_space<vmem>> -> memref<1x1x20xi32, #tpu.memory_space<vmem>>
      %dma_start3A_919 = tpu.memref_squeeze %dma_start3A_918 : memref<1x1x20xi32, #tpu.memory_space<vmem>> -> memref<20xi32, #tpu.memory_space<vmem>>
      %dma_start3A_920 = arith.constant 0 : i32
      %dma_start3A_921 = arith.constant 0 : i32
      %dma_start3A_922 = tpu.memref_slice %arg3[%dma_start3A_920, %dma_start3A_921] : memref<1000000x32xf32, #tpu.memory_space<hbm>> -> memref<1000000x32xf32, #tpu.memory_space<hbm>>
      tpu.enqueue_indirect_dma source(%dma_start3A_922 : memref<1000000x32xf32, #tpu.memory_space<hbm>>) target(%dma_start3A_916 : memref<20x32xf32, #tpu.memory_space<vmem>>) offsets(%dma_start3A_919 : memref<20xi32, #tpu.memory_space<vmem>>) semaphore(%arg7 : memref<!tpu.dma_semaphore, #tpu.memory_space<semaphore_mem>>) {add = true}
      %dma_start3A_923 = arith.constant 7 : i32
      %dma_start3A_924 = arith.constant 5 : i32
      %dma_start3A_925 = arith.constant 140 : i32
      %dma_start3A_926 = arith.constant 0 : i32
      %dma_start3A_927 = tpu.memref_slice %arg6[%dma_start3A_925, %dma_start3A_926] : memref<160x32xf32, #tpu.memory_space<vmem>> -> memref<20x32xf32, #tpu.memory_space<vmem>>
      %dma_start3A_928 = arith.constant 0 : i32
      %dma_start3A_929 = tpu.memref_slice %arg5[%dma_start3A_923, %dma_start3A_924, %dma_start3A_928] : memref<8x10x20xi32, #tpu.memory_space<vmem>> -> memref<1x1x20xi32, #tpu.memory_space<vmem>>
      %dma_start3A_930 = tpu.memref_squeeze %dma_start3A_929 : memref<1x1x20xi32, #tpu.memory_space<vmem>> -> memref<20xi32, #tpu.memory_space<vmem>>
      %dma_start3A_931 = arith.constant 0 : i32
      %dma_start3A_932 = arith.constant 0 : i32
      %dma_start3A_933 = tpu.memref_slice %arg3[%dma_start3A_931, %dma_start3A_932] : memref<1000000x32xf32, #tpu.memory_space<hbm>> -> memref<1000000x32xf32, #tpu.memory_space<hbm>>
      tpu.enqueue_indirect_dma source(%dma_start3A_933 : memref<1000000x32xf32, #tpu.memory_space<hbm>>) target(%dma_start3A_927 : memref<20x32xf32, #tpu.memory_space<vmem>>) offsets(%dma_start3A_930 : memref<20xi32, #tpu.memory_space<vmem>>) semaphore(%arg7 : memref<!tpu.dma_semaphore, #tpu.memory_space<semaphore_mem>>) {add = true}
      %dma_start3A_934 = arith.constant 7 : i32
      %dma_start3A_935 = arith.constant 6 : i32
      %dma_start3A_936 = arith.constant 140 : i32
      %dma_start3A_937 = arith.constant 0 : i32
      %dma_start3A_938 = tpu.memref_slice %arg6[%dma_start3A_936, %dma_start3A_937] : memref<160x32xf32, #tpu.memory_space<vmem>> -> memref<20x32xf32, #tpu.memory_space<vmem>>
      %dma_start3A_939 = arith.constant 0 : i32
      %dma_start3A_940 = tpu.memref_slice %arg5[%dma_start3A_934, %dma_start3A_935, %dma_start3A_939] : memref<8x10x20xi32, #tpu.memory_space<vmem>> -> memref<1x1x20xi32, #tpu.memory_space<vmem>>
      %dma_start3A_941 = tpu.memref_squeeze %dma_start3A_940 : memref<1x1x20xi32, #tpu.memory_space<vmem>> -> memref<20xi32, #tpu.memory_space<vmem>>
      %dma_start3A_942 = arith.constant 0 : i32
      %dma_start3A_943 = arith.constant 0 : i32
      %dma_start3A_944 = tpu.memref_slice %arg3[%dma_start3A_942, %dma_start3A_943] : memref<1000000x32xf32, #tpu.memory_space<hbm>> -> memref<1000000x32xf32, #tpu.memory_space<hbm>>
      tpu.enqueue_indirect_dma source(%dma_start3A_944 : memref<1000000x32xf32, #tpu.memory_space<hbm>>) target(%dma_start3A_938 : memref<20x32xf32, #tpu.memory_space<vmem>>) offsets(%dma_start3A_941 : memref<20xi32, #tpu.memory_space<vmem>>) semaphore(%arg7 : memref<!tpu.dma_semaphore, #tpu.memory_space<semaphore_mem>>) {add = true}
      %dma_start3A_945 = arith.constant 7 : i32
      %dma_start3A_946 = arith.constant 7 : i32
      %dma_start3A_947 = arith.constant 140 : i32
      %dma_start3A_948 = arith.constant 0 : i32
      %dma_start3A_949 = tpu.memref_slice %arg6[%dma_start3A_947, %dma_start3A_948] : memref<160x32xf32, #tpu.memory_space<vmem>> -> memref<20x32xf32, #tpu.memory_space<vmem>>
      %dma_start3A_950 = arith.constant 0 : i32
      %dma_start3A_951 = tpu.memref_slice %arg5[%dma_start3A_945, %dma_start3A_946, %dma_start3A_950] : memref<8x10x20xi32, #tpu.memory_space<vmem>> -> memref<1x1x20xi32, #tpu.memory_space<vmem>>
      %dma_start3A_952 = tpu.memref_squeeze %dma_start3A_951 : memref<1x1x20xi32, #tpu.memory_space<vmem>> -> memref<20xi32, #tpu.memory_space<vmem>>
      %dma_start3A_953 = arith.constant 0 : i32
      %dma_start3A_954 = arith.constant 0 : i32
      %dma_start3A_955 = tpu.memref_slice %arg3[%dma_start3A_953, %dma_start3A_954] : memref<1000000x32xf32, #tpu.memory_space<hbm>> -> memref<1000000x32xf32, #tpu.memory_space<hbm>>
      tpu.enqueue_indirect_dma source(%dma_start3A_955 : memref<1000000x32xf32, #tpu.memory_space<hbm>>) target(%dma_start3A_949 : memref<20x32xf32, #tpu.memory_space<vmem>>) offsets(%dma_start3A_952 : memref<20xi32, #tpu.memory_space<vmem>>) semaphore(%arg7 : memref<!tpu.dma_semaphore, #tpu.memory_space<semaphore_mem>>) {add = true}
      %dma_start3A_956 = arith.constant 7 : i32
      %dma_start3A_957 = arith.constant 8 : i32
      %dma_start3A_958 = arith.constant 140 : i32
      %dma_start3A_959 = arith.constant 0 : i32
      %dma_start3A_960 = tpu.memref_slice %arg6[%dma_start3A_958, %dma_start3A_959] : memref<160x32xf32, #tpu.memory_space<vmem>> -> memref<20x32xf32, #tpu.memory_space<vmem>>
      %dma_start3A_961 = arith.constant 0 : i32
      %dma_start3A_962 = tpu.memref_slice %arg5[%dma_start3A_956, %dma_start3A_957, %dma_start3A_961] : memref<8x10x20xi32, #tpu.memory_space<vmem>> -> memref<1x1x20xi32, #tpu.memory_space<vmem>>
      %dma_start3A_963 = tpu.memref_squeeze %dma_start3A_962 : memref<1x1x20xi32, #tpu.memory_space<vmem>> -> memref<20xi32, #tpu.memory_space<vmem>>
      %dma_start3A_964 = arith.constant 0 : i32
      %dma_start3A_965 = arith.constant 0 : i32
      %dma_start3A_966 = tpu.memref_slice %arg3[%dma_start3A_964, %dma_start3A_965] : memref<1000000x32xf32, #tpu.memory_space<hbm>> -> memref<1000000x32xf32, #tpu.memory_space<hbm>>
      tpu.enqueue_indirect_dma source(%dma_start3A_966 : memref<1000000x32xf32, #tpu.memory_space<hbm>>) target(%dma_start3A_960 : memref<20x32xf32, #tpu.memory_space<vmem>>) offsets(%dma_start3A_963 : memref<20xi32, #tpu.memory_space<vmem>>) semaphore(%arg7 : memref<!tpu.dma_semaphore, #tpu.memory_space<semaphore_mem>>) {add = true}
      %dma_start3A_967 = arith.constant 7 : i32
      %dma_start3A_968 = arith.constant 9 : i32
      %dma_start3A_969 = arith.constant 140 : i32
      %dma_start3A_970 = arith.constant 0 : i32
      %dma_start3A_971 = tpu.memref_slice %arg6[%dma_start3A_969, %dma_start3A_970] : memref<160x32xf32, #tpu.memory_space<vmem>> -> memref<20x32xf32, #tpu.memory_space<vmem>>
      %dma_start3A_972 = arith.constant 0 : i32
      %dma_start3A_973 = tpu.memref_slice %arg5[%dma_start3A_967, %dma_start3A_968, %dma_start3A_972] : memref<8x10x20xi32, #tpu.memory_space<vmem>> -> memref<1x1x20xi32, #tpu.memory_space<vmem>>
      %dma_start3A_974 = tpu.memref_squeeze %dma_start3A_973 : memref<1x1x20xi32, #tpu.memory_space<vmem>> -> memref<20xi32, #tpu.memory_space<vmem>>
      %dma_start3A_975 = arith.constant 0 : i32
      %dma_start3A_976 = arith.constant 0 : i32
      %dma_start3A_977 = tpu.memref_slice %arg3[%dma_start3A_975, %dma_start3A_976] : memref<1000000x32xf32, #tpu.memory_space<hbm>> -> memref<1000000x32xf32, #tpu.memory_space<hbm>>
      tpu.enqueue_indirect_dma source(%dma_start3A_977 : memref<1000000x32xf32, #tpu.memory_space<hbm>>) target(%dma_start3A_971 : memref<20x32xf32, #tpu.memory_space<vmem>>) offsets(%dma_start3A_974 : memref<20xi32, #tpu.memory_space<vmem>>) semaphore(%arg7 : memref<!tpu.dma_semaphore, #tpu.memory_space<semaphore_mem>>) {add = true}
      %dma_wait3A_978 = arith.constant 0 : i32
      %dma_wait3A_979 = arith.constant 1 : i32
      %dma_wait3A_980 = arith.constant 0 : i32
      %dma_wait3A_981 = arith.constant 0 : i32
      %dma_wait3A_982 = tpu.memref_slice %arg6[%dma_wait3A_980, %dma_wait3A_981] : memref<160x32xf32, #tpu.memory_space<vmem>> -> memref<20x32xf32, #tpu.memory_space<vmem>>
      %dma_wait3A_983 = arith.constant 0 : i32
      %dma_wait3A_984 = tpu.memref_slice %arg5[%dma_wait3A_978, %dma_wait3A_979, %dma_wait3A_983] : memref<8x10x20xi32, #tpu.memory_space<vmem>> -> memref<1x1x20xi32, #tpu.memory_space<vmem>>
      %dma_wait3A_985 = tpu.memref_squeeze %dma_wait3A_984 : memref<1x1x20xi32, #tpu.memory_space<vmem>> -> memref<20xi32, #tpu.memory_space<vmem>>
      %dma_wait3A_986 = arith.constant 0 : i32
      %dma_wait3A_987 = arith.constant 0 : i32
      %dma_wait3A_988 = tpu.memref_slice %arg3[%dma_wait3A_986, %dma_wait3A_987] : memref<1000000x32xf32, #tpu.memory_space<hbm>> -> memref<1000000x32xf32, #tpu.memory_space<hbm>>
      tpu.wait_indirect_dma semaphore(%arg7 : memref<!tpu.dma_semaphore, #tpu.memory_space<semaphore_mem>>) src(%dma_wait3A_988 : memref<1000000x32xf32, #tpu.memory_space<hbm>>) dst(%dma_wait3A_982 : memref<20x32xf32, #tpu.memory_space<vmem>>)
      %dma_wait3A_989 = arith.constant 0 : i32
      %dma_wait3A_990 = arith.constant 2 : i32
      %dma_wait3A_991 = arith.constant 0 : i32
      %dma_wait3A_992 = arith.constant 0 : i32
      %dma_wait3A_993 = tpu.memref_slice %arg6[%dma_wait3A_991, %dma_wait3A_992] : memref<160x32xf32, #tpu.memory_space<vmem>> -> memref<20x32xf32, #tpu.memory_space<vmem>>
      %dma_wait3A_994 = arith.constant 0 : i32
      %dma_wait3A_995 = tpu.memref_slice %arg5[%dma_wait3A_989, %dma_wait3A_990, %dma_wait3A_994] : memref<8x10x20xi32, #tpu.memory_space<vmem>> -> memref<1x1x20xi32, #tpu.memory_space<vmem>>
      %dma_wait3A_996 = tpu.memref_squeeze %dma_wait3A_995 : memref<1x1x20xi32, #tpu.memory_space<vmem>> -> memref<20xi32, #tpu.memory_space<vmem>>
      %dma_wait3A_997 = arith.constant 0 : i32
      %dma_wait3A_998 = arith.constant 0 : i32
      %dma_wait3A_999 = tpu.memref_slice %arg3[%dma_wait3A_997, %dma_wait3A_998] : memref<1000000x32xf32, #tpu.memory_space<hbm>> -> memref<1000000x32xf32, #tpu.memory_space<hbm>>
      tpu.wait_indirect_dma semaphore(%arg7 : memref<!tpu.dma_semaphore, #tpu.memory_space<semaphore_mem>>) src(%dma_wait3A_999 : memref<1000000x32xf32, #tpu.memory_space<hbm>>) dst(%dma_wait3A_993 : memref<20x32xf32, #tpu.memory_space<vmem>>)
      %dma_wait3A_1000 = arith.constant 0 : i32
      %dma_wait3A_1001 = arith.constant 3 : i32
      %dma_wait3A_1002 = arith.constant 0 : i32
      %dma_wait3A_1003 = arith.constant 0 : i32
      %dma_wait3A_1004 = tpu.memref_slice %arg6[%dma_wait3A_1002, %dma_wait3A_1003] : memref<160x32xf32, #tpu.memory_space<vmem>> -> memref<20x32xf32, #tpu.memory_space<vmem>>
      %dma_wait3A_1005 = arith.constant 0 : i32
      %dma_wait3A_1006 = tpu.memref_slice %arg5[%dma_wait3A_1000, %dma_wait3A_1001, %dma_wait3A_1005] : memref<8x10x20xi32, #tpu.memory_space<vmem>> -> memref<1x1x20xi32, #tpu.memory_space<vmem>>
      %dma_wait3A_1007 = tpu.memref_squeeze %dma_wait3A_1006 : memref<1x1x20xi32, #tpu.memory_space<vmem>> -> memref<20xi32, #tpu.memory_space<vmem>>
      %dma_wait3A_1008 = arith.constant 0 : i32
      %dma_wait3A_1009 = arith.constant 0 : i32
      %dma_wait3A_1010 = tpu.memref_slice %arg3[%dma_wait3A_1008, %dma_wait3A_1009] : memref<1000000x32xf32, #tpu.memory_space<hbm>> -> memref<1000000x32xf32, #tpu.memory_space<hbm>>
      tpu.wait_indirect_dma semaphore(%arg7 : memref<!tpu.dma_semaphore, #tpu.memory_space<semaphore_mem>>) src(%dma_wait3A_1010 : memref<1000000x32xf32, #tpu.memory_space<hbm>>) dst(%dma_wait3A_1004 : memref<20x32xf32, #tpu.memory_space<vmem>>)
      %dma_wait3A_1011 = arith.constant 0 : i32
      %dma_wait3A_1012 = arith.constant 4 : i32
      %dma_wait3A_1013 = arith.constant 0 : i32
      %dma_wait3A_1014 = arith.constant 0 : i32
      %dma_wait3A_1015 = tpu.memref_slice %arg6[%dma_wait3A_1013, %dma_wait3A_1014] : memref<160x32xf32, #tpu.memory_space<vmem>> -> memref<20x32xf32, #tpu.memory_space<vmem>>
      %dma_wait3A_1016 = arith.constant 0 : i32
      %dma_wait3A_1017 = tpu.memref_slice %arg5[%dma_wait3A_1011, %dma_wait3A_1012, %dma_wait3A_1016] : memref<8x10x20xi32, #tpu.memory_space<vmem>> -> memref<1x1x20xi32, #tpu.memory_space<vmem>>
      %dma_wait3A_1018 = tpu.memref_squeeze %dma_wait3A_1017 : memref<1x1x20xi32, #tpu.memory_space<vmem>> -> memref<20xi32, #tpu.memory_space<vmem>>
      %dma_wait3A_1019 = arith.constant 0 : i32
      %dma_wait3A_1020 = arith.constant 0 : i32
      %dma_wait3A_1021 = tpu.memref_slice %arg3[%dma_wait3A_1019, %dma_wait3A_1020] : memref<1000000x32xf32, #tpu.memory_space<hbm>> -> memref<1000000x32xf32, #tpu.memory_space<hbm>>
      tpu.wait_indirect_dma semaphore(%arg7 : memref<!tpu.dma_semaphore, #tpu.memory_space<semaphore_mem>>) src(%dma_wait3A_1021 : memref<1000000x32xf32, #tpu.memory_space<hbm>>) dst(%dma_wait3A_1015 : memref<20x32xf32, #tpu.memory_space<vmem>>)
      %dma_wait3A_1022 = arith.constant 0 : i32
      %dma_wait3A_1023 = arith.constant 5 : i32
      %dma_wait3A_1024 = arith.constant 0 : i32
      %dma_wait3A_1025 = arith.constant 0 : i32
      %dma_wait3A_1026 = tpu.memref_slice %arg6[%dma_wait3A_1024, %dma_wait3A_1025] : memref<160x32xf32, #tpu.memory_space<vmem>> -> memref<20x32xf32, #tpu.memory_space<vmem>>
      %dma_wait3A_1027 = arith.constant 0 : i32
      %dma_wait3A_1028 = tpu.memref_slice %arg5[%dma_wait3A_1022, %dma_wait3A_1023, %dma_wait3A_1027] : memref<8x10x20xi32, #tpu.memory_space<vmem>> -> memref<1x1x20xi32, #tpu.memory_space<vmem>>
      %dma_wait3A_1029 = tpu.memref_squeeze %dma_wait3A_1028 : memref<1x1x20xi32, #tpu.memory_space<vmem>> -> memref<20xi32, #tpu.memory_space<vmem>>
      %dma_wait3A_1030 = arith.constant 0 : i32
      %dma_wait3A_1031 = arith.constant 0 : i32
      %dma_wait3A_1032 = tpu.memref_slice %arg3[%dma_wait3A_1030, %dma_wait3A_1031] : memref<1000000x32xf32, #tpu.memory_space<hbm>> -> memref<1000000x32xf32, #tpu.memory_space<hbm>>
      tpu.wait_indirect_dma semaphore(%arg7 : memref<!tpu.dma_semaphore, #tpu.memory_space<semaphore_mem>>) src(%dma_wait3A_1032 : memref<1000000x32xf32, #tpu.memory_space<hbm>>) dst(%dma_wait3A_1026 : memref<20x32xf32, #tpu.memory_space<vmem>>)
      %dma_wait3A_1033 = arith.constant 0 : i32
      %dma_wait3A_1034 = arith.constant 6 : i32
      %dma_wait3A_1035 = arith.constant 0 : i32
      %dma_wait3A_1036 = arith.constant 0 : i32
      %dma_wait3A_1037 = tpu.memref_slice %arg6[%dma_wait3A_1035, %dma_wait3A_1036] : memref<160x32xf32, #tpu.memory_space<vmem>> -> memref<20x32xf32, #tpu.memory_space<vmem>>
      %dma_wait3A_1038 = arith.constant 0 : i32
      %dma_wait3A_1039 = tpu.memref_slice %arg5[%dma_wait3A_1033, %dma_wait3A_1034, %dma_wait3A_1038] : memref<8x10x20xi32, #tpu.memory_space<vmem>> -> memref<1x1x20xi32, #tpu.memory_space<vmem>>
      %dma_wait3A_1040 = tpu.memref_squeeze %dma_wait3A_1039 : memref<1x1x20xi32, #tpu.memory_space<vmem>> -> memref<20xi32, #tpu.memory_space<vmem>>
      %dma_wait3A_1041 = arith.constant 0 : i32
      %dma_wait3A_1042 = arith.constant 0 : i32
      %dma_wait3A_1043 = tpu.memref_slice %arg3[%dma_wait3A_1041, %dma_wait3A_1042] : memref<1000000x32xf32, #tpu.memory_space<hbm>> -> memref<1000000x32xf32, #tpu.memory_space<hbm>>
      tpu.wait_indirect_dma semaphore(%arg7 : memref<!tpu.dma_semaphore, #tpu.memory_space<semaphore_mem>>) src(%dma_wait3A_1043 : memref<1000000x32xf32, #tpu.memory_space<hbm>>) dst(%dma_wait3A_1037 : memref<20x32xf32, #tpu.memory_space<vmem>>)
      %dma_wait3A_1044 = arith.constant 0 : i32
      %dma_wait3A_1045 = arith.constant 7 : i32
      %dma_wait3A_1046 = arith.constant 0 : i32
      %dma_wait3A_1047 = arith.constant 0 : i32
      %dma_wait3A_1048 = tpu.memref_slice %arg6[%dma_wait3A_1046, %dma_wait3A_1047] : memref<160x32xf32, #tpu.memory_space<vmem>> -> memref<20x32xf32, #tpu.memory_space<vmem>>
      %dma_wait3A_1049 = arith.constant 0 : i32
      %dma_wait3A_1050 = tpu.memref_slice %arg5[%dma_wait3A_1044, %dma_wait3A_1045, %dma_wait3A_1049] : memref<8x10x20xi32, #tpu.memory_space<vmem>> -> memref<1x1x20xi32, #tpu.memory_space<vmem>>
      %dma_wait3A_1051 = tpu.memref_squeeze %dma_wait3A_1050 : memref<1x1x20xi32, #tpu.memory_space<vmem>> -> memref<20xi32, #tpu.memory_space<vmem>>
      %dma_wait3A_1052 = arith.constant 0 : i32
      %dma_wait3A_1053 = arith.constant 0 : i32
      %dma_wait3A_1054 = tpu.memref_slice %arg3[%dma_wait3A_1052, %dma_wait3A_1053] : memref<1000000x32xf32, #tpu.memory_space<hbm>> -> memref<1000000x32xf32, #tpu.memory_space<hbm>>
      tpu.wait_indirect_dma semaphore(%arg7 : memref<!tpu.dma_semaphore, #tpu.memory_space<semaphore_mem>>) src(%dma_wait3A_1054 : memref<1000000x32xf32, #tpu.memory_space<hbm>>) dst(%dma_wait3A_1048 : memref<20x32xf32, #tpu.memory_space<vmem>>)
      %dma_wait3A_1055 = arith.constant 0 : i32
      %dma_wait3A_1056 = arith.constant 8 : i32
      %dma_wait3A_1057 = arith.constant 0 : i32
      %dma_wait3A_1058 = arith.constant 0 : i32
      %dma_wait3A_1059 = tpu.memref_slice %arg6[%dma_wait3A_1057, %dma_wait3A_1058] : memref<160x32xf32, #tpu.memory_space<vmem>> -> memref<20x32xf32, #tpu.memory_space<vmem>>
      %dma_wait3A_1060 = arith.constant 0 : i32
      %dma_wait3A_1061 = tpu.memref_slice %arg5[%dma_wait3A_1055, %dma_wait3A_1056, %dma_wait3A_1060] : memref<8x10x20xi32, #tpu.memory_space<vmem>> -> memref<1x1x20xi32, #tpu.memory_space<vmem>>
      %dma_wait3A_1062 = tpu.memref_squeeze %dma_wait3A_1061 : memref<1x1x20xi32, #tpu.memory_space<vmem>> -> memref<20xi32, #tpu.memory_space<vmem>>
      %dma_wait3A_1063 = arith.constant 0 : i32
      %dma_wait3A_1064 = arith.constant 0 : i32
      %dma_wait3A_1065 = tpu.memref_slice %arg3[%dma_wait3A_1063, %dma_wait3A_1064] : memref<1000000x32xf32, #tpu.memory_space<hbm>> -> memref<1000000x32xf32, #tpu.memory_space<hbm>>
      tpu.wait_indirect_dma semaphore(%arg7 : memref<!tpu.dma_semaphore, #tpu.memory_space<semaphore_mem>>) src(%dma_wait3A_1065 : memref<1000000x32xf32, #tpu.memory_space<hbm>>) dst(%dma_wait3A_1059 : memref<20x32xf32, #tpu.memory_space<vmem>>)
      %dma_wait3A_1066 = arith.constant 0 : i32
      %dma_wait3A_1067 = arith.constant 9 : i32
      %dma_wait3A_1068 = arith.constant 0 : i32
      %dma_wait3A_1069 = arith.constant 0 : i32
      %dma_wait3A_1070 = tpu.memref_slice %arg6[%dma_wait3A_1068, %dma_wait3A_1069] : memref<160x32xf32, #tpu.memory_space<vmem>> -> memref<20x32xf32, #tpu.memory_space<vmem>>
      %dma_wait3A_1071 = arith.constant 0 : i32
      %dma_wait3A_1072 = tpu.memref_slice %arg5[%dma_wait3A_1066, %dma_wait3A_1067, %dma_wait3A_1071] : memref<8x10x20xi32, #tpu.memory_space<vmem>> -> memref<1x1x20xi32, #tpu.memory_space<vmem>>
      %dma_wait3A_1073 = tpu.memref_squeeze %dma_wait3A_1072 : memref<1x1x20xi32, #tpu.memory_space<vmem>> -> memref<20xi32, #tpu.memory_space<vmem>>
      %dma_wait3A_1074 = arith.constant 0 : i32
      %dma_wait3A_1075 = arith.constant 0 : i32
      %dma_wait3A_1076 = tpu.memref_slice %arg3[%dma_wait3A_1074, %dma_wait3A_1075] : memref<1000000x32xf32, #tpu.memory_space<hbm>> -> memref<1000000x32xf32, #tpu.memory_space<hbm>>
      tpu.wait_indirect_dma semaphore(%arg7 : memref<!tpu.dma_semaphore, #tpu.memory_space<semaphore_mem>>) src(%dma_wait3A_1076 : memref<1000000x32xf32, #tpu.memory_space<hbm>>) dst(%dma_wait3A_1070 : memref<20x32xf32, #tpu.memory_space<vmem>>)
      %dma_wait3A_1077 = arith.constant 1 : i32
      %dma_wait3A_1078 = arith.constant 1 : i32
      %dma_wait3A_1079 = arith.constant 20 : i32
      %dma_wait3A_1080 = arith.constant 0 : i32
      %dma_wait3A_1081 = tpu.memref_slice %arg6[%dma_wait3A_1079, %dma_wait3A_1080] : memref<160x32xf32, #tpu.memory_space<vmem>> -> memref<20x32xf32, #tpu.memory_space<vmem>>
      %dma_wait3A_1082 = arith.constant 0 : i32
      %dma_wait3A_1083 = tpu.memref_slice %arg5[%dma_wait3A_1077, %dma_wait3A_1078, %dma_wait3A_1082] : memref<8x10x20xi32, #tpu.memory_space<vmem>> -> memref<1x1x20xi32, #tpu.memory_space<vmem>>
      %dma_wait3A_1084 = tpu.memref_squeeze %dma_wait3A_1083 : memref<1x1x20xi32, #tpu.memory_space<vmem>> -> memref<20xi32, #tpu.memory_space<vmem>>
      %dma_wait3A_1085 = arith.constant 0 : i32
      %dma_wait3A_1086 = arith.constant 0 : i32
      %dma_wait3A_1087 = tpu.memref_slice %arg3[%dma_wait3A_1085, %dma_wait3A_1086] : memref<1000000x32xf32, #tpu.memory_space<hbm>> -> memref<1000000x32xf32, #tpu.memory_space<hbm>>
      tpu.wait_indirect_dma semaphore(%arg7 : memref<!tpu.dma_semaphore, #tpu.memory_space<semaphore_mem>>) src(%dma_wait3A_1087 : memref<1000000x32xf32, #tpu.memory_space<hbm>>) dst(%dma_wait3A_1081 : memref<20x32xf32, #tpu.memory_space<vmem>>)
      %dma_wait3A_1088 = arith.constant 1 : i32
      %dma_wait3A_1089 = arith.constant 2 : i32
      %dma_wait3A_1090 = arith.constant 20 : i32
      %dma_wait3A_1091 = arith.constant 0 : i32
      %dma_wait3A_1092 = tpu.memref_slice %arg6[%dma_wait3A_1090, %dma_wait3A_1091] : memref<160x32xf32, #tpu.memory_space<vmem>> -> memref<20x32xf32, #tpu.memory_space<vmem>>
      %dma_wait3A_1093 = arith.constant 0 : i32
      %dma_wait3A_1094 = tpu.memref_slice %arg5[%dma_wait3A_1088, %dma_wait3A_1089, %dma_wait3A_1093] : memref<8x10x20xi32, #tpu.memory_space<vmem>> -> memref<1x1x20xi32, #tpu.memory_space<vmem>>
      %dma_wait3A_1095 = tpu.memref_squeeze %dma_wait3A_1094 : memref<1x1x20xi32, #tpu.memory_space<vmem>> -> memref<20xi32, #tpu.memory_space<vmem>>
      %dma_wait3A_1096 = arith.constant 0 : i32
      %dma_wait3A_1097 = arith.constant 0 : i32
      %dma_wait3A_1098 = tpu.memref_slice %arg3[%dma_wait3A_1096, %dma_wait3A_1097] : memref<1000000x32xf32, #tpu.memory_space<hbm>> -> memref<1000000x32xf32, #tpu.memory_space<hbm>>
      tpu.wait_indirect_dma semaphore(%arg7 : memref<!tpu.dma_semaphore, #tpu.memory_space<semaphore_mem>>) src(%dma_wait3A_1098 : memref<1000000x32xf32, #tpu.memory_space<hbm>>) dst(%dma_wait3A_1092 : memref<20x32xf32, #tpu.memory_space<vmem>>)
      %dma_wait3A_1099 = arith.constant 1 : i32
      %dma_wait3A_1100 = arith.constant 3 : i32
      %dma_wait3A_1101 = arith.constant 20 : i32
      %dma_wait3A_1102 = arith.constant 0 : i32
      %dma_wait3A_1103 = tpu.memref_slice %arg6[%dma_wait3A_1101, %dma_wait3A_1102] : memref<160x32xf32, #tpu.memory_space<vmem>> -> memref<20x32xf32, #tpu.memory_space<vmem>>
      %dma_wait3A_1104 = arith.constant 0 : i32
      %dma_wait3A_1105 = tpu.memref_slice %arg5[%dma_wait3A_1099, %dma_wait3A_1100, %dma_wait3A_1104] : memref<8x10x20xi32, #tpu.memory_space<vmem>> -> memref<1x1x20xi32, #tpu.memory_space<vmem>>
      %dma_wait3A_1106 = tpu.memref_squeeze %dma_wait3A_1105 : memref<1x1x20xi32, #tpu.memory_space<vmem>> -> memref<20xi32, #tpu.memory_space<vmem>>
      %dma_wait3A_1107 = arith.constant 0 : i32
      %dma_wait3A_1108 = arith.constant 0 : i32
      %dma_wait3A_1109 = tpu.memref_slice %arg3[%dma_wait3A_1107, %dma_wait3A_1108] : memref<1000000x32xf32, #tpu.memory_space<hbm>> -> memref<1000000x32xf32, #tpu.memory_space<hbm>>
      tpu.wait_indirect_dma semaphore(%arg7 : memref<!tpu.dma_semaphore, #tpu.memory_space<semaphore_mem>>) src(%dma_wait3A_1109 : memref<1000000x32xf32, #tpu.memory_space<hbm>>) dst(%dma_wait3A_1103 : memref<20x32xf32, #tpu.memory_space<vmem>>)
      %dma_wait3A_1110 = arith.constant 1 : i32
      %dma_wait3A_1111 = arith.constant 4 : i32
      %dma_wait3A_1112 = arith.constant 20 : i32
      %dma_wait3A_1113 = arith.constant 0 : i32
      %dma_wait3A_1114 = tpu.memref_slice %arg6[%dma_wait3A_1112, %dma_wait3A_1113] : memref<160x32xf32, #tpu.memory_space<vmem>> -> memref<20x32xf32, #tpu.memory_space<vmem>>
      %dma_wait3A_1115 = arith.constant 0 : i32
      %dma_wait3A_1116 = tpu.memref_slice %arg5[%dma_wait3A_1110, %dma_wait3A_1111, %dma_wait3A_1115] : memref<8x10x20xi32, #tpu.memory_space<vmem>> -> memref<1x1x20xi32, #tpu.memory_space<vmem>>
      %dma_wait3A_1117 = tpu.memref_squeeze %dma_wait3A_1116 : memref<1x1x20xi32, #tpu.memory_space<vmem>> -> memref<20xi32, #tpu.memory_space<vmem>>
      %dma_wait3A_1118 = arith.constant 0 : i32
      %dma_wait3A_1119 = arith.constant 0 : i32
      %dma_wait3A_1120 = tpu.memref_slice %arg3[%dma_wait3A_1118, %dma_wait3A_1119] : memref<1000000x32xf32, #tpu.memory_space<hbm>> -> memref<1000000x32xf32, #tpu.memory_space<hbm>>
      tpu.wait_indirect_dma semaphore(%arg7 : memref<!tpu.dma_semaphore, #tpu.memory_space<semaphore_mem>>) src(%dma_wait3A_1120 : memref<1000000x32xf32, #tpu.memory_space<hbm>>) dst(%dma_wait3A_1114 : memref<20x32xf32, #tpu.memory_space<vmem>>)
      %dma_wait3A_1121 = arith.constant 1 : i32
      %dma_wait3A_1122 = arith.constant 5 : i32
      %dma_wait3A_1123 = arith.constant 20 : i32
      %dma_wait3A_1124 = arith.constant 0 : i32
      %dma_wait3A_1125 = tpu.memref_slice %arg6[%dma_wait3A_1123, %dma_wait3A_1124] : memref<160x32xf32, #tpu.memory_space<vmem>> -> memref<20x32xf32, #tpu.memory_space<vmem>>
      %dma_wait3A_1126 = arith.constant 0 : i32
      %dma_wait3A_1127 = tpu.memref_slice %arg5[%dma_wait3A_1121, %dma_wait3A_1122, %dma_wait3A_1126] : memref<8x10x20xi32, #tpu.memory_space<vmem>> -> memref<1x1x20xi32, #tpu.memory_space<vmem>>
      %dma_wait3A_1128 = tpu.memref_squeeze %dma_wait3A_1127 : memref<1x1x20xi32, #tpu.memory_space<vmem>> -> memref<20xi32, #tpu.memory_space<vmem>>
      %dma_wait3A_1129 = arith.constant 0 : i32
      %dma_wait3A_1130 = arith.constant 0 : i32
      %dma_wait3A_1131 = tpu.memref_slice %arg3[%dma_wait3A_1129, %dma_wait3A_1130] : memref<1000000x32xf32, #tpu.memory_space<hbm>> -> memref<1000000x32xf32, #tpu.memory_space<hbm>>
      tpu.wait_indirect_dma semaphore(%arg7 : memref<!tpu.dma_semaphore, #tpu.memory_space<semaphore_mem>>) src(%dma_wait3A_1131 : memref<1000000x32xf32, #tpu.memory_space<hbm>>) dst(%dma_wait3A_1125 : memref<20x32xf32, #tpu.memory_space<vmem>>)
      %dma_wait3A_1132 = arith.constant 1 : i32
      %dma_wait3A_1133 = arith.constant 6 : i32
      %dma_wait3A_1134 = arith.constant 20 : i32
      %dma_wait3A_1135 = arith.constant 0 : i32
      %dma_wait3A_1136 = tpu.memref_slice %arg6[%dma_wait3A_1134, %dma_wait3A_1135] : memref<160x32xf32, #tpu.memory_space<vmem>> -> memref<20x32xf32, #tpu.memory_space<vmem>>
      %dma_wait3A_1137 = arith.constant 0 : i32
      %dma_wait3A_1138 = tpu.memref_slice %arg5[%dma_wait3A_1132, %dma_wait3A_1133, %dma_wait3A_1137] : memref<8x10x20xi32, #tpu.memory_space<vmem>> -> memref<1x1x20xi32, #tpu.memory_space<vmem>>
      %dma_wait3A_1139 = tpu.memref_squeeze %dma_wait3A_1138 : memref<1x1x20xi32, #tpu.memory_space<vmem>> -> memref<20xi32, #tpu.memory_space<vmem>>
      %dma_wait3A_1140 = arith.constant 0 : i32
      %dma_wait3A_1141 = arith.constant 0 : i32
      %dma_wait3A_1142 = tpu.memref_slice %arg3[%dma_wait3A_1140, %dma_wait3A_1141] : memref<1000000x32xf32, #tpu.memory_space<hbm>> -> memref<1000000x32xf32, #tpu.memory_space<hbm>>
      tpu.wait_indirect_dma semaphore(%arg7 : memref<!tpu.dma_semaphore, #tpu.memory_space<semaphore_mem>>) src(%dma_wait3A_1142 : memref<1000000x32xf32, #tpu.memory_space<hbm>>) dst(%dma_wait3A_1136 : memref<20x32xf32, #tpu.memory_space<vmem>>)
      %dma_wait3A_1143 = arith.constant 1 : i32
      %dma_wait3A_1144 = arith.constant 7 : i32
      %dma_wait3A_1145 = arith.constant 20 : i32
      %dma_wait3A_1146 = arith.constant 0 : i32
      %dma_wait3A_1147 = tpu.memref_slice %arg6[%dma_wait3A_1145, %dma_wait3A_1146] : memref<160x32xf32, #tpu.memory_space<vmem>> -> memref<20x32xf32, #tpu.memory_space<vmem>>
      %dma_wait3A_1148 = arith.constant 0 : i32
      %dma_wait3A_1149 = tpu.memref_slice %arg5[%dma_wait3A_1143, %dma_wait3A_1144, %dma_wait3A_1148] : memref<8x10x20xi32, #tpu.memory_space<vmem>> -> memref<1x1x20xi32, #tpu.memory_space<vmem>>
      %dma_wait3A_1150 = tpu.memref_squeeze %dma_wait3A_1149 : memref<1x1x20xi32, #tpu.memory_space<vmem>> -> memref<20xi32, #tpu.memory_space<vmem>>
      %dma_wait3A_1151 = arith.constant 0 : i32
      %dma_wait3A_1152 = arith.constant 0 : i32
      %dma_wait3A_1153 = tpu.memref_slice %arg3[%dma_wait3A_1151, %dma_wait3A_1152] : memref<1000000x32xf32, #tpu.memory_space<hbm>> -> memref<1000000x32xf32, #tpu.memory_space<hbm>>
      tpu.wait_indirect_dma semaphore(%arg7 : memref<!tpu.dma_semaphore, #tpu.memory_space<semaphore_mem>>) src(%dma_wait3A_1153 : memref<1000000x32xf32, #tpu.memory_space<hbm>>) dst(%dma_wait3A_1147 : memref<20x32xf32, #tpu.memory_space<vmem>>)
      %dma_wait3A_1154 = arith.constant 1 : i32
      %dma_wait3A_1155 = arith.constant 8 : i32
      %dma_wait3A_1156 = arith.constant 20 : i32
      %dma_wait3A_1157 = arith.constant 0 : i32
      %dma_wait3A_1158 = tpu.memref_slice %arg6[%dma_wait3A_1156, %dma_wait3A_1157] : memref<160x32xf32, #tpu.memory_space<vmem>> -> memref<20x32xf32, #tpu.memory_space<vmem>>
      %dma_wait3A_1159 = arith.constant 0 : i32
      %dma_wait3A_1160 = tpu.memref_slice %arg5[%dma_wait3A_1154, %dma_wait3A_1155, %dma_wait3A_1159] : memref<8x10x20xi32, #tpu.memory_space<vmem>> -> memref<1x1x20xi32, #tpu.memory_space<vmem>>
      %dma_wait3A_1161 = tpu.memref_squeeze %dma_wait3A_1160 : memref<1x1x20xi32, #tpu.memory_space<vmem>> -> memref<20xi32, #tpu.memory_space<vmem>>
      %dma_wait3A_1162 = arith.constant 0 : i32
      %dma_wait3A_1163 = arith.constant 0 : i32
      %dma_wait3A_1164 = tpu.memref_slice %arg3[%dma_wait3A_1162, %dma_wait3A_1163] : memref<1000000x32xf32, #tpu.memory_space<hbm>> -> memref<1000000x32xf32, #tpu.memory_space<hbm>>
      tpu.wait_indirect_dma semaphore(%arg7 : memref<!tpu.dma_semaphore, #tpu.memory_space<semaphore_mem>>) src(%dma_wait3A_1164 : memref<1000000x32xf32, #tpu.memory_space<hbm>>) dst(%dma_wait3A_1158 : memref<20x32xf32, #tpu.memory_space<vmem>>)
      %dma_wait3A_1165 = arith.constant 1 : i32
      %dma_wait3A_1166 = arith.constant 9 : i32
      %dma_wait3A_1167 = arith.constant 20 : i32
      %dma_wait3A_1168 = arith.constant 0 : i32
      %dma_wait3A_1169 = tpu.memref_slice %arg6[%dma_wait3A_1167, %dma_wait3A_1168] : memref<160x32xf32, #tpu.memory_space<vmem>> -> memref<20x32xf32, #tpu.memory_space<vmem>>
      %dma_wait3A_1170 = arith.constant 0 : i32
      %dma_wait3A_1171 = tpu.memref_slice %arg5[%dma_wait3A_1165, %dma_wait3A_1166, %dma_wait3A_1170] : memref<8x10x20xi32, #tpu.memory_space<vmem>> -> memref<1x1x20xi32, #tpu.memory_space<vmem>>
      %dma_wait3A_1172 = tpu.memref_squeeze %dma_wait3A_1171 : memref<1x1x20xi32, #tpu.memory_space<vmem>> -> memref<20xi32, #tpu.memory_space<vmem>>
      %dma_wait3A_1173 = arith.constant 0 : i32
      %dma_wait3A_1174 = arith.constant 0 : i32
      %dma_wait3A_1175 = tpu.memref_slice %arg3[%dma_wait3A_1173, %dma_wait3A_1174] : memref<1000000x32xf32, #tpu.memory_space<hbm>> -> memref<1000000x32xf32, #tpu.memory_space<hbm>>
      tpu.wait_indirect_dma semaphore(%arg7 : memref<!tpu.dma_semaphore, #tpu.memory_space<semaphore_mem>>) src(%dma_wait3A_1175 : memref<1000000x32xf32, #tpu.memory_space<hbm>>) dst(%dma_wait3A_1169 : memref<20x32xf32, #tpu.memory_space<vmem>>)
      %dma_wait3A_1176 = arith.constant 2 : i32
      %dma_wait3A_1177 = arith.constant 1 : i32
      %dma_wait3A_1178 = arith.constant 40 : i32
      %dma_wait3A_1179 = arith.constant 0 : i32
      %dma_wait3A_1180 = tpu.memref_slice %arg6[%dma_wait3A_1178, %dma_wait3A_1179] : memref<160x32xf32, #tpu.memory_space<vmem>> -> memref<20x32xf32, #tpu.memory_space<vmem>>
      %dma_wait3A_1181 = arith.constant 0 : i32
      %dma_wait3A_1182 = tpu.memref_slice %arg5[%dma_wait3A_1176, %dma_wait3A_1177, %dma_wait3A_1181] : memref<8x10x20xi32, #tpu.memory_space<vmem>> -> memref<1x1x20xi32, #tpu.memory_space<vmem>>
      %dma_wait3A_1183 = tpu.memref_squeeze %dma_wait3A_1182 : memref<1x1x20xi32, #tpu.memory_space<vmem>> -> memref<20xi32, #tpu.memory_space<vmem>>
      %dma_wait3A_1184 = arith.constant 0 : i32
      %dma_wait3A_1185 = arith.constant 0 : i32
      %dma_wait3A_1186 = tpu.memref_slice %arg3[%dma_wait3A_1184, %dma_wait3A_1185] : memref<1000000x32xf32, #tpu.memory_space<hbm>> -> memref<1000000x32xf32, #tpu.memory_space<hbm>>
      tpu.wait_indirect_dma semaphore(%arg7 : memref<!tpu.dma_semaphore, #tpu.memory_space<semaphore_mem>>) src(%dma_wait3A_1186 : memref<1000000x32xf32, #tpu.memory_space<hbm>>) dst(%dma_wait3A_1180 : memref<20x32xf32, #tpu.memory_space<vmem>>)
      %dma_wait3A_1187 = arith.constant 2 : i32
      %dma_wait3A_1188 = arith.constant 2 : i32
      %dma_wait3A_1189 = arith.constant 40 : i32
      %dma_wait3A_1190 = arith.constant 0 : i32
      %dma_wait3A_1191 = tpu.memref_slice %arg6[%dma_wait3A_1189, %dma_wait3A_1190] : memref<160x32xf32, #tpu.memory_space<vmem>> -> memref<20x32xf32, #tpu.memory_space<vmem>>
      %dma_wait3A_1192 = arith.constant 0 : i32
      %dma_wait3A_1193 = tpu.memref_slice %arg5[%dma_wait3A_1187, %dma_wait3A_1188, %dma_wait3A_1192] : memref<8x10x20xi32, #tpu.memory_space<vmem>> -> memref<1x1x20xi32, #tpu.memory_space<vmem>>
      %dma_wait3A_1194 = tpu.memref_squeeze %dma_wait3A_1193 : memref<1x1x20xi32, #tpu.memory_space<vmem>> -> memref<20xi32, #tpu.memory_space<vmem>>
      %dma_wait3A_1195 = arith.constant 0 : i32
      %dma_wait3A_1196 = arith.constant 0 : i32
      %dma_wait3A_1197 = tpu.memref_slice %arg3[%dma_wait3A_1195, %dma_wait3A_1196] : memref<1000000x32xf32, #tpu.memory_space<hbm>> -> memref<1000000x32xf32, #tpu.memory_space<hbm>>
      tpu.wait_indirect_dma semaphore(%arg7 : memref<!tpu.dma_semaphore, #tpu.memory_space<semaphore_mem>>) src(%dma_wait3A_1197 : memref<1000000x32xf32, #tpu.memory_space<hbm>>) dst(%dma_wait3A_1191 : memref<20x32xf32, #tpu.memory_space<vmem>>)
      %dma_wait3A_1198 = arith.constant 2 : i32
      %dma_wait3A_1199 = arith.constant 3 : i32
      %dma_wait3A_1200 = arith.constant 40 : i32
      %dma_wait3A_1201 = arith.constant 0 : i32
      %dma_wait3A_1202 = tpu.memref_slice %arg6[%dma_wait3A_1200, %dma_wait3A_1201] : memref<160x32xf32, #tpu.memory_space<vmem>> -> memref<20x32xf32, #tpu.memory_space<vmem>>
      %dma_wait3A_1203 = arith.constant 0 : i32
      %dma_wait3A_1204 = tpu.memref_slice %arg5[%dma_wait3A_1198, %dma_wait3A_1199, %dma_wait3A_1203] : memref<8x10x20xi32, #tpu.memory_space<vmem>> -> memref<1x1x20xi32, #tpu.memory_space<vmem>>
      %dma_wait3A_1205 = tpu.memref_squeeze %dma_wait3A_1204 : memref<1x1x20xi32, #tpu.memory_space<vmem>> -> memref<20xi32, #tpu.memory_space<vmem>>
      %dma_wait3A_1206 = arith.constant 0 : i32
      %dma_wait3A_1207 = arith.constant 0 : i32
      %dma_wait3A_1208 = tpu.memref_slice %arg3[%dma_wait3A_1206, %dma_wait3A_1207] : memref<1000000x32xf32, #tpu.memory_space<hbm>> -> memref<1000000x32xf32, #tpu.memory_space<hbm>>
      tpu.wait_indirect_dma semaphore(%arg7 : memref<!tpu.dma_semaphore, #tpu.memory_space<semaphore_mem>>) src(%dma_wait3A_1208 : memref<1000000x32xf32, #tpu.memory_space<hbm>>) dst(%dma_wait3A_1202 : memref<20x32xf32, #tpu.memory_space<vmem>>)
      %dma_wait3A_1209 = arith.constant 2 : i32
      %dma_wait3A_1210 = arith.constant 4 : i32
      %dma_wait3A_1211 = arith.constant 40 : i32
      %dma_wait3A_1212 = arith.constant 0 : i32
      %dma_wait3A_1213 = tpu.memref_slice %arg6[%dma_wait3A_1211, %dma_wait3A_1212] : memref<160x32xf32, #tpu.memory_space<vmem>> -> memref<20x32xf32, #tpu.memory_space<vmem>>
      %dma_wait3A_1214 = arith.constant 0 : i32
      %dma_wait3A_1215 = tpu.memref_slice %arg5[%dma_wait3A_1209, %dma_wait3A_1210, %dma_wait3A_1214] : memref<8x10x20xi32, #tpu.memory_space<vmem>> -> memref<1x1x20xi32, #tpu.memory_space<vmem>>
      %dma_wait3A_1216 = tpu.memref_squeeze %dma_wait3A_1215 : memref<1x1x20xi32, #tpu.memory_space<vmem>> -> memref<20xi32, #tpu.memory_space<vmem>>
      %dma_wait3A_1217 = arith.constant 0 : i32
      %dma_wait3A_1218 = arith.constant 0 : i32
      %dma_wait3A_1219 = tpu.memref_slice %arg3[%dma_wait3A_1217, %dma_wait3A_1218] : memref<1000000x32xf32, #tpu.memory_space<hbm>> -> memref<1000000x32xf32, #tpu.memory_space<hbm>>
      tpu.wait_indirect_dma semaphore(%arg7 : memref<!tpu.dma_semaphore, #tpu.memory_space<semaphore_mem>>) src(%dma_wait3A_1219 : memref<1000000x32xf32, #tpu.memory_space<hbm>>) dst(%dma_wait3A_1213 : memref<20x32xf32, #tpu.memory_space<vmem>>)
      %dma_wait3A_1220 = arith.constant 2 : i32
      %dma_wait3A_1221 = arith.constant 5 : i32
      %dma_wait3A_1222 = arith.constant 40 : i32
      %dma_wait3A_1223 = arith.constant 0 : i32
      %dma_wait3A_1224 = tpu.memref_slice %arg6[%dma_wait3A_1222, %dma_wait3A_1223] : memref<160x32xf32, #tpu.memory_space<vmem>> -> memref<20x32xf32, #tpu.memory_space<vmem>>
      %dma_wait3A_1225 = arith.constant 0 : i32
      %dma_wait3A_1226 = tpu.memref_slice %arg5[%dma_wait3A_1220, %dma_wait3A_1221, %dma_wait3A_1225] : memref<8x10x20xi32, #tpu.memory_space<vmem>> -> memref<1x1x20xi32, #tpu.memory_space<vmem>>
      %dma_wait3A_1227 = tpu.memref_squeeze %dma_wait3A_1226 : memref<1x1x20xi32, #tpu.memory_space<vmem>> -> memref<20xi32, #tpu.memory_space<vmem>>
      %dma_wait3A_1228 = arith.constant 0 : i32
      %dma_wait3A_1229 = arith.constant 0 : i32
      %dma_wait3A_1230 = tpu.memref_slice %arg3[%dma_wait3A_1228, %dma_wait3A_1229] : memref<1000000x32xf32, #tpu.memory_space<hbm>> -> memref<1000000x32xf32, #tpu.memory_space<hbm>>
      tpu.wait_indirect_dma semaphore(%arg7 : memref<!tpu.dma_semaphore, #tpu.memory_space<semaphore_mem>>) src(%dma_wait3A_1230 : memref<1000000x32xf32, #tpu.memory_space<hbm>>) dst(%dma_wait3A_1224 : memref<20x32xf32, #tpu.memory_space<vmem>>)
      %dma_wait3A_1231 = arith.constant 2 : i32
      %dma_wait3A_1232 = arith.constant 6 : i32
      %dma_wait3A_1233 = arith.constant 40 : i32
      %dma_wait3A_1234 = arith.constant 0 : i32
      %dma_wait3A_1235 = tpu.memref_slice %arg6[%dma_wait3A_1233, %dma_wait3A_1234] : memref<160x32xf32, #tpu.memory_space<vmem>> -> memref<20x32xf32, #tpu.memory_space<vmem>>
      %dma_wait3A_1236 = arith.constant 0 : i32
      %dma_wait3A_1237 = tpu.memref_slice %arg5[%dma_wait3A_1231, %dma_wait3A_1232, %dma_wait3A_1236] : memref<8x10x20xi32, #tpu.memory_space<vmem>> -> memref<1x1x20xi32, #tpu.memory_space<vmem>>
      %dma_wait3A_1238 = tpu.memref_squeeze %dma_wait3A_1237 : memref<1x1x20xi32, #tpu.memory_space<vmem>> -> memref<20xi32, #tpu.memory_space<vmem>>
      %dma_wait3A_1239 = arith.constant 0 : i32
      %dma_wait3A_1240 = arith.constant 0 : i32
      %dma_wait3A_1241 = tpu.memref_slice %arg3[%dma_wait3A_1239, %dma_wait3A_1240] : memref<1000000x32xf32, #tpu.memory_space<hbm>> -> memref<1000000x32xf32, #tpu.memory_space<hbm>>
      tpu.wait_indirect_dma semaphore(%arg7 : memref<!tpu.dma_semaphore, #tpu.memory_space<semaphore_mem>>) src(%dma_wait3A_1241 : memref<1000000x32xf32, #tpu.memory_space<hbm>>) dst(%dma_wait3A_1235 : memref<20x32xf32, #tpu.memory_space<vmem>>)
      %dma_wait3A_1242 = arith.constant 2 : i32
      %dma_wait3A_1243 = arith.constant 7 : i32
      %dma_wait3A_1244 = arith.constant 40 : i32
      %dma_wait3A_1245 = arith.constant 0 : i32
      %dma_wait3A_1246 = tpu.memref_slice %arg6[%dma_wait3A_1244, %dma_wait3A_1245] : memref<160x32xf32, #tpu.memory_space<vmem>> -> memref<20x32xf32, #tpu.memory_space<vmem>>
      %dma_wait3A_1247 = arith.constant 0 : i32
      %dma_wait3A_1248 = tpu.memref_slice %arg5[%dma_wait3A_1242, %dma_wait3A_1243, %dma_wait3A_1247] : memref<8x10x20xi32, #tpu.memory_space<vmem>> -> memref<1x1x20xi32, #tpu.memory_space<vmem>>
      %dma_wait3A_1249 = tpu.memref_squeeze %dma_wait3A_1248 : memref<1x1x20xi32, #tpu.memory_space<vmem>> -> memref<20xi32, #tpu.memory_space<vmem>>
      %dma_wait3A_1250 = arith.constant 0 : i32
      %dma_wait3A_1251 = arith.constant 0 : i32
      %dma_wait3A_1252 = tpu.memref_slice %arg3[%dma_wait3A_1250, %dma_wait3A_1251] : memref<1000000x32xf32, #tpu.memory_space<hbm>> -> memref<1000000x32xf32, #tpu.memory_space<hbm>>
      tpu.wait_indirect_dma semaphore(%arg7 : memref<!tpu.dma_semaphore, #tpu.memory_space<semaphore_mem>>) src(%dma_wait3A_1252 : memref<1000000x32xf32, #tpu.memory_space<hbm>>) dst(%dma_wait3A_1246 : memref<20x32xf32, #tpu.memory_space<vmem>>)
      %dma_wait3A_1253 = arith.constant 2 : i32
      %dma_wait3A_1254 = arith.constant 8 : i32
      %dma_wait3A_1255 = arith.constant 40 : i32
      %dma_wait3A_1256 = arith.constant 0 : i32
      %dma_wait3A_1257 = tpu.memref_slice %arg6[%dma_wait3A_1255, %dma_wait3A_1256] : memref<160x32xf32, #tpu.memory_space<vmem>> -> memref<20x32xf32, #tpu.memory_space<vmem>>
      %dma_wait3A_1258 = arith.constant 0 : i32
      %dma_wait3A_1259 = tpu.memref_slice %arg5[%dma_wait3A_1253, %dma_wait3A_1254, %dma_wait3A_1258] : memref<8x10x20xi32, #tpu.memory_space<vmem>> -> memref<1x1x20xi32, #tpu.memory_space<vmem>>
      %dma_wait3A_1260 = tpu.memref_squeeze %dma_wait3A_1259 : memref<1x1x20xi32, #tpu.memory_space<vmem>> -> memref<20xi32, #tpu.memory_space<vmem>>
      %dma_wait3A_1261 = arith.constant 0 : i32
      %dma_wait3A_1262 = arith.constant 0 : i32
      %dma_wait3A_1263 = tpu.memref_slice %arg3[%dma_wait3A_1261, %dma_wait3A_1262] : memref<1000000x32xf32, #tpu.memory_space<hbm>> -> memref<1000000x32xf32, #tpu.memory_space<hbm>>
      tpu.wait_indirect_dma semaphore(%arg7 : memref<!tpu.dma_semaphore, #tpu.memory_space<semaphore_mem>>) src(%dma_wait3A_1263 : memref<1000000x32xf32, #tpu.memory_space<hbm>>) dst(%dma_wait3A_1257 : memref<20x32xf32, #tpu.memory_space<vmem>>)
      %dma_wait3A_1264 = arith.constant 2 : i32
      %dma_wait3A_1265 = arith.constant 9 : i32
      %dma_wait3A_1266 = arith.constant 40 : i32
      %dma_wait3A_1267 = arith.constant 0 : i32
      %dma_wait3A_1268 = tpu.memref_slice %arg6[%dma_wait3A_1266, %dma_wait3A_1267] : memref<160x32xf32, #tpu.memory_space<vmem>> -> memref<20x32xf32, #tpu.memory_space<vmem>>
      %dma_wait3A_1269 = arith.constant 0 : i32
      %dma_wait3A_1270 = tpu.memref_slice %arg5[%dma_wait3A_1264, %dma_wait3A_1265, %dma_wait3A_1269] : memref<8x10x20xi32, #tpu.memory_space<vmem>> -> memref<1x1x20xi32, #tpu.memory_space<vmem>>
      %dma_wait3A_1271 = tpu.memref_squeeze %dma_wait3A_1270 : memref<1x1x20xi32, #tpu.memory_space<vmem>> -> memref<20xi32, #tpu.memory_space<vmem>>
      %dma_wait3A_1272 = arith.constant 0 : i32
      %dma_wait3A_1273 = arith.constant 0 : i32
      %dma_wait3A_1274 = tpu.memref_slice %arg3[%dma_wait3A_1272, %dma_wait3A_1273] : memref<1000000x32xf32, #tpu.memory_space<hbm>> -> memref<1000000x32xf32, #tpu.memory_space<hbm>>
      tpu.wait_indirect_dma semaphore(%arg7 : memref<!tpu.dma_semaphore, #tpu.memory_space<semaphore_mem>>) src(%dma_wait3A_1274 : memref<1000000x32xf32, #tpu.memory_space<hbm>>) dst(%dma_wait3A_1268 : memref<20x32xf32, #tpu.memory_space<vmem>>)
      %dma_wait3A_1275 = arith.constant 3 : i32
      %dma_wait3A_1276 = arith.constant 1 : i32
      %dma_wait3A_1277 = arith.constant 60 : i32
      %dma_wait3A_1278 = arith.constant 0 : i32
      %dma_wait3A_1279 = tpu.memref_slice %arg6[%dma_wait3A_1277, %dma_wait3A_1278] : memref<160x32xf32, #tpu.memory_space<vmem>> -> memref<20x32xf32, #tpu.memory_space<vmem>>
      %dma_wait3A_1280 = arith.constant 0 : i32
      %dma_wait3A_1281 = tpu.memref_slice %arg5[%dma_wait3A_1275, %dma_wait3A_1276, %dma_wait3A_1280] : memref<8x10x20xi32, #tpu.memory_space<vmem>> -> memref<1x1x20xi32, #tpu.memory_space<vmem>>
      %dma_wait3A_1282 = tpu.memref_squeeze %dma_wait3A_1281 : memref<1x1x20xi32, #tpu.memory_space<vmem>> -> memref<20xi32, #tpu.memory_space<vmem>>
      %dma_wait3A_1283 = arith.constant 0 : i32
      %dma_wait3A_1284 = arith.constant 0 : i32
      %dma_wait3A_1285 = tpu.memref_slice %arg3[%dma_wait3A_1283, %dma_wait3A_1284] : memref<1000000x32xf32, #tpu.memory_space<hbm>> -> memref<1000000x32xf32, #tpu.memory_space<hbm>>
      tpu.wait_indirect_dma semaphore(%arg7 : memref<!tpu.dma_semaphore, #tpu.memory_space<semaphore_mem>>) src(%dma_wait3A_1285 : memref<1000000x32xf32, #tpu.memory_space<hbm>>) dst(%dma_wait3A_1279 : memref<20x32xf32, #tpu.memory_space<vmem>>)
      %dma_wait3A_1286 = arith.constant 3 : i32
      %dma_wait3A_1287 = arith.constant 2 : i32
      %dma_wait3A_1288 = arith.constant 60 : i32
      %dma_wait3A_1289 = arith.constant 0 : i32
      %dma_wait3A_1290 = tpu.memref_slice %arg6[%dma_wait3A_1288, %dma_wait3A_1289] : memref<160x32xf32, #tpu.memory_space<vmem>> -> memref<20x32xf32, #tpu.memory_space<vmem>>
      %dma_wait3A_1291 = arith.constant 0 : i32
      %dma_wait3A_1292 = tpu.memref_slice %arg5[%dma_wait3A_1286, %dma_wait3A_1287, %dma_wait3A_1291] : memref<8x10x20xi32, #tpu.memory_space<vmem>> -> memref<1x1x20xi32, #tpu.memory_space<vmem>>
      %dma_wait3A_1293 = tpu.memref_squeeze %dma_wait3A_1292 : memref<1x1x20xi32, #tpu.memory_space<vmem>> -> memref<20xi32, #tpu.memory_space<vmem>>
      %dma_wait3A_1294 = arith.constant 0 : i32
      %dma_wait3A_1295 = arith.constant 0 : i32
      %dma_wait3A_1296 = tpu.memref_slice %arg3[%dma_wait3A_1294, %dma_wait3A_1295] : memref<1000000x32xf32, #tpu.memory_space<hbm>> -> memref<1000000x32xf32, #tpu.memory_space<hbm>>
      tpu.wait_indirect_dma semaphore(%arg7 : memref<!tpu.dma_semaphore, #tpu.memory_space<semaphore_mem>>) src(%dma_wait3A_1296 : memref<1000000x32xf32, #tpu.memory_space<hbm>>) dst(%dma_wait3A_1290 : memref<20x32xf32, #tpu.memory_space<vmem>>)
      %dma_wait3A_1297 = arith.constant 3 : i32
      %dma_wait3A_1298 = arith.constant 3 : i32
      %dma_wait3A_1299 = arith.constant 60 : i32
      %dma_wait3A_1300 = arith.constant 0 : i32
      %dma_wait3A_1301 = tpu.memref_slice %arg6[%dma_wait3A_1299, %dma_wait3A_1300] : memref<160x32xf32, #tpu.memory_space<vmem>> -> memref<20x32xf32, #tpu.memory_space<vmem>>
      %dma_wait3A_1302 = arith.constant 0 : i32
      %dma_wait3A_1303 = tpu.memref_slice %arg5[%dma_wait3A_1297, %dma_wait3A_1298, %dma_wait3A_1302] : memref<8x10x20xi32, #tpu.memory_space<vmem>> -> memref<1x1x20xi32, #tpu.memory_space<vmem>>
      %dma_wait3A_1304 = tpu.memref_squeeze %dma_wait3A_1303 : memref<1x1x20xi32, #tpu.memory_space<vmem>> -> memref<20xi32, #tpu.memory_space<vmem>>
      %dma_wait3A_1305 = arith.constant 0 : i32
      %dma_wait3A_1306 = arith.constant 0 : i32
      %dma_wait3A_1307 = tpu.memref_slice %arg3[%dma_wait3A_1305, %dma_wait3A_1306] : memref<1000000x32xf32, #tpu.memory_space<hbm>> -> memref<1000000x32xf32, #tpu.memory_space<hbm>>
      tpu.wait_indirect_dma semaphore(%arg7 : memref<!tpu.dma_semaphore, #tpu.memory_space<semaphore_mem>>) src(%dma_wait3A_1307 : memref<1000000x32xf32, #tpu.memory_space<hbm>>) dst(%dma_wait3A_1301 : memref<20x32xf32, #tpu.memory_space<vmem>>)
      %dma_wait3A_1308 = arith.constant 3 : i32
      %dma_wait3A_1309 = arith.constant 4 : i32
      %dma_wait3A_1310 = arith.constant 60 : i32
      %dma_wait3A_1311 = arith.constant 0 : i32
      %dma_wait3A_1312 = tpu.memref_slice %arg6[%dma_wait3A_1310, %dma_wait3A_1311] : memref<160x32xf32, #tpu.memory_space<vmem>> -> memref<20x32xf32, #tpu.memory_space<vmem>>
      %dma_wait3A_1313 = arith.constant 0 : i32
      %dma_wait3A_1314 = tpu.memref_slice %arg5[%dma_wait3A_1308, %dma_wait3A_1309, %dma_wait3A_1313] : memref<8x10x20xi32, #tpu.memory_space<vmem>> -> memref<1x1x20xi32, #tpu.memory_space<vmem>>
      %dma_wait3A_1315 = tpu.memref_squeeze %dma_wait3A_1314 : memref<1x1x20xi32, #tpu.memory_space<vmem>> -> memref<20xi32, #tpu.memory_space<vmem>>
      %dma_wait3A_1316 = arith.constant 0 : i32
      %dma_wait3A_1317 = arith.constant 0 : i32
      %dma_wait3A_1318 = tpu.memref_slice %arg3[%dma_wait3A_1316, %dma_wait3A_1317] : memref<1000000x32xf32, #tpu.memory_space<hbm>> -> memref<1000000x32xf32, #tpu.memory_space<hbm>>
      tpu.wait_indirect_dma semaphore(%arg7 : memref<!tpu.dma_semaphore, #tpu.memory_space<semaphore_mem>>) src(%dma_wait3A_1318 : memref<1000000x32xf32, #tpu.memory_space<hbm>>) dst(%dma_wait3A_1312 : memref<20x32xf32, #tpu.memory_space<vmem>>)
      %dma_wait3A_1319 = arith.constant 3 : i32
      %dma_wait3A_1320 = arith.constant 5 : i32
      %dma_wait3A_1321 = arith.constant 60 : i32
      %dma_wait3A_1322 = arith.constant 0 : i32
      %dma_wait3A_1323 = tpu.memref_slice %arg6[%dma_wait3A_1321, %dma_wait3A_1322] : memref<160x32xf32, #tpu.memory_space<vmem>> -> memref<20x32xf32, #tpu.memory_space<vmem>>
      %dma_wait3A_1324 = arith.constant 0 : i32
      %dma_wait3A_1325 = tpu.memref_slice %arg5[%dma_wait3A_1319, %dma_wait3A_1320, %dma_wait3A_1324] : memref<8x10x20xi32, #tpu.memory_space<vmem>> -> memref<1x1x20xi32, #tpu.memory_space<vmem>>
      %dma_wait3A_1326 = tpu.memref_squeeze %dma_wait3A_1325 : memref<1x1x20xi32, #tpu.memory_space<vmem>> -> memref<20xi32, #tpu.memory_space<vmem>>
      %dma_wait3A_1327 = arith.constant 0 : i32
      %dma_wait3A_1328 = arith.constant 0 : i32
      %dma_wait3A_1329 = tpu.memref_slice %arg3[%dma_wait3A_1327, %dma_wait3A_1328] : memref<1000000x32xf32, #tpu.memory_space<hbm>> -> memref<1000000x32xf32, #tpu.memory_space<hbm>>
      tpu.wait_indirect_dma semaphore(%arg7 : memref<!tpu.dma_semaphore, #tpu.memory_space<semaphore_mem>>) src(%dma_wait3A_1329 : memref<1000000x32xf32, #tpu.memory_space<hbm>>) dst(%dma_wait3A_1323 : memref<20x32xf32, #tpu.memory_space<vmem>>)
      %dma_wait3A_1330 = arith.constant 3 : i32
      %dma_wait3A_1331 = arith.constant 6 : i32
      %dma_wait3A_1332 = arith.constant 60 : i32
      %dma_wait3A_1333 = arith.constant 0 : i32
      %dma_wait3A_1334 = tpu.memref_slice %arg6[%dma_wait3A_1332, %dma_wait3A_1333] : memref<160x32xf32, #tpu.memory_space<vmem>> -> memref<20x32xf32, #tpu.memory_space<vmem>>
      %dma_wait3A_1335 = arith.constant 0 : i32
      %dma_wait3A_1336 = tpu.memref_slice %arg5[%dma_wait3A_1330, %dma_wait3A_1331, %dma_wait3A_1335] : memref<8x10x20xi32, #tpu.memory_space<vmem>> -> memref<1x1x20xi32, #tpu.memory_space<vmem>>
      %dma_wait3A_1337 = tpu.memref_squeeze %dma_wait3A_1336 : memref<1x1x20xi32, #tpu.memory_space<vmem>> -> memref<20xi32, #tpu.memory_space<vmem>>
      %dma_wait3A_1338 = arith.constant 0 : i32
      %dma_wait3A_1339 = arith.constant 0 : i32
      %dma_wait3A_1340 = tpu.memref_slice %arg3[%dma_wait3A_1338, %dma_wait3A_1339] : memref<1000000x32xf32, #tpu.memory_space<hbm>> -> memref<1000000x32xf32, #tpu.memory_space<hbm>>
      tpu.wait_indirect_dma semaphore(%arg7 : memref<!tpu.dma_semaphore, #tpu.memory_space<semaphore_mem>>) src(%dma_wait3A_1340 : memref<1000000x32xf32, #tpu.memory_space<hbm>>) dst(%dma_wait3A_1334 : memref<20x32xf32, #tpu.memory_space<vmem>>)
      %dma_wait3A_1341 = arith.constant 3 : i32
      %dma_wait3A_1342 = arith.constant 7 : i32
      %dma_wait3A_1343 = arith.constant 60 : i32
      %dma_wait3A_1344 = arith.constant 0 : i32
      %dma_wait3A_1345 = tpu.memref_slice %arg6[%dma_wait3A_1343, %dma_wait3A_1344] : memref<160x32xf32, #tpu.memory_space<vmem>> -> memref<20x32xf32, #tpu.memory_space<vmem>>
      %dma_wait3A_1346 = arith.constant 0 : i32
      %dma_wait3A_1347 = tpu.memref_slice %arg5[%dma_wait3A_1341, %dma_wait3A_1342, %dma_wait3A_1346] : memref<8x10x20xi32, #tpu.memory_space<vmem>> -> memref<1x1x20xi32, #tpu.memory_space<vmem>>
      %dma_wait3A_1348 = tpu.memref_squeeze %dma_wait3A_1347 : memref<1x1x20xi32, #tpu.memory_space<vmem>> -> memref<20xi32, #tpu.memory_space<vmem>>
      %dma_wait3A_1349 = arith.constant 0 : i32
      %dma_wait3A_1350 = arith.constant 0 : i32
      %dma_wait3A_1351 = tpu.memref_slice %arg3[%dma_wait3A_1349, %dma_wait3A_1350] : memref<1000000x32xf32, #tpu.memory_space<hbm>> -> memref<1000000x32xf32, #tpu.memory_space<hbm>>
      tpu.wait_indirect_dma semaphore(%arg7 : memref<!tpu.dma_semaphore, #tpu.memory_space<semaphore_mem>>) src(%dma_wait3A_1351 : memref<1000000x32xf32, #tpu.memory_space<hbm>>) dst(%dma_wait3A_1345 : memref<20x32xf32, #tpu.memory_space<vmem>>)
      %dma_wait3A_1352 = arith.constant 3 : i32
      %dma_wait3A_1353 = arith.constant 8 : i32
      %dma_wait3A_1354 = arith.constant 60 : i32
      %dma_wait3A_1355 = arith.constant 0 : i32
      %dma_wait3A_1356 = tpu.memref_slice %arg6[%dma_wait3A_1354, %dma_wait3A_1355] : memref<160x32xf32, #tpu.memory_space<vmem>> -> memref<20x32xf32, #tpu.memory_space<vmem>>
      %dma_wait3A_1357 = arith.constant 0 : i32
      %dma_wait3A_1358 = tpu.memref_slice %arg5[%dma_wait3A_1352, %dma_wait3A_1353, %dma_wait3A_1357] : memref<8x10x20xi32, #tpu.memory_space<vmem>> -> memref<1x1x20xi32, #tpu.memory_space<vmem>>
      %dma_wait3A_1359 = tpu.memref_squeeze %dma_wait3A_1358 : memref<1x1x20xi32, #tpu.memory_space<vmem>> -> memref<20xi32, #tpu.memory_space<vmem>>
      %dma_wait3A_1360 = arith.constant 0 : i32
      %dma_wait3A_1361 = arith.constant 0 : i32
      %dma_wait3A_1362 = tpu.memref_slice %arg3[%dma_wait3A_1360, %dma_wait3A_1361] : memref<1000000x32xf32, #tpu.memory_space<hbm>> -> memref<1000000x32xf32, #tpu.memory_space<hbm>>
      tpu.wait_indirect_dma semaphore(%arg7 : memref<!tpu.dma_semaphore, #tpu.memory_space<semaphore_mem>>) src(%dma_wait3A_1362 : memref<1000000x32xf32, #tpu.memory_space<hbm>>) dst(%dma_wait3A_1356 : memref<20x32xf32, #tpu.memory_space<vmem>>)
      %dma_wait3A_1363 = arith.constant 3 : i32
      %dma_wait3A_1364 = arith.constant 9 : i32
      %dma_wait3A_1365 = arith.constant 60 : i32
      %dma_wait3A_1366 = arith.constant 0 : i32
      %dma_wait3A_1367 = tpu.memref_slice %arg6[%dma_wait3A_1365, %dma_wait3A_1366] : memref<160x32xf32, #tpu.memory_space<vmem>> -> memref<20x32xf32, #tpu.memory_space<vmem>>
      %dma_wait3A_1368 = arith.constant 0 : i32
      %dma_wait3A_1369 = tpu.memref_slice %arg5[%dma_wait3A_1363, %dma_wait3A_1364, %dma_wait3A_1368] : memref<8x10x20xi32, #tpu.memory_space<vmem>> -> memref<1x1x20xi32, #tpu.memory_space<vmem>>
      %dma_wait3A_1370 = tpu.memref_squeeze %dma_wait3A_1369 : memref<1x1x20xi32, #tpu.memory_space<vmem>> -> memref<20xi32, #tpu.memory_space<vmem>>
      %dma_wait3A_1371 = arith.constant 0 : i32
      %dma_wait3A_1372 = arith.constant 0 : i32
      %dma_wait3A_1373 = tpu.memref_slice %arg3[%dma_wait3A_1371, %dma_wait3A_1372] : memref<1000000x32xf32, #tpu.memory_space<hbm>> -> memref<1000000x32xf32, #tpu.memory_space<hbm>>
      tpu.wait_indirect_dma semaphore(%arg7 : memref<!tpu.dma_semaphore, #tpu.memory_space<semaphore_mem>>) src(%dma_wait3A_1373 : memref<1000000x32xf32, #tpu.memory_space<hbm>>) dst(%dma_wait3A_1367 : memref<20x32xf32, #tpu.memory_space<vmem>>)
      %dma_wait3A_1374 = arith.constant 4 : i32
      %dma_wait3A_1375 = arith.constant 1 : i32
      %dma_wait3A_1376 = arith.constant 80 : i32
      %dma_wait3A_1377 = arith.constant 0 : i32
      %dma_wait3A_1378 = tpu.memref_slice %arg6[%dma_wait3A_1376, %dma_wait3A_1377] : memref<160x32xf32, #tpu.memory_space<vmem>> -> memref<20x32xf32, #tpu.memory_space<vmem>>
      %dma_wait3A_1379 = arith.constant 0 : i32
      %dma_wait3A_1380 = tpu.memref_slice %arg5[%dma_wait3A_1374, %dma_wait3A_1375, %dma_wait3A_1379] : memref<8x10x20xi32, #tpu.memory_space<vmem>> -> memref<1x1x20xi32, #tpu.memory_space<vmem>>
      %dma_wait3A_1381 = tpu.memref_squeeze %dma_wait3A_1380 : memref<1x1x20xi32, #tpu.memory_space<vmem>> -> memref<20xi32, #tpu.memory_space<vmem>>
      %dma_wait3A_1382 = arith.constant 0 : i32
      %dma_wait3A_1383 = arith.constant 0 : i32
      %dma_wait3A_1384 = tpu.memref_slice %arg3[%dma_wait3A_1382, %dma_wait3A_1383] : memref<1000000x32xf32, #tpu.memory_space<hbm>> -> memref<1000000x32xf32, #tpu.memory_space<hbm>>
      tpu.wait_indirect_dma semaphore(%arg7 : memref<!tpu.dma_semaphore, #tpu.memory_space<semaphore_mem>>) src(%dma_wait3A_1384 : memref<1000000x32xf32, #tpu.memory_space<hbm>>) dst(%dma_wait3A_1378 : memref<20x32xf32, #tpu.memory_space<vmem>>)
      %dma_wait3A_1385 = arith.constant 4 : i32
      %dma_wait3A_1386 = arith.constant 2 : i32
      %dma_wait3A_1387 = arith.constant 80 : i32
      %dma_wait3A_1388 = arith.constant 0 : i32
      %dma_wait3A_1389 = tpu.memref_slice %arg6[%dma_wait3A_1387, %dma_wait3A_1388] : memref<160x32xf32, #tpu.memory_space<vmem>> -> memref<20x32xf32, #tpu.memory_space<vmem>>
      %dma_wait3A_1390 = arith.constant 0 : i32
      %dma_wait3A_1391 = tpu.memref_slice %arg5[%dma_wait3A_1385, %dma_wait3A_1386, %dma_wait3A_1390] : memref<8x10x20xi32, #tpu.memory_space<vmem>> -> memref<1x1x20xi32, #tpu.memory_space<vmem>>
      %dma_wait3A_1392 = tpu.memref_squeeze %dma_wait3A_1391 : memref<1x1x20xi32, #tpu.memory_space<vmem>> -> memref<20xi32, #tpu.memory_space<vmem>>
      %dma_wait3A_1393 = arith.constant 0 : i32
      %dma_wait3A_1394 = arith.constant 0 : i32
      %dma_wait3A_1395 = tpu.memref_slice %arg3[%dma_wait3A_1393, %dma_wait3A_1394] : memref<1000000x32xf32, #tpu.memory_space<hbm>> -> memref<1000000x32xf32, #tpu.memory_space<hbm>>
      tpu.wait_indirect_dma semaphore(%arg7 : memref<!tpu.dma_semaphore, #tpu.memory_space<semaphore_mem>>) src(%dma_wait3A_1395 : memref<1000000x32xf32, #tpu.memory_space<hbm>>) dst(%dma_wait3A_1389 : memref<20x32xf32, #tpu.memory_space<vmem>>)
      %dma_wait3A_1396 = arith.constant 4 : i32
      %dma_wait3A_1397 = arith.constant 3 : i32
      %dma_wait3A_1398 = arith.constant 80 : i32
      %dma_wait3A_1399 = arith.constant 0 : i32
      %dma_wait3A_1400 = tpu.memref_slice %arg6[%dma_wait3A_1398, %dma_wait3A_1399] : memref<160x32xf32, #tpu.memory_space<vmem>> -> memref<20x32xf32, #tpu.memory_space<vmem>>
      %dma_wait3A_1401 = arith.constant 0 : i32
      %dma_wait3A_1402 = tpu.memref_slice %arg5[%dma_wait3A_1396, %dma_wait3A_1397, %dma_wait3A_1401] : memref<8x10x20xi32, #tpu.memory_space<vmem>> -> memref<1x1x20xi32, #tpu.memory_space<vmem>>
      %dma_wait3A_1403 = tpu.memref_squeeze %dma_wait3A_1402 : memref<1x1x20xi32, #tpu.memory_space<vmem>> -> memref<20xi32, #tpu.memory_space<vmem>>
      %dma_wait3A_1404 = arith.constant 0 : i32
      %dma_wait3A_1405 = arith.constant 0 : i32
      %dma_wait3A_1406 = tpu.memref_slice %arg3[%dma_wait3A_1404, %dma_wait3A_1405] : memref<1000000x32xf32, #tpu.memory_space<hbm>> -> memref<1000000x32xf32, #tpu.memory_space<hbm>>
      tpu.wait_indirect_dma semaphore(%arg7 : memref<!tpu.dma_semaphore, #tpu.memory_space<semaphore_mem>>) src(%dma_wait3A_1406 : memref<1000000x32xf32, #tpu.memory_space<hbm>>) dst(%dma_wait3A_1400 : memref<20x32xf32, #tpu.memory_space<vmem>>)
      %dma_wait3A_1407 = arith.constant 4 : i32
      %dma_wait3A_1408 = arith.constant 4 : i32
      %dma_wait3A_1409 = arith.constant 80 : i32
      %dma_wait3A_1410 = arith.constant 0 : i32
      %dma_wait3A_1411 = tpu.memref_slice %arg6[%dma_wait3A_1409, %dma_wait3A_1410] : memref<160x32xf32, #tpu.memory_space<vmem>> -> memref<20x32xf32, #tpu.memory_space<vmem>>
      %dma_wait3A_1412 = arith.constant 0 : i32
      %dma_wait3A_1413 = tpu.memref_slice %arg5[%dma_wait3A_1407, %dma_wait3A_1408, %dma_wait3A_1412] : memref<8x10x20xi32, #tpu.memory_space<vmem>> -> memref<1x1x20xi32, #tpu.memory_space<vmem>>
      %dma_wait3A_1414 = tpu.memref_squeeze %dma_wait3A_1413 : memref<1x1x20xi32, #tpu.memory_space<vmem>> -> memref<20xi32, #tpu.memory_space<vmem>>
      %dma_wait3A_1415 = arith.constant 0 : i32
      %dma_wait3A_1416 = arith.constant 0 : i32
      %dma_wait3A_1417 = tpu.memref_slice %arg3[%dma_wait3A_1415, %dma_wait3A_1416] : memref<1000000x32xf32, #tpu.memory_space<hbm>> -> memref<1000000x32xf32, #tpu.memory_space<hbm>>
      tpu.wait_indirect_dma semaphore(%arg7 : memref<!tpu.dma_semaphore, #tpu.memory_space<semaphore_mem>>) src(%dma_wait3A_1417 : memref<1000000x32xf32, #tpu.memory_space<hbm>>) dst(%dma_wait3A_1411 : memref<20x32xf32, #tpu.memory_space<vmem>>)
      %dma_wait3A_1418 = arith.constant 4 : i32
      %dma_wait3A_1419 = arith.constant 5 : i32
      %dma_wait3A_1420 = arith.constant 80 : i32
      %dma_wait3A_1421 = arith.constant 0 : i32
      %dma_wait3A_1422 = tpu.memref_slice %arg6[%dma_wait3A_1420, %dma_wait3A_1421] : memref<160x32xf32, #tpu.memory_space<vmem>> -> memref<20x32xf32, #tpu.memory_space<vmem>>
      %dma_wait3A_1423 = arith.constant 0 : i32
      %dma_wait3A_1424 = tpu.memref_slice %arg5[%dma_wait3A_1418, %dma_wait3A_1419, %dma_wait3A_1423] : memref<8x10x20xi32, #tpu.memory_space<vmem>> -> memref<1x1x20xi32, #tpu.memory_space<vmem>>
      %dma_wait3A_1425 = tpu.memref_squeeze %dma_wait3A_1424 : memref<1x1x20xi32, #tpu.memory_space<vmem>> -> memref<20xi32, #tpu.memory_space<vmem>>
      %dma_wait3A_1426 = arith.constant 0 : i32
      %dma_wait3A_1427 = arith.constant 0 : i32
      %dma_wait3A_1428 = tpu.memref_slice %arg3[%dma_wait3A_1426, %dma_wait3A_1427] : memref<1000000x32xf32, #tpu.memory_space<hbm>> -> memref<1000000x32xf32, #tpu.memory_space<hbm>>
      tpu.wait_indirect_dma semaphore(%arg7 : memref<!tpu.dma_semaphore, #tpu.memory_space<semaphore_mem>>) src(%dma_wait3A_1428 : memref<1000000x32xf32, #tpu.memory_space<hbm>>) dst(%dma_wait3A_1422 : memref<20x32xf32, #tpu.memory_space<vmem>>)
      %dma_wait3A_1429 = arith.constant 4 : i32
      %dma_wait3A_1430 = arith.constant 6 : i32
      %dma_wait3A_1431 = arith.constant 80 : i32
      %dma_wait3A_1432 = arith.constant 0 : i32
      %dma_wait3A_1433 = tpu.memref_slice %arg6[%dma_wait3A_1431, %dma_wait3A_1432] : memref<160x32xf32, #tpu.memory_space<vmem>> -> memref<20x32xf32, #tpu.memory_space<vmem>>
      %dma_wait3A_1434 = arith.constant 0 : i32
      %dma_wait3A_1435 = tpu.memref_slice %arg5[%dma_wait3A_1429, %dma_wait3A_1430, %dma_wait3A_1434] : memref<8x10x20xi32, #tpu.memory_space<vmem>> -> memref<1x1x20xi32, #tpu.memory_space<vmem>>
      %dma_wait3A_1436 = tpu.memref_squeeze %dma_wait3A_1435 : memref<1x1x20xi32, #tpu.memory_space<vmem>> -> memref<20xi32, #tpu.memory_space<vmem>>
      %dma_wait3A_1437 = arith.constant 0 : i32
      %dma_wait3A_1438 = arith.constant 0 : i32
      %dma_wait3A_1439 = tpu.memref_slice %arg3[%dma_wait3A_1437, %dma_wait3A_1438] : memref<1000000x32xf32, #tpu.memory_space<hbm>> -> memref<1000000x32xf32, #tpu.memory_space<hbm>>
      tpu.wait_indirect_dma semaphore(%arg7 : memref<!tpu.dma_semaphore, #tpu.memory_space<semaphore_mem>>) src(%dma_wait3A_1439 : memref<1000000x32xf32, #tpu.memory_space<hbm>>) dst(%dma_wait3A_1433 : memref<20x32xf32, #tpu.memory_space<vmem>>)
      %dma_wait3A_1440 = arith.constant 4 : i32
      %dma_wait3A_1441 = arith.constant 7 : i32
      %dma_wait3A_1442 = arith.constant 80 : i32
      %dma_wait3A_1443 = arith.constant 0 : i32
      %dma_wait3A_1444 = tpu.memref_slice %arg6[%dma_wait3A_1442, %dma_wait3A_1443] : memref<160x32xf32, #tpu.memory_space<vmem>> -> memref<20x32xf32, #tpu.memory_space<vmem>>
      %dma_wait3A_1445 = arith.constant 0 : i32
      %dma_wait3A_1446 = tpu.memref_slice %arg5[%dma_wait3A_1440, %dma_wait3A_1441, %dma_wait3A_1445] : memref<8x10x20xi32, #tpu.memory_space<vmem>> -> memref<1x1x20xi32, #tpu.memory_space<vmem>>
      %dma_wait3A_1447 = tpu.memref_squeeze %dma_wait3A_1446 : memref<1x1x20xi32, #tpu.memory_space<vmem>> -> memref<20xi32, #tpu.memory_space<vmem>>
      %dma_wait3A_1448 = arith.constant 0 : i32
      %dma_wait3A_1449 = arith.constant 0 : i32
      %dma_wait3A_1450 = tpu.memref_slice %arg3[%dma_wait3A_1448, %dma_wait3A_1449] : memref<1000000x32xf32, #tpu.memory_space<hbm>> -> memref<1000000x32xf32, #tpu.memory_space<hbm>>
      tpu.wait_indirect_dma semaphore(%arg7 : memref<!tpu.dma_semaphore, #tpu.memory_space<semaphore_mem>>) src(%dma_wait3A_1450 : memref<1000000x32xf32, #tpu.memory_space<hbm>>) dst(%dma_wait3A_1444 : memref<20x32xf32, #tpu.memory_space<vmem>>)
      %dma_wait3A_1451 = arith.constant 4 : i32
      %dma_wait3A_1452 = arith.constant 8 : i32
      %dma_wait3A_1453 = arith.constant 80 : i32
      %dma_wait3A_1454 = arith.constant 0 : i32
      %dma_wait3A_1455 = tpu.memref_slice %arg6[%dma_wait3A_1453, %dma_wait3A_1454] : memref<160x32xf32, #tpu.memory_space<vmem>> -> memref<20x32xf32, #tpu.memory_space<vmem>>
      %dma_wait3A_1456 = arith.constant 0 : i32
      %dma_wait3A_1457 = tpu.memref_slice %arg5[%dma_wait3A_1451, %dma_wait3A_1452, %dma_wait3A_1456] : memref<8x10x20xi32, #tpu.memory_space<vmem>> -> memref<1x1x20xi32, #tpu.memory_space<vmem>>
      %dma_wait3A_1458 = tpu.memref_squeeze %dma_wait3A_1457 : memref<1x1x20xi32, #tpu.memory_space<vmem>> -> memref<20xi32, #tpu.memory_space<vmem>>
      %dma_wait3A_1459 = arith.constant 0 : i32
      %dma_wait3A_1460 = arith.constant 0 : i32
      %dma_wait3A_1461 = tpu.memref_slice %arg3[%dma_wait3A_1459, %dma_wait3A_1460] : memref<1000000x32xf32, #tpu.memory_space<hbm>> -> memref<1000000x32xf32, #tpu.memory_space<hbm>>
      tpu.wait_indirect_dma semaphore(%arg7 : memref<!tpu.dma_semaphore, #tpu.memory_space<semaphore_mem>>) src(%dma_wait3A_1461 : memref<1000000x32xf32, #tpu.memory_space<hbm>>) dst(%dma_wait3A_1455 : memref<20x32xf32, #tpu.memory_space<vmem>>)
      %dma_wait3A_1462 = arith.constant 4 : i32
      %dma_wait3A_1463 = arith.constant 9 : i32
      %dma_wait3A_1464 = arith.constant 80 : i32
      %dma_wait3A_1465 = arith.constant 0 : i32
      %dma_wait3A_1466 = tpu.memref_slice %arg6[%dma_wait3A_1464, %dma_wait3A_1465] : memref<160x32xf32, #tpu.memory_space<vmem>> -> memref<20x32xf32, #tpu.memory_space<vmem>>
      %dma_wait3A_1467 = arith.constant 0 : i32
      %dma_wait3A_1468 = tpu.memref_slice %arg5[%dma_wait3A_1462, %dma_wait3A_1463, %dma_wait3A_1467] : memref<8x10x20xi32, #tpu.memory_space<vmem>> -> memref<1x1x20xi32, #tpu.memory_space<vmem>>
      %dma_wait3A_1469 = tpu.memref_squeeze %dma_wait3A_1468 : memref<1x1x20xi32, #tpu.memory_space<vmem>> -> memref<20xi32, #tpu.memory_space<vmem>>
      %dma_wait3A_1470 = arith.constant 0 : i32
      %dma_wait3A_1471 = arith.constant 0 : i32
      %dma_wait3A_1472 = tpu.memref_slice %arg3[%dma_wait3A_1470, %dma_wait3A_1471] : memref<1000000x32xf32, #tpu.memory_space<hbm>> -> memref<1000000x32xf32, #tpu.memory_space<hbm>>
      tpu.wait_indirect_dma semaphore(%arg7 : memref<!tpu.dma_semaphore, #tpu.memory_space<semaphore_mem>>) src(%dma_wait3A_1472 : memref<1000000x32xf32, #tpu.memory_space<hbm>>) dst(%dma_wait3A_1466 : memref<20x32xf32, #tpu.memory_space<vmem>>)
      %dma_wait3A_1473 = arith.constant 5 : i32
      %dma_wait3A_1474 = arith.constant 1 : i32
      %dma_wait3A_1475 = arith.constant 100 : i32
      %dma_wait3A_1476 = arith.constant 0 : i32
      %dma_wait3A_1477 = tpu.memref_slice %arg6[%dma_wait3A_1475, %dma_wait3A_1476] : memref<160x32xf32, #tpu.memory_space<vmem>> -> memref<20x32xf32, #tpu.memory_space<vmem>>
      %dma_wait3A_1478 = arith.constant 0 : i32
      %dma_wait3A_1479 = tpu.memref_slice %arg5[%dma_wait3A_1473, %dma_wait3A_1474, %dma_wait3A_1478] : memref<8x10x20xi32, #tpu.memory_space<vmem>> -> memref<1x1x20xi32, #tpu.memory_space<vmem>>
      %dma_wait3A_1480 = tpu.memref_squeeze %dma_wait3A_1479 : memref<1x1x20xi32, #tpu.memory_space<vmem>> -> memref<20xi32, #tpu.memory_space<vmem>>
      %dma_wait3A_1481 = arith.constant 0 : i32
      %dma_wait3A_1482 = arith.constant 0 : i32
      %dma_wait3A_1483 = tpu.memref_slice %arg3[%dma_wait3A_1481, %dma_wait3A_1482] : memref<1000000x32xf32, #tpu.memory_space<hbm>> -> memref<1000000x32xf32, #tpu.memory_space<hbm>>
      tpu.wait_indirect_dma semaphore(%arg7 : memref<!tpu.dma_semaphore, #tpu.memory_space<semaphore_mem>>) src(%dma_wait3A_1483 : memref<1000000x32xf32, #tpu.memory_space<hbm>>) dst(%dma_wait3A_1477 : memref<20x32xf32, #tpu.memory_space<vmem>>)
      %dma_wait3A_1484 = arith.constant 5 : i32
      %dma_wait3A_1485 = arith.constant 2 : i32
      %dma_wait3A_1486 = arith.constant 100 : i32
      %dma_wait3A_1487 = arith.constant 0 : i32
      %dma_wait3A_1488 = tpu.memref_slice %arg6[%dma_wait3A_1486, %dma_wait3A_1487] : memref<160x32xf32, #tpu.memory_space<vmem>> -> memref<20x32xf32, #tpu.memory_space<vmem>>
      %dma_wait3A_1489 = arith.constant 0 : i32
      %dma_wait3A_1490 = tpu.memref_slice %arg5[%dma_wait3A_1484, %dma_wait3A_1485, %dma_wait3A_1489] : memref<8x10x20xi32, #tpu.memory_space<vmem>> -> memref<1x1x20xi32, #tpu.memory_space<vmem>>
      %dma_wait3A_1491 = tpu.memref_squeeze %dma_wait3A_1490 : memref<1x1x20xi32, #tpu.memory_space<vmem>> -> memref<20xi32, #tpu.memory_space<vmem>>
      %dma_wait3A_1492 = arith.constant 0 : i32
      %dma_wait3A_1493 = arith.constant 0 : i32
      %dma_wait3A_1494 = tpu.memref_slice %arg3[%dma_wait3A_1492, %dma_wait3A_1493] : memref<1000000x32xf32, #tpu.memory_space<hbm>> -> memref<1000000x32xf32, #tpu.memory_space<hbm>>
      tpu.wait_indirect_dma semaphore(%arg7 : memref<!tpu.dma_semaphore, #tpu.memory_space<semaphore_mem>>) src(%dma_wait3A_1494 : memref<1000000x32xf32, #tpu.memory_space<hbm>>) dst(%dma_wait3A_1488 : memref<20x32xf32, #tpu.memory_space<vmem>>)
      %dma_wait3A_1495 = arith.constant 5 : i32
      %dma_wait3A_1496 = arith.constant 3 : i32
      %dma_wait3A_1497 = arith.constant 100 : i32
      %dma_wait3A_1498 = arith.constant 0 : i32
      %dma_wait3A_1499 = tpu.memref_slice %arg6[%dma_wait3A_1497, %dma_wait3A_1498] : memref<160x32xf32, #tpu.memory_space<vmem>> -> memref<20x32xf32, #tpu.memory_space<vmem>>
      %dma_wait3A_1500 = arith.constant 0 : i32
      %dma_wait3A_1501 = tpu.memref_slice %arg5[%dma_wait3A_1495, %dma_wait3A_1496, %dma_wait3A_1500] : memref<8x10x20xi32, #tpu.memory_space<vmem>> -> memref<1x1x20xi32, #tpu.memory_space<vmem>>
      %dma_wait3A_1502 = tpu.memref_squeeze %dma_wait3A_1501 : memref<1x1x20xi32, #tpu.memory_space<vmem>> -> memref<20xi32, #tpu.memory_space<vmem>>
      %dma_wait3A_1503 = arith.constant 0 : i32
      %dma_wait3A_1504 = arith.constant 0 : i32
      %dma_wait3A_1505 = tpu.memref_slice %arg3[%dma_wait3A_1503, %dma_wait3A_1504] : memref<1000000x32xf32, #tpu.memory_space<hbm>> -> memref<1000000x32xf32, #tpu.memory_space<hbm>>
      tpu.wait_indirect_dma semaphore(%arg7 : memref<!tpu.dma_semaphore, #tpu.memory_space<semaphore_mem>>) src(%dma_wait3A_1505 : memref<1000000x32xf32, #tpu.memory_space<hbm>>) dst(%dma_wait3A_1499 : memref<20x32xf32, #tpu.memory_space<vmem>>)
      %dma_wait3A_1506 = arith.constant 5 : i32
      %dma_wait3A_1507 = arith.constant 4 : i32
      %dma_wait3A_1508 = arith.constant 100 : i32
      %dma_wait3A_1509 = arith.constant 0 : i32
      %dma_wait3A_1510 = tpu.memref_slice %arg6[%dma_wait3A_1508, %dma_wait3A_1509] : memref<160x32xf32, #tpu.memory_space<vmem>> -> memref<20x32xf32, #tpu.memory_space<vmem>>
      %dma_wait3A_1511 = arith.constant 0 : i32
      %dma_wait3A_1512 = tpu.memref_slice %arg5[%dma_wait3A_1506, %dma_wait3A_1507, %dma_wait3A_1511] : memref<8x10x20xi32, #tpu.memory_space<vmem>> -> memref<1x1x20xi32, #tpu.memory_space<vmem>>
      %dma_wait3A_1513 = tpu.memref_squeeze %dma_wait3A_1512 : memref<1x1x20xi32, #tpu.memory_space<vmem>> -> memref<20xi32, #tpu.memory_space<vmem>>
      %dma_wait3A_1514 = arith.constant 0 : i32
      %dma_wait3A_1515 = arith.constant 0 : i32
      %dma_wait3A_1516 = tpu.memref_slice %arg3[%dma_wait3A_1514, %dma_wait3A_1515] : memref<1000000x32xf32, #tpu.memory_space<hbm>> -> memref<1000000x32xf32, #tpu.memory_space<hbm>>
      tpu.wait_indirect_dma semaphore(%arg7 : memref<!tpu.dma_semaphore, #tpu.memory_space<semaphore_mem>>) src(%dma_wait3A_1516 : memref<1000000x32xf32, #tpu.memory_space<hbm>>) dst(%dma_wait3A_1510 : memref<20x32xf32, #tpu.memory_space<vmem>>)
      %dma_wait3A_1517 = arith.constant 5 : i32
      %dma_wait3A_1518 = arith.constant 5 : i32
      %dma_wait3A_1519 = arith.constant 100 : i32
      %dma_wait3A_1520 = arith.constant 0 : i32
      %dma_wait3A_1521 = tpu.memref_slice %arg6[%dma_wait3A_1519, %dma_wait3A_1520] : memref<160x32xf32, #tpu.memory_space<vmem>> -> memref<20x32xf32, #tpu.memory_space<vmem>>
      %dma_wait3A_1522 = arith.constant 0 : i32
      %dma_wait3A_1523 = tpu.memref_slice %arg5[%dma_wait3A_1517, %dma_wait3A_1518, %dma_wait3A_1522] : memref<8x10x20xi32, #tpu.memory_space<vmem>> -> memref<1x1x20xi32, #tpu.memory_space<vmem>>
      %dma_wait3A_1524 = tpu.memref_squeeze %dma_wait3A_1523 : memref<1x1x20xi32, #tpu.memory_space<vmem>> -> memref<20xi32, #tpu.memory_space<vmem>>
      %dma_wait3A_1525 = arith.constant 0 : i32
      %dma_wait3A_1526 = arith.constant 0 : i32
      %dma_wait3A_1527 = tpu.memref_slice %arg3[%dma_wait3A_1525, %dma_wait3A_1526] : memref<1000000x32xf32, #tpu.memory_space<hbm>> -> memref<1000000x32xf32, #tpu.memory_space<hbm>>
      tpu.wait_indirect_dma semaphore(%arg7 : memref<!tpu.dma_semaphore, #tpu.memory_space<semaphore_mem>>) src(%dma_wait3A_1527 : memref<1000000x32xf32, #tpu.memory_space<hbm>>) dst(%dma_wait3A_1521 : memref<20x32xf32, #tpu.memory_space<vmem>>)
      %dma_wait3A_1528 = arith.constant 5 : i32
      %dma_wait3A_1529 = arith.constant 6 : i32
      %dma_wait3A_1530 = arith.constant 100 : i32
      %dma_wait3A_1531 = arith.constant 0 : i32
      %dma_wait3A_1532 = tpu.memref_slice %arg6[%dma_wait3A_1530, %dma_wait3A_1531] : memref<160x32xf32, #tpu.memory_space<vmem>> -> memref<20x32xf32, #tpu.memory_space<vmem>>
      %dma_wait3A_1533 = arith.constant 0 : i32
      %dma_wait3A_1534 = tpu.memref_slice %arg5[%dma_wait3A_1528, %dma_wait3A_1529, %dma_wait3A_1533] : memref<8x10x20xi32, #tpu.memory_space<vmem>> -> memref<1x1x20xi32, #tpu.memory_space<vmem>>
      %dma_wait3A_1535 = tpu.memref_squeeze %dma_wait3A_1534 : memref<1x1x20xi32, #tpu.memory_space<vmem>> -> memref<20xi32, #tpu.memory_space<vmem>>
      %dma_wait3A_1536 = arith.constant 0 : i32
      %dma_wait3A_1537 = arith.constant 0 : i32
      %dma_wait3A_1538 = tpu.memref_slice %arg3[%dma_wait3A_1536, %dma_wait3A_1537] : memref<1000000x32xf32, #tpu.memory_space<hbm>> -> memref<1000000x32xf32, #tpu.memory_space<hbm>>
      tpu.wait_indirect_dma semaphore(%arg7 : memref<!tpu.dma_semaphore, #tpu.memory_space<semaphore_mem>>) src(%dma_wait3A_1538 : memref<1000000x32xf32, #tpu.memory_space<hbm>>) dst(%dma_wait3A_1532 : memref<20x32xf32, #tpu.memory_space<vmem>>)
      %dma_wait3A_1539 = arith.constant 5 : i32
      %dma_wait3A_1540 = arith.constant 7 : i32
      %dma_wait3A_1541 = arith.constant 100 : i32
      %dma_wait3A_1542 = arith.constant 0 : i32
      %dma_wait3A_1543 = tpu.memref_slice %arg6[%dma_wait3A_1541, %dma_wait3A_1542] : memref<160x32xf32, #tpu.memory_space<vmem>> -> memref<20x32xf32, #tpu.memory_space<vmem>>
      %dma_wait3A_1544 = arith.constant 0 : i32
      %dma_wait3A_1545 = tpu.memref_slice %arg5[%dma_wait3A_1539, %dma_wait3A_1540, %dma_wait3A_1544] : memref<8x10x20xi32, #tpu.memory_space<vmem>> -> memref<1x1x20xi32, #tpu.memory_space<vmem>>
      %dma_wait3A_1546 = tpu.memref_squeeze %dma_wait3A_1545 : memref<1x1x20xi32, #tpu.memory_space<vmem>> -> memref<20xi32, #tpu.memory_space<vmem>>
      %dma_wait3A_1547 = arith.constant 0 : i32
      %dma_wait3A_1548 = arith.constant 0 : i32
      %dma_wait3A_1549 = tpu.memref_slice %arg3[%dma_wait3A_1547, %dma_wait3A_1548] : memref<1000000x32xf32, #tpu.memory_space<hbm>> -> memref<1000000x32xf32, #tpu.memory_space<hbm>>
      tpu.wait_indirect_dma semaphore(%arg7 : memref<!tpu.dma_semaphore, #tpu.memory_space<semaphore_mem>>) src(%dma_wait3A_1549 : memref<1000000x32xf32, #tpu.memory_space<hbm>>) dst(%dma_wait3A_1543 : memref<20x32xf32, #tpu.memory_space<vmem>>)
      %dma_wait3A_1550 = arith.constant 5 : i32
      %dma_wait3A_1551 = arith.constant 8 : i32
      %dma_wait3A_1552 = arith.constant 100 : i32
      %dma_wait3A_1553 = arith.constant 0 : i32
      %dma_wait3A_1554 = tpu.memref_slice %arg6[%dma_wait3A_1552, %dma_wait3A_1553] : memref<160x32xf32, #tpu.memory_space<vmem>> -> memref<20x32xf32, #tpu.memory_space<vmem>>
      %dma_wait3A_1555 = arith.constant 0 : i32
      %dma_wait3A_1556 = tpu.memref_slice %arg5[%dma_wait3A_1550, %dma_wait3A_1551, %dma_wait3A_1555] : memref<8x10x20xi32, #tpu.memory_space<vmem>> -> memref<1x1x20xi32, #tpu.memory_space<vmem>>
      %dma_wait3A_1557 = tpu.memref_squeeze %dma_wait3A_1556 : memref<1x1x20xi32, #tpu.memory_space<vmem>> -> memref<20xi32, #tpu.memory_space<vmem>>
      %dma_wait3A_1558 = arith.constant 0 : i32
      %dma_wait3A_1559 = arith.constant 0 : i32
      %dma_wait3A_1560 = tpu.memref_slice %arg3[%dma_wait3A_1558, %dma_wait3A_1559] : memref<1000000x32xf32, #tpu.memory_space<hbm>> -> memref<1000000x32xf32, #tpu.memory_space<hbm>>
      tpu.wait_indirect_dma semaphore(%arg7 : memref<!tpu.dma_semaphore, #tpu.memory_space<semaphore_mem>>) src(%dma_wait3A_1560 : memref<1000000x32xf32, #tpu.memory_space<hbm>>) dst(%dma_wait3A_1554 : memref<20x32xf32, #tpu.memory_space<vmem>>)
      %dma_wait3A_1561 = arith.constant 5 : i32
      %dma_wait3A_1562 = arith.constant 9 : i32
      %dma_wait3A_1563 = arith.constant 100 : i32
      %dma_wait3A_1564 = arith.constant 0 : i32
      %dma_wait3A_1565 = tpu.memref_slice %arg6[%dma_wait3A_1563, %dma_wait3A_1564] : memref<160x32xf32, #tpu.memory_space<vmem>> -> memref<20x32xf32, #tpu.memory_space<vmem>>
      %dma_wait3A_1566 = arith.constant 0 : i32
      %dma_wait3A_1567 = tpu.memref_slice %arg5[%dma_wait3A_1561, %dma_wait3A_1562, %dma_wait3A_1566] : memref<8x10x20xi32, #tpu.memory_space<vmem>> -> memref<1x1x20xi32, #tpu.memory_space<vmem>>
      %dma_wait3A_1568 = tpu.memref_squeeze %dma_wait3A_1567 : memref<1x1x20xi32, #tpu.memory_space<vmem>> -> memref<20xi32, #tpu.memory_space<vmem>>
      %dma_wait3A_1569 = arith.constant 0 : i32
      %dma_wait3A_1570 = arith.constant 0 : i32
      %dma_wait3A_1571 = tpu.memref_slice %arg3[%dma_wait3A_1569, %dma_wait3A_1570] : memref<1000000x32xf32, #tpu.memory_space<hbm>> -> memref<1000000x32xf32, #tpu.memory_space<hbm>>
      tpu.wait_indirect_dma semaphore(%arg7 : memref<!tpu.dma_semaphore, #tpu.memory_space<semaphore_mem>>) src(%dma_wait3A_1571 : memref<1000000x32xf32, #tpu.memory_space<hbm>>) dst(%dma_wait3A_1565 : memref<20x32xf32, #tpu.memory_space<vmem>>)
      %dma_wait3A_1572 = arith.constant 6 : i32
      %dma_wait3A_1573 = arith.constant 1 : i32
      %dma_wait3A_1574 = arith.constant 120 : i32
      %dma_wait3A_1575 = arith.constant 0 : i32
      %dma_wait3A_1576 = tpu.memref_slice %arg6[%dma_wait3A_1574, %dma_wait3A_1575] : memref<160x32xf32, #tpu.memory_space<vmem>> -> memref<20x32xf32, #tpu.memory_space<vmem>>
      %dma_wait3A_1577 = arith.constant 0 : i32
      %dma_wait3A_1578 = tpu.memref_slice %arg5[%dma_wait3A_1572, %dma_wait3A_1573, %dma_wait3A_1577] : memref<8x10x20xi32, #tpu.memory_space<vmem>> -> memref<1x1x20xi32, #tpu.memory_space<vmem>>
      %dma_wait3A_1579 = tpu.memref_squeeze %dma_wait3A_1578 : memref<1x1x20xi32, #tpu.memory_space<vmem>> -> memref<20xi32, #tpu.memory_space<vmem>>
      %dma_wait3A_1580 = arith.constant 0 : i32
      %dma_wait3A_1581 = arith.constant 0 : i32
      %dma_wait3A_1582 = tpu.memref_slice %arg3[%dma_wait3A_1580, %dma_wait3A_1581] : memref<1000000x32xf32, #tpu.memory_space<hbm>> -> memref<1000000x32xf32, #tpu.memory_space<hbm>>
      tpu.wait_indirect_dma semaphore(%arg7 : memref<!tpu.dma_semaphore, #tpu.memory_space<semaphore_mem>>) src(%dma_wait3A_1582 : memref<1000000x32xf32, #tpu.memory_space<hbm>>) dst(%dma_wait3A_1576 : memref<20x32xf32, #tpu.memory_space<vmem>>)
      %dma_wait3A_1583 = arith.constant 6 : i32
      %dma_wait3A_1584 = arith.constant 2 : i32
      %dma_wait3A_1585 = arith.constant 120 : i32
      %dma_wait3A_1586 = arith.constant 0 : i32
      %dma_wait3A_1587 = tpu.memref_slice %arg6[%dma_wait3A_1585, %dma_wait3A_1586] : memref<160x32xf32, #tpu.memory_space<vmem>> -> memref<20x32xf32, #tpu.memory_space<vmem>>
      %dma_wait3A_1588 = arith.constant 0 : i32
      %dma_wait3A_1589 = tpu.memref_slice %arg5[%dma_wait3A_1583, %dma_wait3A_1584, %dma_wait3A_1588] : memref<8x10x20xi32, #tpu.memory_space<vmem>> -> memref<1x1x20xi32, #tpu.memory_space<vmem>>
      %dma_wait3A_1590 = tpu.memref_squeeze %dma_wait3A_1589 : memref<1x1x20xi32, #tpu.memory_space<vmem>> -> memref<20xi32, #tpu.memory_space<vmem>>
      %dma_wait3A_1591 = arith.constant 0 : i32
      %dma_wait3A_1592 = arith.constant 0 : i32
      %dma_wait3A_1593 = tpu.memref_slice %arg3[%dma_wait3A_1591, %dma_wait3A_1592] : memref<1000000x32xf32, #tpu.memory_space<hbm>> -> memref<1000000x32xf32, #tpu.memory_space<hbm>>
      tpu.wait_indirect_dma semaphore(%arg7 : memref<!tpu.dma_semaphore, #tpu.memory_space<semaphore_mem>>) src(%dma_wait3A_1593 : memref<1000000x32xf32, #tpu.memory_space<hbm>>) dst(%dma_wait3A_1587 : memref<20x32xf32, #tpu.memory_space<vmem>>)
      %dma_wait3A_1594 = arith.constant 6 : i32
      %dma_wait3A_1595 = arith.constant 3 : i32
      %dma_wait3A_1596 = arith.constant 120 : i32
      %dma_wait3A_1597 = arith.constant 0 : i32
      %dma_wait3A_1598 = tpu.memref_slice %arg6[%dma_wait3A_1596, %dma_wait3A_1597] : memref<160x32xf32, #tpu.memory_space<vmem>> -> memref<20x32xf32, #tpu.memory_space<vmem>>
      %dma_wait3A_1599 = arith.constant 0 : i32
      %dma_wait3A_1600 = tpu.memref_slice %arg5[%dma_wait3A_1594, %dma_wait3A_1595, %dma_wait3A_1599] : memref<8x10x20xi32, #tpu.memory_space<vmem>> -> memref<1x1x20xi32, #tpu.memory_space<vmem>>
      %dma_wait3A_1601 = tpu.memref_squeeze %dma_wait3A_1600 : memref<1x1x20xi32, #tpu.memory_space<vmem>> -> memref<20xi32, #tpu.memory_space<vmem>>
      %dma_wait3A_1602 = arith.constant 0 : i32
      %dma_wait3A_1603 = arith.constant 0 : i32
      %dma_wait3A_1604 = tpu.memref_slice %arg3[%dma_wait3A_1602, %dma_wait3A_1603] : memref<1000000x32xf32, #tpu.memory_space<hbm>> -> memref<1000000x32xf32, #tpu.memory_space<hbm>>
      tpu.wait_indirect_dma semaphore(%arg7 : memref<!tpu.dma_semaphore, #tpu.memory_space<semaphore_mem>>) src(%dma_wait3A_1604 : memref<1000000x32xf32, #tpu.memory_space<hbm>>) dst(%dma_wait3A_1598 : memref<20x32xf32, #tpu.memory_space<vmem>>)
      %dma_wait3A_1605 = arith.constant 6 : i32
      %dma_wait3A_1606 = arith.constant 4 : i32
      %dma_wait3A_1607 = arith.constant 120 : i32
      %dma_wait3A_1608 = arith.constant 0 : i32
      %dma_wait3A_1609 = tpu.memref_slice %arg6[%dma_wait3A_1607, %dma_wait3A_1608] : memref<160x32xf32, #tpu.memory_space<vmem>> -> memref<20x32xf32, #tpu.memory_space<vmem>>
      %dma_wait3A_1610 = arith.constant 0 : i32
      %dma_wait3A_1611 = tpu.memref_slice %arg5[%dma_wait3A_1605, %dma_wait3A_1606, %dma_wait3A_1610] : memref<8x10x20xi32, #tpu.memory_space<vmem>> -> memref<1x1x20xi32, #tpu.memory_space<vmem>>
      %dma_wait3A_1612 = tpu.memref_squeeze %dma_wait3A_1611 : memref<1x1x20xi32, #tpu.memory_space<vmem>> -> memref<20xi32, #tpu.memory_space<vmem>>
      %dma_wait3A_1613 = arith.constant 0 : i32
      %dma_wait3A_1614 = arith.constant 0 : i32
      %dma_wait3A_1615 = tpu.memref_slice %arg3[%dma_wait3A_1613, %dma_wait3A_1614] : memref<1000000x32xf32, #tpu.memory_space<hbm>> -> memref<1000000x32xf32, #tpu.memory_space<hbm>>
      tpu.wait_indirect_dma semaphore(%arg7 : memref<!tpu.dma_semaphore, #tpu.memory_space<semaphore_mem>>) src(%dma_wait3A_1615 : memref<1000000x32xf32, #tpu.memory_space<hbm>>) dst(%dma_wait3A_1609 : memref<20x32xf32, #tpu.memory_space<vmem>>)
      %dma_wait3A_1616 = arith.constant 6 : i32
      %dma_wait3A_1617 = arith.constant 5 : i32
      %dma_wait3A_1618 = arith.constant 120 : i32
      %dma_wait3A_1619 = arith.constant 0 : i32
      %dma_wait3A_1620 = tpu.memref_slice %arg6[%dma_wait3A_1618, %dma_wait3A_1619] : memref<160x32xf32, #tpu.memory_space<vmem>> -> memref<20x32xf32, #tpu.memory_space<vmem>>
      %dma_wait3A_1621 = arith.constant 0 : i32
      %dma_wait3A_1622 = tpu.memref_slice %arg5[%dma_wait3A_1616, %dma_wait3A_1617, %dma_wait3A_1621] : memref<8x10x20xi32, #tpu.memory_space<vmem>> -> memref<1x1x20xi32, #tpu.memory_space<vmem>>
      %dma_wait3A_1623 = tpu.memref_squeeze %dma_wait3A_1622 : memref<1x1x20xi32, #tpu.memory_space<vmem>> -> memref<20xi32, #tpu.memory_space<vmem>>
      %dma_wait3A_1624 = arith.constant 0 : i32
      %dma_wait3A_1625 = arith.constant 0 : i32
      %dma_wait3A_1626 = tpu.memref_slice %arg3[%dma_wait3A_1624, %dma_wait3A_1625] : memref<1000000x32xf32, #tpu.memory_space<hbm>> -> memref<1000000x32xf32, #tpu.memory_space<hbm>>
      tpu.wait_indirect_dma semaphore(%arg7 : memref<!tpu.dma_semaphore, #tpu.memory_space<semaphore_mem>>) src(%dma_wait3A_1626 : memref<1000000x32xf32, #tpu.memory_space<hbm>>) dst(%dma_wait3A_1620 : memref<20x32xf32, #tpu.memory_space<vmem>>)
      %dma_wait3A_1627 = arith.constant 6 : i32
      %dma_wait3A_1628 = arith.constant 6 : i32
      %dma_wait3A_1629 = arith.constant 120 : i32
      %dma_wait3A_1630 = arith.constant 0 : i32
      %dma_wait3A_1631 = tpu.memref_slice %arg6[%dma_wait3A_1629, %dma_wait3A_1630] : memref<160x32xf32, #tpu.memory_space<vmem>> -> memref<20x32xf32, #tpu.memory_space<vmem>>
      %dma_wait3A_1632 = arith.constant 0 : i32
      %dma_wait3A_1633 = tpu.memref_slice %arg5[%dma_wait3A_1627, %dma_wait3A_1628, %dma_wait3A_1632] : memref<8x10x20xi32, #tpu.memory_space<vmem>> -> memref<1x1x20xi32, #tpu.memory_space<vmem>>
      %dma_wait3A_1634 = tpu.memref_squeeze %dma_wait3A_1633 : memref<1x1x20xi32, #tpu.memory_space<vmem>> -> memref<20xi32, #tpu.memory_space<vmem>>
      %dma_wait3A_1635 = arith.constant 0 : i32
      %dma_wait3A_1636 = arith.constant 0 : i32
      %dma_wait3A_1637 = tpu.memref_slice %arg3[%dma_wait3A_1635, %dma_wait3A_1636] : memref<1000000x32xf32, #tpu.memory_space<hbm>> -> memref<1000000x32xf32, #tpu.memory_space<hbm>>
      tpu.wait_indirect_dma semaphore(%arg7 : memref<!tpu.dma_semaphore, #tpu.memory_space<semaphore_mem>>) src(%dma_wait3A_1637 : memref<1000000x32xf32, #tpu.memory_space<hbm>>) dst(%dma_wait3A_1631 : memref<20x32xf32, #tpu.memory_space<vmem>>)
      %dma_wait3A_1638 = arith.constant 6 : i32
      %dma_wait3A_1639 = arith.constant 7 : i32
      %dma_wait3A_1640 = arith.constant 120 : i32
      %dma_wait3A_1641 = arith.constant 0 : i32
      %dma_wait3A_1642 = tpu.memref_slice %arg6[%dma_wait3A_1640, %dma_wait3A_1641] : memref<160x32xf32, #tpu.memory_space<vmem>> -> memref<20x32xf32, #tpu.memory_space<vmem>>
      %dma_wait3A_1643 = arith.constant 0 : i32
      %dma_wait3A_1644 = tpu.memref_slice %arg5[%dma_wait3A_1638, %dma_wait3A_1639, %dma_wait3A_1643] : memref<8x10x20xi32, #tpu.memory_space<vmem>> -> memref<1x1x20xi32, #tpu.memory_space<vmem>>
      %dma_wait3A_1645 = tpu.memref_squeeze %dma_wait3A_1644 : memref<1x1x20xi32, #tpu.memory_space<vmem>> -> memref<20xi32, #tpu.memory_space<vmem>>
      %dma_wait3A_1646 = arith.constant 0 : i32
      %dma_wait3A_1647 = arith.constant 0 : i32
      %dma_wait3A_1648 = tpu.memref_slice %arg3[%dma_wait3A_1646, %dma_wait3A_1647] : memref<1000000x32xf32, #tpu.memory_space<hbm>> -> memref<1000000x32xf32, #tpu.memory_space<hbm>>
      tpu.wait_indirect_dma semaphore(%arg7 : memref<!tpu.dma_semaphore, #tpu.memory_space<semaphore_mem>>) src(%dma_wait3A_1648 : memref<1000000x32xf32, #tpu.memory_space<hbm>>) dst(%dma_wait3A_1642 : memref<20x32xf32, #tpu.memory_space<vmem>>)
      %dma_wait3A_1649 = arith.constant 6 : i32
      %dma_wait3A_1650 = arith.constant 8 : i32
      %dma_wait3A_1651 = arith.constant 120 : i32
      %dma_wait3A_1652 = arith.constant 0 : i32
      %dma_wait3A_1653 = tpu.memref_slice %arg6[%dma_wait3A_1651, %dma_wait3A_1652] : memref<160x32xf32, #tpu.memory_space<vmem>> -> memref<20x32xf32, #tpu.memory_space<vmem>>
      %dma_wait3A_1654 = arith.constant 0 : i32
      %dma_wait3A_1655 = tpu.memref_slice %arg5[%dma_wait3A_1649, %dma_wait3A_1650, %dma_wait3A_1654] : memref<8x10x20xi32, #tpu.memory_space<vmem>> -> memref<1x1x20xi32, #tpu.memory_space<vmem>>
      %dma_wait3A_1656 = tpu.memref_squeeze %dma_wait3A_1655 : memref<1x1x20xi32, #tpu.memory_space<vmem>> -> memref<20xi32, #tpu.memory_space<vmem>>
      %dma_wait3A_1657 = arith.constant 0 : i32
      %dma_wait3A_1658 = arith.constant 0 : i32
      %dma_wait3A_1659 = tpu.memref_slice %arg3[%dma_wait3A_1657, %dma_wait3A_1658] : memref<1000000x32xf32, #tpu.memory_space<hbm>> -> memref<1000000x32xf32, #tpu.memory_space<hbm>>
      tpu.wait_indirect_dma semaphore(%arg7 : memref<!tpu.dma_semaphore, #tpu.memory_space<semaphore_mem>>) src(%dma_wait3A_1659 : memref<1000000x32xf32, #tpu.memory_space<hbm>>) dst(%dma_wait3A_1653 : memref<20x32xf32, #tpu.memory_space<vmem>>)
      %dma_wait3A_1660 = arith.constant 6 : i32
      %dma_wait3A_1661 = arith.constant 9 : i32
      %dma_wait3A_1662 = arith.constant 120 : i32
      %dma_wait3A_1663 = arith.constant 0 : i32
      %dma_wait3A_1664 = tpu.memref_slice %arg6[%dma_wait3A_1662, %dma_wait3A_1663] : memref<160x32xf32, #tpu.memory_space<vmem>> -> memref<20x32xf32, #tpu.memory_space<vmem>>
      %dma_wait3A_1665 = arith.constant 0 : i32
      %dma_wait3A_1666 = tpu.memref_slice %arg5[%dma_wait3A_1660, %dma_wait3A_1661, %dma_wait3A_1665] : memref<8x10x20xi32, #tpu.memory_space<vmem>> -> memref<1x1x20xi32, #tpu.memory_space<vmem>>
      %dma_wait3A_1667 = tpu.memref_squeeze %dma_wait3A_1666 : memref<1x1x20xi32, #tpu.memory_space<vmem>> -> memref<20xi32, #tpu.memory_space<vmem>>
      %dma_wait3A_1668 = arith.constant 0 : i32
      %dma_wait3A_1669 = arith.constant 0 : i32
      %dma_wait3A_1670 = tpu.memref_slice %arg3[%dma_wait3A_1668, %dma_wait3A_1669] : memref<1000000x32xf32, #tpu.memory_space<hbm>> -> memref<1000000x32xf32, #tpu.memory_space<hbm>>
      tpu.wait_indirect_dma semaphore(%arg7 : memref<!tpu.dma_semaphore, #tpu.memory_space<semaphore_mem>>) src(%dma_wait3A_1670 : memref<1000000x32xf32, #tpu.memory_space<hbm>>) dst(%dma_wait3A_1664 : memref<20x32xf32, #tpu.memory_space<vmem>>)
      %dma_wait3A_1671 = arith.constant 7 : i32
      %dma_wait3A_1672 = arith.constant 1 : i32
      %dma_wait3A_1673 = arith.constant 140 : i32
      %dma_wait3A_1674 = arith.constant 0 : i32
      %dma_wait3A_1675 = tpu.memref_slice %arg6[%dma_wait3A_1673, %dma_wait3A_1674] : memref<160x32xf32, #tpu.memory_space<vmem>> -> memref<20x32xf32, #tpu.memory_space<vmem>>
      %dma_wait3A_1676 = arith.constant 0 : i32
      %dma_wait3A_1677 = tpu.memref_slice %arg5[%dma_wait3A_1671, %dma_wait3A_1672, %dma_wait3A_1676] : memref<8x10x20xi32, #tpu.memory_space<vmem>> -> memref<1x1x20xi32, #tpu.memory_space<vmem>>
      %dma_wait3A_1678 = tpu.memref_squeeze %dma_wait3A_1677 : memref<1x1x20xi32, #tpu.memory_space<vmem>> -> memref<20xi32, #tpu.memory_space<vmem>>
      %dma_wait3A_1679 = arith.constant 0 : i32
      %dma_wait3A_1680 = arith.constant 0 : i32
      %dma_wait3A_1681 = tpu.memref_slice %arg3[%dma_wait3A_1679, %dma_wait3A_1680] : memref<1000000x32xf32, #tpu.memory_space<hbm>> -> memref<1000000x32xf32, #tpu.memory_space<hbm>>
      tpu.wait_indirect_dma semaphore(%arg7 : memref<!tpu.dma_semaphore, #tpu.memory_space<semaphore_mem>>) src(%dma_wait3A_1681 : memref<1000000x32xf32, #tpu.memory_space<hbm>>) dst(%dma_wait3A_1675 : memref<20x32xf32, #tpu.memory_space<vmem>>)
      %dma_wait3A_1682 = arith.constant 7 : i32
      %dma_wait3A_1683 = arith.constant 2 : i32
      %dma_wait3A_1684 = arith.constant 140 : i32
      %dma_wait3A_1685 = arith.constant 0 : i32
      %dma_wait3A_1686 = tpu.memref_slice %arg6[%dma_wait3A_1684, %dma_wait3A_1685] : memref<160x32xf32, #tpu.memory_space<vmem>> -> memref<20x32xf32, #tpu.memory_space<vmem>>
      %dma_wait3A_1687 = arith.constant 0 : i32
      %dma_wait3A_1688 = tpu.memref_slice %arg5[%dma_wait3A_1682, %dma_wait3A_1683, %dma_wait3A_1687] : memref<8x10x20xi32, #tpu.memory_space<vmem>> -> memref<1x1x20xi32, #tpu.memory_space<vmem>>
      %dma_wait3A_1689 = tpu.memref_squeeze %dma_wait3A_1688 : memref<1x1x20xi32, #tpu.memory_space<vmem>> -> memref<20xi32, #tpu.memory_space<vmem>>
      %dma_wait3A_1690 = arith.constant 0 : i32
      %dma_wait3A_1691 = arith.constant 0 : i32
      %dma_wait3A_1692 = tpu.memref_slice %arg3[%dma_wait3A_1690, %dma_wait3A_1691] : memref<1000000x32xf32, #tpu.memory_space<hbm>> -> memref<1000000x32xf32, #tpu.memory_space<hbm>>
      tpu.wait_indirect_dma semaphore(%arg7 : memref<!tpu.dma_semaphore, #tpu.memory_space<semaphore_mem>>) src(%dma_wait3A_1692 : memref<1000000x32xf32, #tpu.memory_space<hbm>>) dst(%dma_wait3A_1686 : memref<20x32xf32, #tpu.memory_space<vmem>>)
      %dma_wait3A_1693 = arith.constant 7 : i32
      %dma_wait3A_1694 = arith.constant 3 : i32
      %dma_wait3A_1695 = arith.constant 140 : i32
      %dma_wait3A_1696 = arith.constant 0 : i32
      %dma_wait3A_1697 = tpu.memref_slice %arg6[%dma_wait3A_1695, %dma_wait3A_1696] : memref<160x32xf32, #tpu.memory_space<vmem>> -> memref<20x32xf32, #tpu.memory_space<vmem>>
      %dma_wait3A_1698 = arith.constant 0 : i32
      %dma_wait3A_1699 = tpu.memref_slice %arg5[%dma_wait3A_1693, %dma_wait3A_1694, %dma_wait3A_1698] : memref<8x10x20xi32, #tpu.memory_space<vmem>> -> memref<1x1x20xi32, #tpu.memory_space<vmem>>
      %dma_wait3A_1700 = tpu.memref_squeeze %dma_wait3A_1699 : memref<1x1x20xi32, #tpu.memory_space<vmem>> -> memref<20xi32, #tpu.memory_space<vmem>>
      %dma_wait3A_1701 = arith.constant 0 : i32
      %dma_wait3A_1702 = arith.constant 0 : i32
      %dma_wait3A_1703 = tpu.memref_slice %arg3[%dma_wait3A_1701, %dma_wait3A_1702] : memref<1000000x32xf32, #tpu.memory_space<hbm>> -> memref<1000000x32xf32, #tpu.memory_space<hbm>>
      tpu.wait_indirect_dma semaphore(%arg7 : memref<!tpu.dma_semaphore, #tpu.memory_space<semaphore_mem>>) src(%dma_wait3A_1703 : memref<1000000x32xf32, #tpu.memory_space<hbm>>) dst(%dma_wait3A_1697 : memref<20x32xf32, #tpu.memory_space<vmem>>)
      %dma_wait3A_1704 = arith.constant 7 : i32
      %dma_wait3A_1705 = arith.constant 4 : i32
      %dma_wait3A_1706 = arith.constant 140 : i32
      %dma_wait3A_1707 = arith.constant 0 : i32
      %dma_wait3A_1708 = tpu.memref_slice %arg6[%dma_wait3A_1706, %dma_wait3A_1707] : memref<160x32xf32, #tpu.memory_space<vmem>> -> memref<20x32xf32, #tpu.memory_space<vmem>>
      %dma_wait3A_1709 = arith.constant 0 : i32
      %dma_wait3A_1710 = tpu.memref_slice %arg5[%dma_wait3A_1704, %dma_wait3A_1705, %dma_wait3A_1709] : memref<8x10x20xi32, #tpu.memory_space<vmem>> -> memref<1x1x20xi32, #tpu.memory_space<vmem>>
      %dma_wait3A_1711 = tpu.memref_squeeze %dma_wait3A_1710 : memref<1x1x20xi32, #tpu.memory_space<vmem>> -> memref<20xi32, #tpu.memory_space<vmem>>
      %dma_wait3A_1712 = arith.constant 0 : i32
      %dma_wait3A_1713 = arith.constant 0 : i32
      %dma_wait3A_1714 = tpu.memref_slice %arg3[%dma_wait3A_1712, %dma_wait3A_1713] : memref<1000000x32xf32, #tpu.memory_space<hbm>> -> memref<1000000x32xf32, #tpu.memory_space<hbm>>
      tpu.wait_indirect_dma semaphore(%arg7 : memref<!tpu.dma_semaphore, #tpu.memory_space<semaphore_mem>>) src(%dma_wait3A_1714 : memref<1000000x32xf32, #tpu.memory_space<hbm>>) dst(%dma_wait3A_1708 : memref<20x32xf32, #tpu.memory_space<vmem>>)
      %dma_wait3A_1715 = arith.constant 7 : i32
      %dma_wait3A_1716 = arith.constant 5 : i32
      %dma_wait3A_1717 = arith.constant 140 : i32
      %dma_wait3A_1718 = arith.constant 0 : i32
      %dma_wait3A_1719 = tpu.memref_slice %arg6[%dma_wait3A_1717, %dma_wait3A_1718] : memref<160x32xf32, #tpu.memory_space<vmem>> -> memref<20x32xf32, #tpu.memory_space<vmem>>
      %dma_wait3A_1720 = arith.constant 0 : i32
      %dma_wait3A_1721 = tpu.memref_slice %arg5[%dma_wait3A_1715, %dma_wait3A_1716, %dma_wait3A_1720] : memref<8x10x20xi32, #tpu.memory_space<vmem>> -> memref<1x1x20xi32, #tpu.memory_space<vmem>>
      %dma_wait3A_1722 = tpu.memref_squeeze %dma_wait3A_1721 : memref<1x1x20xi32, #tpu.memory_space<vmem>> -> memref<20xi32, #tpu.memory_space<vmem>>
      %dma_wait3A_1723 = arith.constant 0 : i32
      %dma_wait3A_1724 = arith.constant 0 : i32
      %dma_wait3A_1725 = tpu.memref_slice %arg3[%dma_wait3A_1723, %dma_wait3A_1724] : memref<1000000x32xf32, #tpu.memory_space<hbm>> -> memref<1000000x32xf32, #tpu.memory_space<hbm>>
      tpu.wait_indirect_dma semaphore(%arg7 : memref<!tpu.dma_semaphore, #tpu.memory_space<semaphore_mem>>) src(%dma_wait3A_1725 : memref<1000000x32xf32, #tpu.memory_space<hbm>>) dst(%dma_wait3A_1719 : memref<20x32xf32, #tpu.memory_space<vmem>>)
      %dma_wait3A_1726 = arith.constant 7 : i32
      %dma_wait3A_1727 = arith.constant 6 : i32
      %dma_wait3A_1728 = arith.constant 140 : i32
      %dma_wait3A_1729 = arith.constant 0 : i32
      %dma_wait3A_1730 = tpu.memref_slice %arg6[%dma_wait3A_1728, %dma_wait3A_1729] : memref<160x32xf32, #tpu.memory_space<vmem>> -> memref<20x32xf32, #tpu.memory_space<vmem>>
      %dma_wait3A_1731 = arith.constant 0 : i32
      %dma_wait3A_1732 = tpu.memref_slice %arg5[%dma_wait3A_1726, %dma_wait3A_1727, %dma_wait3A_1731] : memref<8x10x20xi32, #tpu.memory_space<vmem>> -> memref<1x1x20xi32, #tpu.memory_space<vmem>>
      %dma_wait3A_1733 = tpu.memref_squeeze %dma_wait3A_1732 : memref<1x1x20xi32, #tpu.memory_space<vmem>> -> memref<20xi32, #tpu.memory_space<vmem>>
      %dma_wait3A_1734 = arith.constant 0 : i32
      %dma_wait3A_1735 = arith.constant 0 : i32
      %dma_wait3A_1736 = tpu.memref_slice %arg3[%dma_wait3A_1734, %dma_wait3A_1735] : memref<1000000x32xf32, #tpu.memory_space<hbm>> -> memref<1000000x32xf32, #tpu.memory_space<hbm>>
      tpu.wait_indirect_dma semaphore(%arg7 : memref<!tpu.dma_semaphore, #tpu.memory_space<semaphore_mem>>) src(%dma_wait3A_1736 : memref<1000000x32xf32, #tpu.memory_space<hbm>>) dst(%dma_wait3A_1730 : memref<20x32xf32, #tpu.memory_space<vmem>>)
      %dma_wait3A_1737 = arith.constant 7 : i32
      %dma_wait3A_1738 = arith.constant 7 : i32
      %dma_wait3A_1739 = arith.constant 140 : i32
      %dma_wait3A_1740 = arith.constant 0 : i32
      %dma_wait3A_1741 = tpu.memref_slice %arg6[%dma_wait3A_1739, %dma_wait3A_1740] : memref<160x32xf32, #tpu.memory_space<vmem>> -> memref<20x32xf32, #tpu.memory_space<vmem>>
      %dma_wait3A_1742 = arith.constant 0 : i32
      %dma_wait3A_1743 = tpu.memref_slice %arg5[%dma_wait3A_1737, %dma_wait3A_1738, %dma_wait3A_1742] : memref<8x10x20xi32, #tpu.memory_space<vmem>> -> memref<1x1x20xi32, #tpu.memory_space<vmem>>
      %dma_wait3A_1744 = tpu.memref_squeeze %dma_wait3A_1743 : memref<1x1x20xi32, #tpu.memory_space<vmem>> -> memref<20xi32, #tpu.memory_space<vmem>>
      %dma_wait3A_1745 = arith.constant 0 : i32
      %dma_wait3A_1746 = arith.constant 0 : i32
      %dma_wait3A_1747 = tpu.memref_slice %arg3[%dma_wait3A_1745, %dma_wait3A_1746] : memref<1000000x32xf32, #tpu.memory_space<hbm>> -> memref<1000000x32xf32, #tpu.memory_space<hbm>>
      tpu.wait_indirect_dma semaphore(%arg7 : memref<!tpu.dma_semaphore, #tpu.memory_space<semaphore_mem>>) src(%dma_wait3A_1747 : memref<1000000x32xf32, #tpu.memory_space<hbm>>) dst(%dma_wait3A_1741 : memref<20x32xf32, #tpu.memory_space<vmem>>)
      %dma_wait3A_1748 = arith.constant 7 : i32
      %dma_wait3A_1749 = arith.constant 8 : i32
      %dma_wait3A_1750 = arith.constant 140 : i32
      %dma_wait3A_1751 = arith.constant 0 : i32
      %dma_wait3A_1752 = tpu.memref_slice %arg6[%dma_wait3A_1750, %dma_wait3A_1751] : memref<160x32xf32, #tpu.memory_space<vmem>> -> memref<20x32xf32, #tpu.memory_space<vmem>>
      %dma_wait3A_1753 = arith.constant 0 : i32
      %dma_wait3A_1754 = tpu.memref_slice %arg5[%dma_wait3A_1748, %dma_wait3A_1749, %dma_wait3A_1753] : memref<8x10x20xi32, #tpu.memory_space<vmem>> -> memref<1x1x20xi32, #tpu.memory_space<vmem>>
      %dma_wait3A_1755 = tpu.memref_squeeze %dma_wait3A_1754 : memref<1x1x20xi32, #tpu.memory_space<vmem>> -> memref<20xi32, #tpu.memory_space<vmem>>
      %dma_wait3A_1756 = arith.constant 0 : i32
      %dma_wait3A_1757 = arith.constant 0 : i32
      %dma_wait3A_1758 = tpu.memref_slice %arg3[%dma_wait3A_1756, %dma_wait3A_1757] : memref<1000000x32xf32, #tpu.memory_space<hbm>> -> memref<1000000x32xf32, #tpu.memory_space<hbm>>
      tpu.wait_indirect_dma semaphore(%arg7 : memref<!tpu.dma_semaphore, #tpu.memory_space<semaphore_mem>>) src(%dma_wait3A_1758 : memref<1000000x32xf32, #tpu.memory_space<hbm>>) dst(%dma_wait3A_1752 : memref<20x32xf32, #tpu.memory_space<vmem>>)
      %dma_wait3A_1759 = arith.constant 7 : i32
      %dma_wait3A_1760 = arith.constant 9 : i32
      %dma_wait3A_1761 = arith.constant 140 : i32
      %dma_wait3A_1762 = arith.constant 0 : i32
      %dma_wait3A_1763 = tpu.memref_slice %arg6[%dma_wait3A_1761, %dma_wait3A_1762] : memref<160x32xf32, #tpu.memory_space<vmem>> -> memref<20x32xf32, #tpu.memory_space<vmem>>
      %dma_wait3A_1764 = arith.constant 0 : i32
      %dma_wait3A_1765 = tpu.memref_slice %arg5[%dma_wait3A_1759, %dma_wait3A_1760, %dma_wait3A_1764] : memref<8x10x20xi32, #tpu.memory_space<vmem>> -> memref<1x1x20xi32, #tpu.memory_space<vmem>>
      %dma_wait3A_1766 = tpu.memref_squeeze %dma_wait3A_1765 : memref<1x1x20xi32, #tpu.memory_space<vmem>> -> memref<20xi32, #tpu.memory_space<vmem>>
      %dma_wait3A_1767 = arith.constant 0 : i32
      %dma_wait3A_1768 = arith.constant 0 : i32
      %dma_wait3A_1769 = tpu.memref_slice %arg3[%dma_wait3A_1767, %dma_wait3A_1768] : memref<1000000x32xf32, #tpu.memory_space<hbm>> -> memref<1000000x32xf32, #tpu.memory_space<hbm>>
      tpu.wait_indirect_dma semaphore(%arg7 : memref<!tpu.dma_semaphore, #tpu.memory_space<semaphore_mem>>) src(%dma_wait3A_1769 : memref<1000000x32xf32, #tpu.memory_space<hbm>>) dst(%dma_wait3A_1763 : memref<20x32xf32, #tpu.memory_space<vmem>>)
      %scan3A_1770 = arith.constant 0 : i32
      %scan3A_1771 = arith.constant 0 : i32
      %scan3A_1772 = arith.constant 160 : i32
      %scan3A_1773 = arith.addi %scan3A_1771, %scan3A_1772 : i32
      %scan3A_1774 = arith.constant 4 : i32
      scf.for %scan3A_1778 = %scan3A_1771 to %scan3A_1773 step %scan3A_1774  : i32 {
        %get3A = arith.index_cast %scan3A_1778 : i32 to index
        %get3A_1779 = arith.constant 0 : index
        %get3A_1780 = tpu.vector_load %arg6[%get3A, %get3A_1779] {strides = array<i32>} : memref<160x32xf32, #tpu.memory_space<vmem>>, vector<1x16xf32>,
        %get3A_1781 = vector.shape_cast %get3A_1780 : vector<1x16xf32> to vector<16xf32>
        %mul3A_1782 = arith.constant 1.000000e-01 : f32
        %mul3A_1783 = vector.broadcast %mul3A_1782 : f32 to vector<16xf32>
        %mul3A_1784 = arith.mulf %get3A_1781, %mul3A_1783 : vector<16xf32>
        %swap3A = arith.index_cast %scan3A_1778 : i32 to index
        %swap3A_1785 = arith.constant 0 : index
        %swap3A_1786 = tpu.vector_load %arg6[%swap3A, %swap3A_1785] {strides = array<i32>} : memref<160x32xf32, #tpu.memory_space<vmem>>, vector<1x16xf32>,
        %swap3A_1787 = vector.shape_cast %swap3A_1786 : vector<1x16xf32> to vector<16xf32>
        %swap3A_1788 = vector.shape_cast %mul3A_1784 : vector<16xf32> to vector<1x16xf32>
        tpu.vector_store %arg6[%swap3A, %swap3A_1785], %swap3A_1788 {strides = array<i32>} : memref<160x32xf32, #tpu.memory_space<vmem>>, vector<1x16xf32>,
        %get3A_1789 = arith.index_cast %scan3A_1778 : i32 to index
        %get3A_1790 = arith.constant 16 : index
        %get3A_1791 = tpu.vector_load %arg6[%get3A_1789, %get3A_1790] {strides = array<i32>} : memref<160x32xf32, #tpu.memory_space<vmem>>, vector<1x16xf32>,
        %get3A_1792 = vector.shape_cast %get3A_1791 : vector<1x16xf32> to vector<16xf32>
        %mul3A_1793 = arith.constant 1.000000e-01 : f32
        %mul3A_1794 = vector.broadcast %mul3A_1793 : f32 to vector<16xf32>
        %mul3A_1795 = arith.mulf %get3A_1792, %mul3A_1794 : vector<16xf32>
        %swap3A_1796 = arith.index_cast %scan3A_1778 : i32 to index
        %swap3A_1797 = arith.constant 16 : index
        %swap3A_1798 = tpu.vector_load %arg6[%swap3A_1796, %swap3A_1797] {strides = array<i32>} : memref<160x32xf32, #tpu.memory_space<vmem>>, vector<1x16xf32>,
        %swap3A_1799 = vector.shape_cast %swap3A_1798 : vector<1x16xf32> to vector<16xf32>
        %swap3A_1800 = vector.shape_cast %mul3A_1795 : vector<16xf32> to vector<1x16xf32>
        tpu.vector_store %arg6[%swap3A_1796, %swap3A_1797], %swap3A_1800 {strides = array<i32>} : memref<160x32xf32, #tpu.memory_space<vmem>>, vector<1x16xf32>,
        %scan3A_1801 = arith.constant 1 : i32
        %scan3A_1802 = arith.addi %scan3A_1778, %scan3A_1801 : i32
        %get3A_1803 = arith.index_cast %scan3A_1802 : i32 to index
        %get3A_1804 = arith.constant 0 : index
        %get3A_1805 = tpu.vector_load %arg6[%get3A_1803, %get3A_1804] {strides = array<i32>} : memref<160x32xf32, #tpu.memory_space<vmem>>, vector<1x16xf32>,
        %get3A_1806 = vector.shape_cast %get3A_1805 : vector<1x16xf32> to vector<16xf32>
        %mul3A_1807 = arith.constant 1.000000e-01 : f32
        %mul3A_1808 = vector.broadcast %mul3A_1807 : f32 to vector<16xf32>
        %mul3A_1809 = arith.mulf %get3A_1806, %mul3A_1808 : vector<16xf32>
        %swap3A_1810 = arith.index_cast %scan3A_1802 : i32 to index
        %swap3A_1811 = arith.constant 0 : index
        %swap3A_1812 = tpu.vector_load %arg6[%swap3A_1810, %swap3A_1811] {strides = array<i32>} : memref<160x32xf32, #tpu.memory_space<vmem>>, vector<1x16xf32>,
        %swap3A_1813 = vector.shape_cast %swap3A_1812 : vector<1x16xf32> to vector<16xf32>
        %swap3A_1814 = vector.shape_cast %mul3A_1809 : vector<16xf32> to vector<1x16xf32>
        tpu.vector_store %arg6[%swap3A_1810, %swap3A_1811], %swap3A_1814 {strides = array<i32>} : memref<160x32xf32, #tpu.memory_space<vmem>>, vector<1x16xf32>,
        %get3A_1815 = arith.index_cast %scan3A_1802 : i32 to index
        %get3A_1816 = arith.constant 16 : index
        %get3A_1817 = tpu.vector_load %arg6[%get3A_1815, %get3A_1816] {strides = array<i32>} : memref<160x32xf32, #tpu.memory_space<vmem>>, vector<1x16xf32>,
        %get3A_1818 = vector.shape_cast %get3A_1817 : vector<1x16xf32> to vector<16xf32>
        %mul3A_1819 = arith.constant 1.000000e-01 : f32
        %mul3A_1820 = vector.broadcast %mul3A_1819 : f32 to vector<16xf32>
        %mul3A_1821 = arith.mulf %get3A_1818, %mul3A_1820 : vector<16xf32>
        %swap3A_1822 = arith.index_cast %scan3A_1802 : i32 to index
        %swap3A_1823 = arith.constant 16 : index
        %swap3A_1824 = tpu.vector_load %arg6[%swap3A_1822, %swap3A_1823] {strides = array<i32>} : memref<160x32xf32, #tpu.memory_space<vmem>>, vector<1x16xf32>,
        %swap3A_1825 = vector.shape_cast %swap3A_1824 : vector<1x16xf32> to vector<16xf32>
        %swap3A_1826 = vector.shape_cast %mul3A_1821 : vector<16xf32> to vector<1x16xf32>
        tpu.vector_store %arg6[%swap3A_1822, %swap3A_1823], %swap3A_1826 {strides = array<i32>} : memref<160x32xf32, #tpu.memory_space<vmem>>, vector<1x16xf32>,
        %scan3A_1827 = arith.constant 2 : i32
        %scan3A_1828 = arith.addi %scan3A_1778, %scan3A_1827 : i32
        %get3A_1829 = arith.index_cast %scan3A_1828 : i32 to index
        %get3A_1830 = arith.constant 0 : index
        %get3A_1831 = tpu.vector_load %arg6[%get3A_1829, %get3A_1830] {strides = array<i32>} : memref<160x32xf32, #tpu.memory_space<vmem>>, vector<1x16xf32>,
        %get3A_1832 = vector.shape_cast %get3A_1831 : vector<1x16xf32> to vector<16xf32>
        %mul3A_1833 = arith.constant 1.000000e-01 : f32
        %mul3A_1834 = vector.broadcast %mul3A_1833 : f32 to vector<16xf32>
        %mul3A_1835 = arith.mulf %get3A_1832, %mul3A_1834 : vector<16xf32>
        %swap3A_1836 = arith.index_cast %scan3A_1828 : i32 to index
        %swap3A_1837 = arith.constant 0 : index
        %swap3A_1838 = tpu.vector_load %arg6[%swap3A_1836, %swap3A_1837] {strides = array<i32>} : memref<160x32xf32, #tpu.memory_space<vmem>>, vector<1x16xf32>,
        %swap3A_1839 = vector.shape_cast %swap3A_1838 : vector<1x16xf32> to vector<16xf32>
        %swap3A_1840 = vector.shape_cast %mul3A_1835 : vector<16xf32> to vector<1x16xf32>
        tpu.vector_store %arg6[%swap3A_1836, %swap3A_1837], %swap3A_1840 {strides = array<i32>} : memref<160x32xf32, #tpu.memory_space<vmem>>, vector<1x16xf32>,
        %get3A_1841 = arith.index_cast %scan3A_1828 : i32 to index
        %get3A_1842 = arith.constant 16 : index
        %get3A_1843 = tpu.vector_load %arg6[%get3A_1841, %get3A_1842] {strides = array<i32>} : memref<160x32xf32, #tpu.memory_space<vmem>>, vector<1x16xf32>,
        %get3A_1844 = vector.shape_cast %get3A_1843 : vector<1x16xf32> to vector<16xf32>
        %mul3A_1845 = arith.constant 1.000000e-01 : f32
        %mul3A_1846 = vector.broadcast %mul3A_1845 : f32 to vector<16xf32>
        %mul3A_1847 = arith.mulf %get3A_1844, %mul3A_1846 : vector<16xf32>
        %swap3A_1848 = arith.index_cast %scan3A_1828 : i32 to index
        %swap3A_1849 = arith.constant 16 : index
        %swap3A_1850 = tpu.vector_load %arg6[%swap3A_1848, %swap3A_1849] {strides = array<i32>} : memref<160x32xf32, #tpu.memory_space<vmem>>, vector<1x16xf32>,
        %swap3A_1851 = vector.shape_cast %swap3A_1850 : vector<1x16xf32> to vector<16xf32>
        %swap3A_1852 = vector.shape_cast %mul3A_1847 : vector<16xf32> to vector<1x16xf32>
        tpu.vector_store %arg6[%swap3A_1848, %swap3A_1849], %swap3A_1852 {strides = array<i32>} : memref<160x32xf32, #tpu.memory_space<vmem>>, vector<1x16xf32>,
        %scan3A_1853 = arith.constant 3 : i32
        %scan3A_1854 = arith.addi %scan3A_1778, %scan3A_1853 : i32
        %get3A_1855 = arith.index_cast %scan3A_1854 : i32 to index
        %get3A_1856 = arith.constant 0 : index
        %get3A_1857 = tpu.vector_load %arg6[%get3A_1855, %get3A_1856] {strides = array<i32>} : memref<160x32xf32, #tpu.memory_space<vmem>>, vector<1x16xf32>,
        %get3A_1858 = vector.shape_cast %get3A_1857 : vector<1x16xf32> to vector<16xf32>
        %mul3A_1859 = arith.constant 1.000000e-01 : f32
        %mul3A_1860 = vector.broadcast %mul3A_1859 : f32 to vector<16xf32>
        %mul3A_1861 = arith.mulf %get3A_1858, %mul3A_1860 : vector<16xf32>
        %swap3A_1862 = arith.index_cast %scan3A_1854 : i32 to index
        %swap3A_1863 = arith.constant 0 : index
        %swap3A_1864 = tpu.vector_load %arg6[%swap3A_1862, %swap3A_1863] {strides = array<i32>} : memref<160x32xf32, #tpu.memory_space<vmem>>, vector<1x16xf32>,
        %swap3A_1865 = vector.shape_cast %swap3A_1864 : vector<1x16xf32> to vector<16xf32>
        %swap3A_1866 = vector.shape_cast %mul3A_1861 : vector<16xf32> to vector<1x16xf32>
        tpu.vector_store %arg6[%swap3A_1862, %swap3A_1863], %swap3A_1866 {strides = array<i32>} : memref<160x32xf32, #tpu.memory_space<vmem>>, vector<1x16xf32>,
        %get3A_1867 = arith.index_cast %scan3A_1854 : i32 to index
        %get3A_1868 = arith.constant 16 : index
        %get3A_1869 = tpu.vector_load %arg6[%get3A_1867, %get3A_1868] {strides = array<i32>} : memref<160x32xf32, #tpu.memory_space<vmem>>, vector<1x16xf32>,
        %get3A_1870 = vector.shape_cast %get3A_1869 : vector<1x16xf32> to vector<16xf32>
        %mul3A_1871 = arith.constant 1.000000e-01 : f32
        %mul3A_1872 = vector.broadcast %mul3A_1871 : f32 to vector<16xf32>
        %mul3A_1873 = arith.mulf %get3A_1870, %mul3A_1872 : vector<16xf32>
        %swap3A_1874 = arith.index_cast %scan3A_1854 : i32 to index
        %swap3A_1875 = arith.constant 16 : index
        %swap3A_1876 = tpu.vector_load %arg6[%swap3A_1874, %swap3A_1875] {strides = array<i32>} : memref<160x32xf32, #tpu.memory_space<vmem>>, vector<1x16xf32>,
        %swap3A_1877 = vector.shape_cast %swap3A_1876 : vector<1x16xf32> to vector<16xf32>
        %swap3A_1878 = vector.shape_cast %mul3A_1873 : vector<16xf32> to vector<1x16xf32>
        tpu.vector_store %arg6[%swap3A_1874, %swap3A_1875], %swap3A_1878 {strides = array<i32>} : memref<160x32xf32, #tpu.memory_space<vmem>>, vector<1x16xf32>,
      }
      %scan3A_1775 = arith.constant 160 : i32
      %mul3A_1776 = arith.constant 20 : i32
      %mul3A_1777 = arith.muli %add3A_11, %mul3A_1776 : i32
      "tpu.region"() ({
        %run_scoped3A = tpu.sem_alloc : memref<!tpu.dma_semaphore, #tpu.memory_space<semaphore_mem>>
        %dma_start3A_1778 = arith.constant 0 : i32
        %dma_start3A_1779 = tpu.memref_slice %arg4[%mul3A_1777, %dma_start3A_1778] : memref<81920x32xf32, #tpu.memory_space<hbm>> -> memref<160x32xf32, #tpu.memory_space<hbm>>
        %dma_start3A_1780 = arith.constant 0 : i32
        %dma_start3A_1781 = tpu.memref_slice %arg4[%mul3A_1777, %dma_start3A_1780] : memref<81920x32xf32, #tpu.memory_space<hbm>> -> memref<160x32xf32, #tpu.memory_space<hbm>>
        tpu.enqueue_dma source(%arg6 : memref<160x32xf32, #tpu.memory_space<vmem>>) target(%dma_start3A_1781 : memref<160x32xf32, #tpu.memory_space<hbm>>) target_semaphore(%run_scoped3A : memref<!tpu.dma_semaphore, #tpu.memory_space<semaphore_mem>>)
        %dma_wait3A_1782 = arith.constant 0 : i32
        %dma_wait3A_1783 = tpu.memref_slice %arg4[%mul3A_1777, %dma_wait3A_1782] : memref<81920x32xf32, #tpu.memory_space<hbm>> -> memref<160x32xf32, #tpu.memory_space<hbm>>
        %dma_wait3A_1784 = arith.constant 0 : i32
        %dma_wait3A_1785 = tpu.memref_slice %arg4[%mul3A_1777, %dma_wait3A_1784] : memref<81920x32xf32, #tpu.memory_space<hbm>> -> memref<160x32xf32, #tpu.memory_space<hbm>>
        tpu.wait_dma2 semaphore(%run_scoped3A : memref<!tpu.dma_semaphore, #tpu.memory_space<semaphore_mem>>) src(%arg6 : memref<160x32xf32, #tpu.memory_space<vmem>>) dst(%dma_wait3A_1785 : memref<160x32xf32, #tpu.memory_space<hbm>>)
        tpu.yield
      }) : () -> ()
    }
    %scan3A_7 = arith.constant 16 : i32
    return
  }
}

</mosaic_0001>

<sc_bundles>
// kernel: kernel.3.cloned.1.call-start
scs
__scs_entry_jumppad:
0x0: {  	(pc) =	sbr.rel $0x88, $3  }
0x1: {  	(tag) =	ssettag $0x0;
	lr =	simm.s32 $0x1  }
0x2: {  	[smem:$0x3F9F] =	sst lr;
	_ =	strace $0xD0000000  }
0x3: {  	_ = 	snop  }
0x4: {  	_ = 	snop  }
0x5: {  	_ = 	snop  }
0x6: {  	_ = 	snop  }
0x7: {  	_ = 	snop  }
__scs_overlays_trampoline_lowered:
0x8: {  	[smem:$0x3FAE] =	sst s0  }
0x9: {  	[smem:$0x3FAF] =	sst s1  }
0xa: {  	[smem:$0x3FB0] =	sst s2  }
0xb: {  	[smem:$0x3FB1] =	sst s3  }
0xc: {  	[smem:$0x3FB2] =	sst s4  }
0xd: {  	[smem:$0x3FB3] =	sst s5  }
0xe: {  	[smem:$0x3FB4] =	sst s6  }
0xf: {  	[smem:$0x3FB5] =	sst s7  }
0x10: {  	[smem:$0x3FB6] =	sst s8  }
0x11: {  	[smem:$0x3FB7] =	sst s9;
	s0 =	simm.s32 @!p0 $0x0  }
0x12: {  	s1 =	sld [smem:$0x3F9D];
	s0 =	simm.s32 @p0 $0x1  }
0x13: {  	[smem:$0x3FB8] =	sst s0;
	s0 =	simm.s32 @!p1 $0x0  }
0x14: {  	s2 =	sld [smem:$0x3F9C];
	s0 =	simm.s32 @p1 $0x1  }
0x15: {  	[smem:$0x3FB9] =	sst s0;
	s0 =	simm.s32 @!p2 $0x0  }
0x16: {  	s3 =	sld [smem:$0x3FDB];
	s0 =	simm.s32 @p2 $0x1  }
0x17: {  	s4 =	simm.s32 $0x1BF5;
	[smem:$0x3FBB] =	sst s0  }
0x18: {  	s0 =	sld [smem:$0x3F9E];
	_ =	swait.ge [sflag:s4], $0x0  }
0x19: {  	s7 =	sld [smem:$0x3F9F]  }
0x1a: {  	s8 =	sadd.s32 $0xFFFFE003, lr  }
0x1b: {  	s9 =	sadd.s32 $0xFFFFFEF7, lr;
	s5 =	simm.s32 $0xFFFFFFFF;
	p2 =	slt.u32 s8, $0xFFFFF086  }
0x1c: {  	p1 =	slt.u32 s9, $0xF7A;
	s5 =	simm.s32 @!p2 $0x0  }
0x1d: {  	s5 =	simm.s32 @p1 $0x1;
	p0 =	seq.s32 s7, s2  }
0x1e: {  	s7 =	smul.u32 @!p0 $0xF7A, s2;
	p2 =	seq.s32 @!p0 s5, $0x0  }
0x1f: {  	s9 =	smul.u32 $0xF7A, s1;
	s8 =	simm.s32 @!p0 $0x1BF5;
	p2 =	por !p2, p0  }
0x20: {  	[sflag:s8] =	ssyncset.s32 @!p0 $0xFFFFF086;
	s6 =	sadd.s32 @!p0 s3, s7;
	s7 =	simm.s32 @!p0 $0x108  }
0x21: {  	s3 =	sadd.s32 s3, s9;
	s6 =	sadd.s32 @!p0 $0x88, s6;
	s7 =	simm.s32 @p2 $0x1082  }
0x22: {  	[simem:s7], [sflag:s8] =	dma.local @!p0 [hbm:s6], $0xF7A  }
0x23: {  	s9 =	sor.u32 $0xD0000000, s2;
	s6 =	simm.s32 $0x108;
	_ =	swait.ge @!p0 [sflag:s8], $0x0  }
0x24: {  	s3 =	sadd.s32 $0x88, s3;
	s6 =	simm.s32 @!p1 $0x1082;
	[sflag:s4] =	ssyncset.s32 $0xFFFFF086  }
0x25: {  	[simem:s6], [sflag:s4] =	dma.local [hbm:s3], $0xF7A  }
0x26: {  	[smem:$0x3F9F] =	sst s1;
	(tag) =	ssettag s2;
	_ =	strace s9  }
0x27: {  	s1 =	sld [smem:$0x3FAF]  }
0x28: {  	s2 =	sld [smem:$0x3FB0]  }
0x29: {  	s4 =	sld [smem:$0x3FB2]  }
0x2a: {  	p0 =	seq.s32 s5, $0x0;
	s5 =	sld [smem:$0x3FB3]  }
0x2b: {  	s6 =	sld [smem:$0x3FB4]  }
0x2c: {  	s7 =	sld [smem:$0x3FB5]  }
0x2d: {  	s3 =	simm.s32 $0x108;
	s8 =	sld [smem:$0x3FB6]  }
0x2e: {  	s3 =	simm.s32 @!p0 $0x1082;
	s9 =	sld [smem:$0x3FB7]  }
0x2f: {  	lr =	sadd.s32 s0, s3;
	s0 =	sld [smem:$0x3FAE]  }
0x30: {  	s3 =	sld [smem:$0x3FB1]  }
0x31: {  	[smem:$0x3FBA] =	sst s10  }
0x32: {  	s10 =	sld [smem:$0x3FB8];
	_ =	sdelay $0x3  }
0x33: {  	p0 =	seq.s32 s10, $0x1;
	s10 =	sld [smem:$0x3FBA];
	_ =	sdelay $0x3  }
0x34: {  	[smem:$0x3FBA] =	sst s10  }
0x35: {  	s10 =	sld [smem:$0x3FB9];
	_ =	sdelay $0x3  }
0x36: {  	p1 =	seq.s32 s10, $0x1;
	s10 =	sld [smem:$0x3FBA];
	_ =	sdelay $0x3  }
0x37: {  	[smem:$0x3FBA] =	sst s10  }
0x38: {  	s10 =	sld [smem:$0x3FBB]  }
0x39: {  	_ = 	snop;
	(pc) =	sbr.ind lr, $3  }
0x3a: {  	_ = 	snop  }
0x3b: {  	_ = 	snop  }
0x3c: {  	p2 =	seq.s32 s10, $0x1;
	s10 =	sld [smem:$0x3FBA]  }
0x3d: {  	_ =	shalt  }
0x3e: {  	_ =	shalt  }
0x3f: {  	_ =	shalt  }
0x40: {  	_ =	shalt  }
0x41: {  	_ =	shalt  }
0x42: {  	_ =	shalt  }
0x43: {  	_ =	shalt  }
0x44: {  	_ =	shalt  }
0x45: {  	_ =	shalt  }
0x46: {  	_ =	shalt  }
0x47: {  	_ =	shalt  }
0x48: {  	_ =	shalt  }
0x49: {  	_ =	shalt  }
0x4a: {  	_ =	shalt  }
0x4b: {  	_ =	shalt  }
0x4c: {  	_ =	shalt  }
0x4d: {  	_ =	shalt  }
0x4e: {  	_ =	shalt  }
0x4f: {  	_ =	shalt  }
0x50: {  	_ =	shalt  }
0x51: {  	_ =	shalt  }
0x52: {  	_ =	shalt  }
0x53: {  	_ =	shalt  }
0x54: {  	_ =	shalt  }
0x55: {  	_ =	shalt  }
0x56: {  	_ =	shalt  }
0x57: {  	_ =	shalt  }
0x58: {  	_ =	shalt  }
0x59: {  	_ =	shalt  }
0x5a: {  	_ =	shalt  }
0x5b: {  	_ =	shalt  }
0x5c: {  	_ =	shalt  }
0x5d: {  	_ =	shalt  }
0x5e: {  	_ =	shalt  }
0x5f: {  	_ =	shalt  }
0x60: {  	_ =	shalt  }
0x61: {  	_ =	shalt  }
0x62: {  	_ =	shalt  }
0x63: {  	_ =	shalt  }
0x64: {  	_ =	shalt  }
0x65: {  	_ =	shalt  }
0x66: {  	_ =	shalt  }
0x67: {  	_ =	shalt  }
0x68: {  	_ =	shalt  }
0x69: {  	_ =	shalt  }
0x6a: {  	_ =	shalt  }
0x6b: {  	_ =	shalt  }
0x6c: {  	_ =	shalt  }
0x6d: {  	_ =	shalt  }
0x6e: {  	_ =	shalt  }
0x6f: {  	_ =	shalt  }
0x70: {  	_ =	shalt  }
0x71: {  	_ =	shalt  }
0x72: {  	_ =	shalt  }
0x73: {  	_ =	shalt  }
0x74: {  	_ =	shalt  }
0x75: {  	_ =	shalt  }
0x76: {  	_ =	shalt  }
0x77: {  	_ =	shalt  }
0x78: {  	_ =	shalt  }
0x79: {  	_ =	shalt  }
0x7a: {  	_ =	shalt  }
0x7b: {  	_ =	shalt  }
0x7c: {  	_ =	shalt  }
0x7d: {  	_ =	shalt  }
0x7e: {  	_ =	shalt  }
0x7f: {  	_ =	shalt  }
0x80: {  	_ =	shalt  }
0x81: {  	_ =	shalt  }
0x82: {  	_ =	shalt  }
0x83: {  	_ =	shalt  }
0x84: {  	_ =	shalt  }
0x85: {  	_ =	shalt  }
0x86: {  	_ =	shalt  }
0x87: {  	_ =	shalt  }
.Lfunc_end0:
.L_simem_size_0:
called_computation_lowered:
.L_overlay_start_0:
0x88: {  	s2 =	sld [smem:$0x3FD9]  }
0x89: {  	s3 =	sld [smem:$0x3FFE];
	_ =	sdelay $0x1  }
0x8a: {  	s1 =	srdreg.scid  }
0x8b: {  	s0 =	sand.u32 $0x1, s1  }
0x8c: {  	s17 =	sshll.u32 s0, $0xA;
	s2 =	sadd.s32 s3, s2  }
0x8d: {  	s2 =	sadd.s32 s2, s17  }
0x8e: {  	[smem:$0x3FC6] =	sst s2  }
0x8f: {  	_ = 	snop  }
0x90: {  	s2 =	sld [smem:$0x3FD0];
	(tm) =	ssettm $0x1  }
0x91: {  	s18 =	sld [smem:$0x3FFB];
	_ =	sdelay $0x3  }
0x92: {  	_ =	strace s18  }
0x93: {  	s3 =	sld [smem:$0x3FFC];
	_ =	sdelay $0x3  }
0x94: {  	_ =	strace s3  }
0x95: {  	s3 =	sld [smem:$0x3FFD];
	_ =	sdelay $0x3  }
0x96: {  	_ =	strace s3  }
0x97: {  	_ =	strace $0x8FFFFFFF  }
0x98: {  	s19 =	sld [smem:$0x3FDB];
	_ =	sdelay $0x1  }
0x99: {  	s4 =	simm.s32 $_scs_section_size  }
0x9a: {  	s5 =	simm.s32 $_size__tile_overlayer_lowered;
	s6 =	simm.s32 $_tile_overlayer_lowered  }
0x9b: {  	s22 =	simm.s32 $0x1BFF;
	s21 =	sshll.u32 s6, $0x1;
	s3 =	sadd.s32 s4, s19  }
0x9c: {  	s7 =	simm.s32 $0x0;
	s20 =	sshll.u32 s5, $0x1;
	s5 =	sadd.s32 s21, s3  }
0x9d: {  	[timem:s7], [sflag:s22] =	dma.local [hbm:s5], s20  }
0x9e: {  	_ =	swait.ge [sflag:s22], s20  }
0x9f: {  	s4 =	ssub.s32 $0x0, s20;
	[sflag:s22] =	ssyncset.done $0x0  }
0xa0: {  	[sflag:s22] =	ssyncadd.s32 s4;
	_ =	sdelay $0x1  }
0xa1: {  	s23 =	simm.s32 $0x1B8B  }
0xa2: {  	_ =	swait.ge [sflag:s23], $0x1  }
0xa3: {  	[sflag:s23] =	ssyncset.done $0x0  }
0xa4: {  	s25 =	simm.s32 $0x1B8E;
	s24 =	sld [smem:$0x3FFE];
	[sflag:s23] =	ssyncadd.s32 $0xFFFFFFFF  }
0xa5: {  	s26 =	simm.s32 $execute0_lowered;
	[smem:$0x3FD2] =	sst s25  }
0xa6: {  	s5 =	sshll.u32 s26, $0x1;
	_ =	strace $0x80000046;
	[dreg:$0x1] =	wrdreg $0xFFFFFFFF  }
0xa7: {  	s28 =	simm.s32 $_size_execute0_lowered;
	s3 =	sadd.s32 s3, s5;
	[dreg:$0x0] =	wrdreg $0x0  }
0xa8: {  	s5 =	sshll.u32 s28, $0x1;
	[dreg:$0x2] =	wrdreg s3  }
0xa9: {  	[dreg:$0x3] =	wrdreg s5  }
0xaa: {  	[dreg:$0x4] =	wrdreg $0xC0  }
0xab: {  	_ =	task [dreg:s7], $0x5FFFF  }
0xac: {  	[dreg:$0x1] =	wrdreg $0xFFFFFFFF  }
0xad: {  	[dreg:$0x0] =	wrdreg $0x60  }
0xae: {  	[dreg:$0x2] =	wrdreg s24  }
0xaf: {  	[dreg:$0x3] =	wrdreg s2  }
0xb0: {  	[dreg:$0x4] =	wrdreg $0x9  }
0xb1: {  	_ =	task.clear_ibuf [dreg:s7], $0x5FFFF;
	_ =	strace $0x90000046  }
0xb2: {  	s29 =	simm.s32 $0x9;
	_ =	strace $0x80000048  }
0xb3: {  	_ =	swait.ge [sflag:s29], $0x1  }
0xb4: {  	[sflag:s29] =	ssyncadd.s32 $0xFFFFFFFF  }
0xb5: {  	_ =	strace $0x90000048  }
0xb6: {  	_ =	sfence  }
0xb7: {  	s30 =	sld [smem:$0x0];
	_ =	sdelay $0x2  }
0xb8: {  	s31 =	sshll.u32 s1, $0xD;
	s1 =	sshrl.u32 s1, $0x2  }
0xb9: {  	s3 =	sand.u32 $0x4000, s31;
	s1 =	sadd.s32 s1, s30  }
0xba: {  	s0 =	sor.u32 s3, s0;
	s1 =	sshll.u32 s1, $0x11  }
0xbb: {  	s0 =	sor.u32 s1, s0  }
0xbc: {  	s0 =	sadd.s32 $0x8F2B, s0  }
0xbd: {  	[sflag:s0] =	ssyncadd.remote.s32 $0x1  }
0xbe: {  	_ =	sfence.sel $0xFFFF  }
0xbf: {  	[dreg:$0x0] =	wrdreg $0xFFFFFFFF;
	(pc) =	sbr.abs _section_cstart, $3  }
0xc0: {  	[dreg:$0x1] =	wrdreg $0xFFFFFFFF  }
0xc1: {  	_ =	task.clear_ibuf [dreg:s7], $0x2FFFF;
	_ =	strace $0x9FFFFFFF  }
0xc2: {  	(tm) =	ssettm $0x7FFFFFFF  }
0xc3: {  	_ =	shalt  }
tec
execute0_lowered:
.L_overlay_start_1:
0x0: {  	(tag) =	ssettag $0x1  }
0x1: {  	s0 =	rddreg [dreg:$0x0]  }
0x2: {  	s2 =	simm.s32 $0x0;
	s1 =	srdreg.scid;
	s6 =	stileid.u32  }
0x3: {  	s8 =	simm.s32 $0x2;
	s9 =	simm.s32 $0x14;
	s10 =	simm.s32 $0x780  }
0x4: {  	s12 =	simm.s32 $0xA00;
	s14 =	simm.s32 $0xC80;
	s16 =	simm.s32 $0xF00  }
0x5: {  	s18 =	simm.s32 $0x1180;
	s20 =	simm.s32 $0x1400;
	s22 =	simm.s32 $0x1680  }
0x6: {  	s24 =	simm.s32 $0x1900;
	s19 =	simm.s32 $0x660;
	s21 =	simm.s32 $0x678  }
0x7: {  	s23 =	simm.s32 $0x6A8;
	s28 =	simm.s32 $0x6D8;
	s29 =	simm.s32 $0x6F0  }
0x8: {  	s30 =	simm.s32 $0x708;
	s31 =	simm.s32 $0x720;
	s7 =	simm.s32 $0x768  }
0x9: {  	s11 =	simm.s32 $0x0;
	[smem:$0x7FF] =	sst s2;
	s1 =	sand.u32 $0x1, s1  }
0xa: {  	s4 =	sadd.s32 $0x600, s0;
	s5 =	sadd.s32 $0xF42A00, s0;
	s3 =	ssub.s32 $0x2, s1  }
0xb: {  	s26 =	sshll.u32 s6, $0x8;
	s1 =	sshll.u32 s1, $0x7;
	s25 =	sshrl.u32 s3, $0x1  }
0xc: {  	_ =	strace $0x80000047;
	s6 =	sor.u32 s1, s26;
	s0 =	ssub.s32 s3, s25  }
0xd: {  	s26 =	simm.s32 $0x6C0;
	s25 =	simm.s32 $0x1;
	s0 =	smax.u32 s0, $0x1  }
0xe: {  	s3 =	simm.s32 $0x750;
	[dreg:$0x3] =	wrdreg s0;
	s0 =	simm.s32 $0x738  }
.LBB2_1:
0xf: {  	[dreg:$0x4] =	wrdreg s11;
	s1 =	simm.s32 $0x0  }
.LBB2_2:
0x10: {  	s11 =	sshll.u32 s1, $0x3  }
0x11: {  	s11 =	sadd.s32 s6, s11  }
0x12: {  	s13 =	smul.u32 $0x1E, s11;
	_ =	sdelay $0x1  }
0x13: {  	s13 =	sadd.s32 s4, s13  }
0x14: {  	[tilespmem:s2], [sflag:$0x2] =	stream.linear.gather [hbm4b:s13+s2], $0x780, $0x38;
	[tilespmem:$0x1B80] =	vst v63  }
0x15: {  	_ =	swait.ge [sflag:s8], $0x780  }
0x16: {  	[sflag:s8] =	ssyncset.done $0x0  }
0x17: {  	[sflag:s8] =	ssyncadd.s32 $0xFFFFF880  }
0x18: {  	[tilespmem:s10], [sflag:$0x1] =	stream.indirect.gather [hbm4b:s5+s9], $0x20, s2, s9, $0xb8;
	[tilespmem:$0x1B80] =	vst v63  }
0x19: {  	s15 =	simm.s32 $0xF0  }
0x1a: {  	[tilespmem:s12], [sflag:$0x1] =	stream.indirect.gather [hbm4b:s5+s9], $0x20, s15, s9, $0xb8;
	[tilespmem:$0x1B80] =	vst v63  }
0x1b: {  	s17 =	simm.s32 $0x1E0  }
0x1c: {  	[tilespmem:s14], [sflag:$0x1] =	stream.indirect.gather [hbm4b:s5+s9], $0x20, s17, s9, $0xb8;
	[tilespmem:$0x1B80] =	vst v63  }
0x1d: {  	s15 =	simm.s32 $0x2D0  }
0x1e: {  	[tilespmem:s16], [sflag:$0x1] =	stream.indirect.gather [hbm4b:s5+s9], $0x20, s15, s9, $0xb8;
	[tilespmem:$0x1B80] =	vst v63  }
0x1f: {  	s17 =	simm.s32 $0x3C0  }
0x20: {  	[tilespmem:s18], [sflag:$0x1] =	stream.indirect.gather [hbm4b:s5+s9], $0x20, s17, s9, $0xb8;
	[tilespmem:$0x1B80] =	vst v63  }
0x21: {  	s15 =	simm.s32 $0x4B0  }
0x22: {  	[tilespmem:s20], [sflag:$0x1] =	stream.indirect.gather [hbm4b:s5+s9], $0x20, s15, s9, $0xb8;
	[tilespmem:$0x1B80] =	vst v63  }
0x23: {  	s17 =	simm.s32 $0x5A0  }
0x24: {  	[tilespmem:s22], [sflag:$0x1] =	stream.indirect.gather [hbm4b:s5+s9], $0x20, s17, s9, $0xb8;
	[tilespmem:$0x1B80] =	vst v63  }
0x25: {  	s15 =	simm.s32 $0x690  }
0x26: {  	[tilespmem:s24], [sflag:$0x1] =	stream.indirect.gather [hbm4b:s5+s9], $0x20, s15, s9, $0xb8;
	[tilespmem:$0x1B80] =	vst v63  }
0x27: {  	_ =	swait.ge [sflag:s25], $0x280  }
0x28: {  	[sflag:s25] =	ssyncset.done $0x0  }
0x29: {  	[sflag:s25] =	ssyncadd.s32 $0xFFFFFD80  }
0x2a: {  	_ =	swait.ge [sflag:s25], $0x280  }
0x2b: {  	[sflag:s25] =	ssyncset.done $0x0  }
0x2c: {  	[sflag:s25] =	ssyncadd.s32 $0xFFFFFD80  }
0x2d: {  	_ =	swait.ge [sflag:s25], $0x280  }
0x2e: {  	[sflag:s25] =	ssyncset.done $0x0  }
0x2f: {  	[sflag:s25] =	ssyncadd.s32 $0xFFFFFD80  }
0x30: {  	_ =	swait.ge [sflag:s25], $0x280  }
0x31: {  	[sflag:s25] =	ssyncset.done $0x0  }
0x32: {  	[sflag:s25] =	ssyncadd.s32 $0xFFFFFD80  }
0x33: {  	_ =	swait.ge [sflag:s25], $0x280  }
0x34: {  	[sflag:s25] =	ssyncset.done $0x0  }
0x35: {  	[sflag:s25] =	ssyncadd.s32 $0xFFFFFD80  }
0x36: {  	_ =	swait.ge [sflag:s25], $0x280  }
0x37: {  	[sflag:s25] =	ssyncset.done $0x0  }
0x38: {  	[sflag:s25] =	ssyncadd.s32 $0xFFFFFD80  }
0x39: {  	_ =	swait.ge [sflag:s25], $0x280  }
0x3a: {  	[sflag:s25] =	ssyncset.done $0x0  }
0x3b: {  	[sflag:s25] =	ssyncadd.s32 $0xFFFFFD80  }
0x3c: {  	_ =	swait.ge [sflag:s25], $0x280  }
0x3d: {  	[sflag:s25] =	ssyncset.done $0x0  }
0x3e: {  	s17 =	simm.s32 $0x18;
	[sflag:s25] =	ssyncadd.s32 $0xFFFFFD80  }
0x3f: {  	[tilespmem:s10], [sflag:$0x1] =	stream.indirect.gather.add.f32 [hbm:s5], $0x20, s17, s9, $0xb8;
	[tilespmem:$0x1B80] =	vst v63  }
0x40: {  	s15 =	simm.s32 $0x30  }
0x41: {  	[tilespmem:s10], [sflag:$0x1] =	stream.indirect.gather.add.f32 [hbm:s5], $0x20, s15, s9, $0xb8;
	[tilespmem:$0x1B80] =	vst v63  }
0x42: {  	s17 =	simm.s32 $0x48  }
0x43: {  	[tilespmem:s10], [sflag:$0x1] =	stream.indirect.gather.add.f32 [hbm:s5], $0x20, s17, s9, $0xb8;
	[tilespmem:$0x1B80] =	vst v63  }
0x44: {  	s15 =	simm.s32 $0x60  }
0x45: {  	[tilespmem:s10], [sflag:$0x1] =	stream.indirect.gather.add.f32 [hbm:s5], $0x20, s15, s9, $0xb8;
	[tilespmem:$0x1B80] =	vst v63  }
0x46: {  	s17 =	simm.s32 $0x78  }
0x47: {  	[tilespmem:s10], [sflag:$0x1] =	stream.indirect.gather.add.f32 [hbm:s5], $0x20, s17, s9, $0xb8;
	[tilespmem:$0x1B80] =	vst v63  }
0x48: {  	s15 =	simm.s32 $0x90  }
0x49: {  	[tilespmem:s10], [sflag:$0x1] =	stream.indirect.gather.add.f32 [hbm:s5], $0x20, s15, s9, $0xb8;
	[tilespmem:$0x1B80] =	vst v63  }
0x4a: {  	s17 =	simm.s32 $0xA8  }
0x4b: {  	[tilespmem:s10], [sflag:$0x1] =	stream.indirect.gather.add.f32 [hbm:s5], $0x20, s17, s9, $0xb8;
	[tilespmem:$0x1B80] =	vst v63  }
0x4c: {  	s15 =	simm.s32 $0xC0  }
0x4d: {  	[tilespmem:s10], [sflag:$0x1] =	stream.indirect.gather.add.f32 [hbm:s5], $0x20, s15, s9, $0xb8;
	[tilespmem:$0x1B80] =	vst v63  }
0x4e: {  	s17 =	simm.s32 $0xD8  }
0x4f: {  	[tilespmem:s10], [sflag:$0x1] =	stream.indirect.gather.add.f32 [hbm:s5], $0x20, s17, s9, $0xb8;
	[tilespmem:$0x1B80] =	vst v63  }
0x50: {  	s15 =	simm.s32 $0x108  }
0x51: {  	[tilespmem:s12], [sflag:$0x1] =	stream.indirect.gather.add.f32 [hbm:s5], $0x20, s15, s9, $0xb8;
	[tilespmem:$0x1B80] =	vst v63  }
0x52: {  	s17 =	simm.s32 $0x120  }
0x53: {  	[tilespmem:s12], [sflag:$0x1] =	stream.indirect.gather.add.f32 [hbm:s5], $0x20, s17, s9, $0xb8;
	[tilespmem:$0x1B80] =	vst v63  }
0x54: {  	s15 =	simm.s32 $0x138  }
0x55: {  	[tilespmem:s12], [sflag:$0x1] =	stream.indirect.gather.add.f32 [hbm:s5], $0x20, s15, s9, $0xb8;
	[tilespmem:$0x1B80] =	vst v63  }
0x56: {  	s17 =	simm.s32 $0x150  }
0x57: {  	[tilespmem:s12], [sflag:$0x1] =	stream.indirect.gather.add.f32 [hbm:s5], $0x20, s17, s9, $0xb8;
	[tilespmem:$0x1B80] =	vst v63  }
0x58: {  	s15 =	simm.s32 $0x168  }
0x59: {  	[tilespmem:s12], [sflag:$0x1] =	stream.indirect.gather.add.f32 [hbm:s5], $0x20, s15, s9, $0xb8;
	[tilespmem:$0x1B80] =	vst v63  }
0x5a: {  	s17 =	simm.s32 $0x180  }
0x5b: {  	[tilespmem:s12], [sflag:$0x1] =	stream.indirect.gather.add.f32 [hbm:s5], $0x20, s17, s9, $0xb8;
	[tilespmem:$0x1B80] =	vst v63  }
0x5c: {  	s15 =	simm.s32 $0x198  }
0x5d: {  	[tilespmem:s12], [sflag:$0x1] =	stream.indirect.gather.add.f32 [hbm:s5], $0x20, s15, s9, $0xb8;
	[tilespmem:$0x1B80] =	vst v63  }
0x5e: {  	s17 =	simm.s32 $0x1B0  }
0x5f: {  	[tilespmem:s12], [sflag:$0x1] =	stream.indirect.gather.add.f32 [hbm:s5], $0x20, s17, s9, $0xb8;
	[tilespmem:$0x1B80] =	vst v63  }
0x60: {  	s15 =	simm.s32 $0x1C8  }
0x61: {  	[tilespmem:s12], [sflag:$0x1] =	stream.indirect.gather.add.f32 [hbm:s5], $0x20, s15, s9, $0xb8;
	[tilespmem:$0x1B80] =	vst v63  }
0x62: {  	s17 =	simm.s32 $0x1F8  }
0x63: {  	[tilespmem:s14], [sflag:$0x1] =	stream.indirect.gather.add.f32 [hbm:s5], $0x20, s17, s9, $0xb8;
	[tilespmem:$0x1B80] =	vst v63  }
0x64: {  	s15 =	simm.s32 $0x210  }
0x65: {  	[tilespmem:s14], [sflag:$0x1] =	stream.indirect.gather.add.f32 [hbm:s5], $0x20, s15, s9, $0xb8;
	[tilespmem:$0x1B80] =	vst v63  }
0x66: {  	s17 =	simm.s32 $0x228  }
0x67: {  	[tilespmem:s14], [sflag:$0x1] =	stream.indirect.gather.add.f32 [hbm:s5], $0x20, s17, s9, $0xb8;
	[tilespmem:$0x1B80] =	vst v63  }
0x68: {  	s15 =	simm.s32 $0x240  }
0x69: {  	[tilespmem:s14], [sflag:$0x1] =	stream.indirect.gather.add.f32 [hbm:s5], $0x20, s15, s9, $0xb8;
	[tilespmem:$0x1B80] =	vst v63  }
0x6a: {  	s17 =	simm.s32 $0x258  }
0x6b: {  	[tilespmem:s14], [sflag:$0x1] =	stream.indirect.gather.add.f32 [hbm:s5], $0x20, s17, s9, $0xb8;
	[tilespmem:$0x1B80] =	vst v63  }
0x6c: {  	s15 =	simm.s32 $0x270  }
0x6d: {  	[tilespmem:s14], [sflag:$0x1] =	stream.indirect.gather.add.f32 [hbm:s5], $0x20, s15, s9, $0xb8;
	[tilespmem:$0x1B80] =	vst v63  }
0x6e: {  	s17 =	simm.s32 $0x288  }
0x6f: {  	[tilespmem:s14], [sflag:$0x1] =	stream.indirect.gather.add.f32 [hbm:s5], $0x20, s17, s9, $0xb8;
	[tilespmem:$0x1B80] =	vst v63  }
0x70: {  	s15 =	simm.s32 $0x2A0  }
0x71: {  	[tilespmem:s14], [sflag:$0x1] =	stream.indirect.gather.add.f32 [hbm:s5], $0x20, s15, s9, $0xb8;
	[tilespmem:$0x1B80] =	vst v63  }
0x72: {  	s17 =	simm.s32 $0x2B8  }
0x73: {  	[tilespmem:s14], [sflag:$0x1] =	stream.indirect.gather.add.f32 [hbm:s5], $0x20, s17, s9, $0xb8;
	[tilespmem:$0x1B80] =	vst v63  }
0x74: {  	s15 =	simm.s32 $0x2E8  }
0x75: {  	[tilespmem:s16], [sflag:$0x1] =	stream.indirect.gather.add.f32 [hbm:s5], $0x20, s15, s9, $0xb8;
	[tilespmem:$0x1B80] =	vst v63  }
0x76: {  	s17 =	simm.s32 $0x300  }
0x77: {  	[tilespmem:s16], [sflag:$0x1] =	stream.indirect.gather.add.f32 [hbm:s5], $0x20, s17, s9, $0xb8;
	[tilespmem:$0x1B80] =	vst v63  }
0x78: {  	s15 =	simm.s32 $0x318  }
0x79: {  	[tilespmem:s16], [sflag:$0x1] =	stream.indirect.gather.add.f32 [hbm:s5], $0x20, s15, s9, $0xb8;
	[tilespmem:$0x1B80] =	vst v63  }
0x7a: {  	s17 =	simm.s32 $0x330  }
0x7b: {  	[tilespmem:s16], [sflag:$0x1] =	stream.indirect.gather.add.f32 [hbm:s5], $0x20, s17, s9, $0xb8;
	[tilespmem:$0x1B80] =	vst v63  }
0x7c: {  	s15 =	simm.s32 $0x348  }
0x7d: {  	[tilespmem:s16], [sflag:$0x1] =	stream.indirect.gather.add.f32 [hbm:s5], $0x20, s15, s9, $0xb8;
	[tilespmem:$0x1B80] =	vst v63  }
0x7e: {  	s17 =	simm.s32 $0x360  }
0x7f: {  	[tilespmem:s16], [sflag:$0x1] =	stream.indirect.gather.add.f32 [hbm:s5], $0x20, s17, s9, $0xb8;
	[tilespmem:$0x1B80] =	vst v63  }
0x80: {  	s15 =	simm.s32 $0x378  }
0x81: {  	[tilespmem:s16], [sflag:$0x1] =	stream.indirect.gather.add.f32 [hbm:s5], $0x20, s15, s9, $0xb8;
	[tilespmem:$0x1B80] =	vst v63  }
0x82: {  	s17 =	simm.s32 $0x390  }
0x83: {  	[tilespmem:s16], [sflag:$0x1] =	stream.indirect.gather.add.f32 [hbm:s5], $0x20, s17, s9, $0xb8;
	[tilespmem:$0x1B80] =	vst v63  }
0x84: {  	s15 =	simm.s32 $0x3A8  }
0x85: {  	[tilespmem:s16], [sflag:$0x1] =	stream.indirect.gather.add.f32 [hbm:s5], $0x20, s15, s9, $0xb8;
	[tilespmem:$0x1B80] =	vst v63  }
0x86: {  	s17 =	simm.s32 $0x3D8  }
0x87: {  	[tilespmem:s18], [sflag:$0x1] =	stream.indirect.gather.add.f32 [hbm:s5], $0x20, s17, s9, $0xb8;
	[tilespmem:$0x1B80] =	vst v63  }
0x88: {  	s15 =	simm.s32 $0x3F0  }
0x89: {  	[tilespmem:s18], [sflag:$0x1] =	stream.indirect.gather.add.f32 [hbm:s5], $0x20, s15, s9, $0xb8;
	[tilespmem:$0x1B80] =	vst v63  }
0x8a: {  	s17 =	simm.s32 $0x408  }
0x8b: {  	[tilespmem:s18], [sflag:$0x1] =	stream.indirect.gather.add.f32 [hbm:s5], $0x20, s17, s9, $0xb8;
	[tilespmem:$0x1B80] =	vst v63  }
0x8c: {  	s15 =	simm.s32 $0x420  }
0x8d: {  	[tilespmem:s18], [sflag:$0x1] =	stream.indirect.gather.add.f32 [hbm:s5], $0x20, s15, s9, $0xb8;
	[tilespmem:$0x1B80] =	vst v63  }
0x8e: {  	s17 =	simm.s32 $0x438  }
0x8f: {  	[tilespmem:s18], [sflag:$0x1] =	stream.indirect.gather.add.f32 [hbm:s5], $0x20, s17, s9, $0xb8;
	[tilespmem:$0x1B80] =	vst v63  }
0x90: {  	s15 =	simm.s32 $0x450  }
0x91: {  	[tilespmem:s18], [sflag:$0x1] =	stream.indirect.gather.add.f32 [hbm:s5], $0x20, s15, s9, $0xb8;
	[tilespmem:$0x1B80] =	vst v63  }
0x92: {  	s17 =	simm.s32 $0x468  }
0x93: {  	[tilespmem:s18], [sflag:$0x1] =	stream.indirect.gather.add.f32 [hbm:s5], $0x20, s17, s9, $0xb8;
	[tilespmem:$0x1B80] =	vst v63  }
0x94: {  	s15 =	simm.s32 $0x480  }
0x95: {  	[tilespmem:s18], [sflag:$0x1] =	stream.indirect.gather.add.f32 [hbm:s5], $0x20, s15, s9, $0xb8;
	[tilespmem:$0x1B80] =	vst v63  }
0x96: {  	s17 =	simm.s32 $0x498  }
0x97: {  	[tilespmem:s18], [sflag:$0x1] =	stream.indirect.gather.add.f32 [hbm:s5], $0x20, s17, s9, $0xb8;
	[tilespmem:$0x1B80] =	vst v63  }
0x98: {  	s15 =	simm.s32 $0x4C8  }
0x99: {  	[tilespmem:s20], [sflag:$0x1] =	stream.indirect.gather.add.f32 [hbm:s5], $0x20, s15, s9, $0xb8;
	[tilespmem:$0x1B80] =	vst v63  }
0x9a: {  	s17 =	simm.s32 $0x4E0  }
0x9b: {  	[tilespmem:s20], [sflag:$0x1] =	stream.indirect.gather.add.f32 [hbm:s5], $0x20, s17, s9, $0xb8;
	[tilespmem:$0x1B80] =	vst v63  }
0x9c: {  	s15 =	simm.s32 $0x4F8  }
0x9d: {  	[tilespmem:s20], [sflag:$0x1] =	stream.indirect.gather.add.f32 [hbm:s5], $0x20, s15, s9, $0xb8;
	[tilespmem:$0x1B80] =	vst v63  }
0x9e: {  	s17 =	simm.s32 $0x510  }
0x9f: {  	[tilespmem:s20], [sflag:$0x1] =	stream.indirect.gather.add.f32 [hbm:s5], $0x20, s17, s9, $0xb8;
	[tilespmem:$0x1B80] =	vst v63  }
0xa0: {  	s15 =	simm.s32 $0x528  }
0xa1: {  	[tilespmem:s20], [sflag:$0x1] =	stream.indirect.gather.add.f32 [hbm:s5], $0x20, s15, s9, $0xb8;
	[tilespmem:$0x1B80] =	vst v63  }
0xa2: {  	s17 =	simm.s32 $0x540  }
0xa3: {  	[tilespmem:s20], [sflag:$0x1] =	stream.indirect.gather.add.f32 [hbm:s5], $0x20, s17, s9, $0xb8;
	[tilespmem:$0x1B80] =	vst v63  }
0xa4: {  	s15 =	simm.s32 $0x558  }
0xa5: {  	[tilespmem:s20], [sflag:$0x1] =	stream.indirect.gather.add.f32 [hbm:s5], $0x20, s15, s9, $0xb8;
	[tilespmem:$0x1B80] =	vst v63  }
0xa6: {  	s17 =	simm.s32 $0x570  }
0xa7: {  	[tilespmem:s20], [sflag:$0x1] =	stream.indirect.gather.add.f32 [hbm:s5], $0x20, s17, s9, $0xb8;
	[tilespmem:$0x1B80] =	vst v63  }
0xa8: {  	s15 =	simm.s32 $0x588  }
0xa9: {  	[tilespmem:s20], [sflag:$0x1] =	stream.indirect.gather.add.f32 [hbm:s5], $0x20, s15, s9, $0xb8;
	[tilespmem:$0x1B80] =	vst v63  }
0xaa: {  	s17 =	simm.s32 $0x5B8  }
0xab: {  	[tilespmem:s22], [sflag:$0x1] =	stream.indirect.gather.add.f32 [hbm:s5], $0x20, s17, s9, $0xb8;
	[tilespmem:$0x1B80] =	vst v63  }
0xac: {  	s15 =	simm.s32 $0x5D0  }
0xad: {  	[tilespmem:s22], [sflag:$0x1] =	stream.indirect.gather.add.f32 [hbm:s5], $0x20, s15, s9, $0xb8;
	[tilespmem:$0x1B80] =	vst v63  }
0xae: {  	s17 =	simm.s32 $0x5E8  }
0xaf: {  	[tilespmem:s22], [sflag:$0x1] =	stream.indirect.gather.add.f32 [hbm:s5], $0x20, s17, s9, $0xb8;
	[tilespmem:$0x1B80] =	vst v63  }
0xb0: {  	s15 =	simm.s32 $0x600  }
0xb1: {  	[tilespmem:s22], [sflag:$0x1] =	stream.indirect.gather.add.f32 [hbm:s5], $0x20, s15, s9, $0xb8;
	[tilespmem:$0x1B80] =	vst v63  }
0xb2: {  	s17 =	simm.s32 $0x618  }
0xb3: {  	[tilespmem:s22], [sflag:$0x1] =	stream.indirect.gather.add.f32 [hbm:s5], $0x20, s17, s9, $0xb8;
	[tilespmem:$0x1B80] =	vst v63  }
0xb4: {  	s15 =	simm.s32 $0x630  }
0xb5: {  	[tilespmem:s22], [sflag:$0x1] =	stream.indirect.gather.add.f32 [hbm:s5], $0x20, s15, s9, $0xb8;
	[tilespmem:$0x1B80] =	vst v63  }
0xb6: {  	s17 =	simm.s32 $0x648  }
0xb7: {  	[tilespmem:s22], [sflag:$0x1] =	stream.indirect.gather.add.f32 [hbm:s5], $0x20, s17, s9, $0xb8;
	[tilespmem:$0x1B80] =	vst v63  }
0xb8: {  	_ = 	snop  }
0xb9: {  	[tilespmem:s22], [sflag:$0x1] =	stream.indirect.gather.add.f32 [hbm:s5], $0x20, s19, s9, $0xb8;
	[tilespmem:$0x1B80] =	vst v63  }
0xba: {  	_ = 	snop  }
0xbb: {  	[tilespmem:s22], [sflag:$0x1] =	stream.indirect.gather.add.f32 [hbm:s5], $0x20, s21, s9, $0xb8;
	[tilespmem:$0x1B80] =	vst v63  }
0xbc: {  	_ = 	snop  }
0xbd: {  	[tilespmem:s24], [sflag:$0x1] =	stream.indirect.gather.add.f32 [hbm:s5], $0x20, s23, s9, $0xb8;
	[tilespmem:$0x1B80] =	vst v63  }
0xbe: {  	_ = 	snop  }
0xbf: {  	[tilespmem:s24], [sflag:$0x1] =	stream.indirect.gather.add.f32 [hbm:s5], $0x20, s26, s9, $0xb8;
	[tilespmem:$0x1B80] =	vst v63  }
0xc0: {  	_ = 	snop  }
0xc1: {  	[tilespmem:s24], [sflag:$0x1] =	stream.indirect.gather.add.f32 [hbm:s5], $0x20, s28, s9, $0xb8;
	[tilespmem:$0x1B80] =	vst v63  }
0xc2: {  	_ = 	snop  }
0xc3: {  	[tilespmem:s24], [sflag:$0x1] =	stream.indirect.gather.add.f32 [hbm:s5], $0x20, s29, s9, $0xb8;
	[tilespmem:$0x1B80] =	vst v63  }
0xc4: {  	_ = 	snop  }
0xc5: {  	[tilespmem:s24], [sflag:$0x1] =	stream.indirect.gather.add.f32 [hbm:s5], $0x20, s30, s9, $0xb8;
	[tilespmem:$0x1B80] =	vst v63  }
0xc6: {  	_ = 	snop  }
0xc7: {  	[tilespmem:s24], [sflag:$0x1] =	stream.indirect.gather.add.f32 [hbm:s5], $0x20, s31, s9, $0xb8;
	[tilespmem:$0x1B80] =	vst v63  }
0xc8: {  	_ = 	snop  }
0xc9: {  	[tilespmem:s24], [sflag:$0x1] =	stream.indirect.gather.add.f32 [hbm:s5], $0x20, s0, s9, $0xb8;
	[tilespmem:$0x1B80] =	vst v63  }
0xca: {  	_ = 	snop  }
0xcb: {  	[tilespmem:s24], [sflag:$0x1] =	stream.indirect.gather.add.f32 [hbm:s5], $0x20, s3, s9, $0xb8;
	[tilespmem:$0x1B80] =	vst v63  }
0xcc: {  	_ = 	snop  }
0xcd: {  	[tilespmem:s24], [sflag:$0x1] =	stream.indirect.gather.add.f32 [hbm:s5], $0x20, s7, s9, $0xb8;
	[tilespmem:$0x1B80] =	vst v63  }
0xce: {  	_ =	swait.ge [sflag:s25], $0x280  }
0xcf: {  	[sflag:s25] =	ssyncset.done $0x0  }
0xd0: {  	[sflag:s25] =	ssyncadd.s32 $0xFFFFFD80  }
0xd1: {  	_ =	swait.ge [sflag:s25], $0x280  }
0xd2: {  	[sflag:s25] =	ssyncset.done $0x0  }
0xd3: {  	[sflag:s25] =	ssyncadd.s32 $0xFFFFFD80  }
0xd4: {  	_ =	swait.ge [sflag:s25], $0x280  }
0xd5: {  	[sflag:s25] =	ssyncset.done $0x0  }
0xd6: {  	[sflag:s25] =	ssyncadd.s32 $0xFFFFFD80  }
0xd7: {  	_ =	swait.ge [sflag:s25], $0x280  }
0xd8: {  	[sflag:s25] =	ssyncset.done $0x0  }
0xd9: {  	[sflag:s25] =	ssyncadd.s32 $0xFFFFFD80  }
0xda: {  	_ =	swait.ge [sflag:s25], $0x280  }
0xdb: {  	[sflag:s25] =	ssyncset.done $0x0  }
0xdc: {  	[sflag:s25] =	ssyncadd.s32 $0xFFFFFD80  }
0xdd: {  	_ =	swait.ge [sflag:s25], $0x280  }
0xde: {  	[sflag:s25] =	ssyncset.done $0x0  }
0xdf: {  	[sflag:s25] =	ssyncadd.s32 $0xFFFFFD80  }
0xe0: {  	_ =	swait.ge [sflag:s25], $0x280  }
0xe1: {  	[sflag:s25] =	ssyncset.done $0x0  }
0xe2: {  	[sflag:s25] =	ssyncadd.s32 $0xFFFFFD80  }
0xe3: {  	_ =	swait.ge [sflag:s25], $0x280  }
0xe4: {  	[sflag:s25] =	ssyncset.done $0x0  }
0xe5: {  	[sflag:s25] =	ssyncadd.s32 $0xFFFFFD80  }
0xe6: {  	_ =	swait.ge [sflag:s25], $0x280  }
0xe7: {  	[sflag:s25] =	ssyncset.done $0x0  }
0xe8: {  	[sflag:s25] =	ssyncadd.s32 $0xFFFFFD80  }
0xe9: {  	_ =	swait.ge [sflag:s25], $0x280  }
0xea: {  	[sflag:s25] =	ssyncset.done $0x0  }
0xeb: {  	[sflag:s25] =	ssyncadd.s32 $0xFFFFFD80  }
0xec: {  	_ =	swait.ge [sflag:s25], $0x280  }
0xed: {  	[sflag:s25] =	ssyncset.done $0x0  }
0xee: {  	[sflag:s25] =	ssyncadd.s32 $0xFFFFFD80  }
0xef: {  	_ =	swait.ge [sflag:s25], $0x280  }
0xf0: {  	[sflag:s25] =	ssyncset.done $0x0  }
0xf1: {  	[sflag:s25] =	ssyncadd.s32 $0xFFFFFD80  }
0xf2: {  	_ =	swait.ge [sflag:s25], $0x280  }
0xf3: {  	[sflag:s25] =	ssyncset.done $0x0  }
0xf4: {  	[sflag:s25] =	ssyncadd.s32 $0xFFFFFD80  }
0xf5: {  	_ =	swait.ge [sflag:s25], $0x280  }
0xf6: {  	[sflag:s25] =	ssyncset.done $0x0  }
0xf7: {  	[sflag:s25] =	ssyncadd.s32 $0xFFFFFD80  }
0xf8: {  	_ =	swait.ge [sflag:s25], $0x280  }
0xf9: {  	[sflag:s25] =	ssyncset.done $0x0  }
0xfa: {  	[sflag:s25] =	ssyncadd.s32 $0xFFFFFD80  }
0xfb: {  	_ =	swait.ge [sflag:s25], $0x280  }
0xfc: {  	[sflag:s25] =	ssyncset.done $0x0  }
0xfd: {  	[sflag:s25] =	ssyncadd.s32 $0xFFFFFD80  }
0xfe: {  	_ =	swait.ge [sflag:s25], $0x280  }
0xff: {  	[sflag:s25] =	ssyncset.done $0x0  }
0x100: {  	[sflag:s25] =	ssyncadd.s32 $0xFFFFFD80  }
0x101: {  	_ =	swait.ge [sflag:s25], $0x280  }
0x102: {  	[sflag:s25] =	ssyncset.done $0x0  }
0x103: {  	[sflag:s25] =	ssyncadd.s32 $0xFFFFFD80  }
0x104: {  	_ =	swait.ge [sflag:s25], $0x280  }
0x105: {  	[sflag:s25] =	ssyncset.done $0x0  }
0x106: {  	[sflag:s25] =	ssyncadd.s32 $0xFFFFFD80  }
0x107: {  	_ =	swait.ge [sflag:s25], $0x280  }
0x108: {  	[sflag:s25] =	ssyncset.done $0x0  }
0x109: {  	[sflag:s25] =	ssyncadd.s32 $0xFFFFFD80  }
0x10a: {  	_ =	swait.ge [sflag:s25], $0x280  }
0x10b: {  	[sflag:s25] =	ssyncset.done $0x0  }
0x10c: {  	[sflag:s25] =	ssyncadd.s32 $0xFFFFFD80  }
0x10d: {  	_ =	swait.ge [sflag:s25], $0x280  }
0x10e: {  	[sflag:s25] =	ssyncset.done $0x0  }
0x10f: {  	[sflag:s25] =	ssyncadd.s32 $0xFFFFFD80  }
0x110: {  	_ =	swait.ge [sflag:s25], $0x280  }
0x111: {  	[sflag:s25] =	ssyncset.done $0x0  }
0x112: {  	[sflag:s25] =	ssyncadd.s32 $0xFFFFFD80  }
0x113: {  	_ =	swait.ge [sflag:s25], $0x280  }
0x114: {  	[sflag:s25] =	ssyncset.done $0x0  }
0x115: {  	[sflag:s25] =	ssyncadd.s32 $0xFFFFFD80  }
0x116: {  	_ =	swait.ge [sflag:s25], $0x280  }
0x117: {  	[sflag:s25] =	ssyncset.done $0x0  }
0x118: {  	[sflag:s25] =	ssyncadd.s32 $0xFFFFFD80  }
0x119: {  	_ =	swait.ge [sflag:s25], $0x280  }
0x11a: {  	[sflag:s25] =	ssyncset.done $0x0  }
0x11b: {  	[sflag:s25] =	ssyncadd.s32 $0xFFFFFD80  }
0x11c: {  	_ =	swait.ge [sflag:s25], $0x280  }
0x11d: {  	[sflag:s25] =	ssyncset.done $0x0  }
0x11e: {  	[sflag:s25] =	ssyncadd.s32 $0xFFFFFD80  }
0x11f: {  	_ =	swait.ge [sflag:s25], $0x280  }
0x120: {  	[sflag:s25] =	ssyncset.done $0x0  }
0x121: {  	[sflag:s25] =	ssyncadd.s32 $0xFFFFFD80  }
0x122: {  	_ =	swait.ge [sflag:s25], $0x280  }
0x123: {  	[sflag:s25] =	ssyncset.done $0x0  }
0x124: {  	[sflag:s25] =	ssyncadd.s32 $0xFFFFFD80  }
0x125: {  	_ =	swait.ge [sflag:s25], $0x280  }
0x126: {  	[sflag:s25] =	ssyncset.done $0x0  }
0x127: {  	[sflag:s25] =	ssyncadd.s32 $0xFFFFFD80  }
0x128: {  	_ =	swait.ge [sflag:s25], $0x280  }
0x129: {  	[sflag:s25] =	ssyncset.done $0x0  }
0x12a: {  	[sflag:s25] =	ssyncadd.s32 $0xFFFFFD80  }
0x12b: {  	_ =	swait.ge [sflag:s25], $0x280  }
0x12c: {  	[sflag:s25] =	ssyncset.done $0x0  }
0x12d: {  	[sflag:s25] =	ssyncadd.s32 $0xFFFFFD80  }
0x12e: {  	_ =	swait.ge [sflag:s25], $0x280  }
0x12f: {  	[sflag:s25] =	ssyncset.done $0x0  }
0x130: {  	[sflag:s25] =	ssyncadd.s32 $0xFFFFFD80  }
0x131: {  	_ =	swait.ge [sflag:s25], $0x280  }
0x132: {  	[sflag:s25] =	ssyncset.done $0x0  }
0x133: {  	[sflag:s25] =	ssyncadd.s32 $0xFFFFFD80  }
0x134: {  	_ =	swait.ge [sflag:s25], $0x280  }
0x135: {  	[sflag:s25] =	ssyncset.done $0x0  }
0x136: {  	[sflag:s25] =	ssyncadd.s32 $0xFFFFFD80  }
0x137: {  	_ =	swait.ge [sflag:s25], $0x280  }
0x138: {  	[sflag:s25] =	ssyncset.done $0x0  }
0x139: {  	[sflag:s25] =	ssyncadd.s32 $0xFFFFFD80  }
0x13a: {  	_ =	swait.ge [sflag:s25], $0x280  }
0x13b: {  	[sflag:s25] =	ssyncset.done $0x0  }
0x13c: {  	[sflag:s25] =	ssyncadd.s32 $0xFFFFFD80  }
0x13d: {  	_ =	swait.ge [sflag:s25], $0x280  }
0x13e: {  	[sflag:s25] =	ssyncset.done $0x0  }
0x13f: {  	[sflag:s25] =	ssyncadd.s32 $0xFFFFFD80  }
0x140: {  	_ =	swait.ge [sflag:s25], $0x280  }
0x141: {  	[sflag:s25] =	ssyncset.done $0x0  }
0x142: {  	[sflag:s25] =	ssyncadd.s32 $0xFFFFFD80  }
0x143: {  	_ =	swait.ge [sflag:s25], $0x280  }
0x144: {  	[sflag:s25] =	ssyncset.done $0x0  }
0x145: {  	[sflag:s25] =	ssyncadd.s32 $0xFFFFFD80  }
0x146: {  	_ =	swait.ge [sflag:s25], $0x280  }
0x147: {  	[sflag:s25] =	ssyncset.done $0x0  }
0x148: {  	[sflag:s25] =	ssyncadd.s32 $0xFFFFFD80  }
0x149: {  	_ =	swait.ge [sflag:s25], $0x280  }
0x14a: {  	[sflag:s25] =	ssyncset.done $0x0  }
0x14b: {  	[sflag:s25] =	ssyncadd.s32 $0xFFFFFD80  }
0x14c: {  	_ =	swait.ge [sflag:s25], $0x280  }
0x14d: {  	[sflag:s25] =	ssyncset.done $0x0  }
0x14e: {  	[sflag:s25] =	ssyncadd.s32 $0xFFFFFD80  }
0x14f: {  	_ =	swait.ge [sflag:s25], $0x280  }
0x150: {  	[sflag:s25] =	ssyncset.done $0x0  }
0x151: {  	[sflag:s25] =	ssyncadd.s32 $0xFFFFFD80  }
0x152: {  	_ =	swait.ge [sflag:s25], $0x280  }
0x153: {  	[sflag:s25] =	ssyncset.done $0x0  }
0x154: {  	[sflag:s25] =	ssyncadd.s32 $0xFFFFFD80  }
0x155: {  	_ =	swait.ge [sflag:s25], $0x280  }
0x156: {  	[sflag:s25] =	ssyncset.done $0x0  }
0x157: {  	[sflag:s25] =	ssyncadd.s32 $0xFFFFFD80  }
0x158: {  	_ =	swait.ge [sflag:s25], $0x280  }
0x159: {  	[sflag:s25] =	ssyncset.done $0x0  }
0x15a: {  	[sflag:s25] =	ssyncadd.s32 $0xFFFFFD80  }
0x15b: {  	_ =	swait.ge [sflag:s25], $0x280  }
0x15c: {  	[sflag:s25] =	ssyncset.done $0x0  }
0x15d: {  	[sflag:s25] =	ssyncadd.s32 $0xFFFFFD80  }
0x15e: {  	_ =	swait.ge [sflag:s25], $0x280  }
0x15f: {  	[sflag:s25] =	ssyncset.done $0x0  }
0x160: {  	[sflag:s25] =	ssyncadd.s32 $0xFFFFFD80  }
0x161: {  	_ =	swait.ge [sflag:s25], $0x280  }
0x162: {  	[sflag:s25] =	ssyncset.done $0x0  }
0x163: {  	[sflag:s25] =	ssyncadd.s32 $0xFFFFFD80  }
0x164: {  	_ =	swait.ge [sflag:s25], $0x280  }
0x165: {  	[sflag:s25] =	ssyncset.done $0x0  }
0x166: {  	[sflag:s25] =	ssyncadd.s32 $0xFFFFFD80  }
0x167: {  	_ =	swait.ge [sflag:s25], $0x280  }
0x168: {  	[sflag:s25] =	ssyncset.done $0x0  }
0x169: {  	[sflag:s25] =	ssyncadd.s32 $0xFFFFFD80  }
0x16a: {  	_ =	swait.ge [sflag:s25], $0x280  }
0x16b: {  	[sflag:s25] =	ssyncset.done $0x0  }
0x16c: {  	[sflag:s25] =	ssyncadd.s32 $0xFFFFFD80  }
0x16d: {  	_ =	swait.ge [sflag:s25], $0x280  }
0x16e: {  	[sflag:s25] =	ssyncset.done $0x0  }
0x16f: {  	[sflag:s25] =	ssyncadd.s32 $0xFFFFFD80  }
0x170: {  	_ =	swait.ge [sflag:s25], $0x280  }
0x171: {  	[sflag:s25] =	ssyncset.done $0x0  }
0x172: {  	[sflag:s25] =	ssyncadd.s32 $0xFFFFFD80  }
0x173: {  	_ =	swait.ge [sflag:s25], $0x280  }
0x174: {  	[sflag:s25] =	ssyncset.done $0x0  }
0x175: {  	[sflag:s25] =	ssyncadd.s32 $0xFFFFFD80  }
0x176: {  	_ =	swait.ge [sflag:s25], $0x280  }
0x177: {  	[sflag:s25] =	ssyncset.done $0x0  }
0x178: {  	[sflag:s25] =	ssyncadd.s32 $0xFFFFFD80  }
0x179: {  	_ =	swait.ge [sflag:s25], $0x280  }
0x17a: {  	[sflag:s25] =	ssyncset.done $0x0  }
0x17b: {  	[sflag:s25] =	ssyncadd.s32 $0xFFFFFD80  }
0x17c: {  	_ =	swait.ge [sflag:s25], $0x280  }
0x17d: {  	[sflag:s25] =	ssyncset.done $0x0  }
0x17e: {  	[sflag:s25] =	ssyncadd.s32 $0xFFFFFD80  }
0x17f: {  	_ =	swait.ge [sflag:s25], $0x280  }
0x180: {  	[sflag:s25] =	ssyncset.done $0x0  }
0x181: {  	[sflag:s25] =	ssyncadd.s32 $0xFFFFFD80  }
0x182: {  	_ =	swait.ge [sflag:s25], $0x280  }
0x183: {  	[sflag:s25] =	ssyncset.done $0x0  }
0x184: {  	[sflag:s25] =	ssyncadd.s32 $0xFFFFFD80  }
0x185: {  	_ =	swait.ge [sflag:s25], $0x280  }
0x186: {  	[sflag:s25] =	ssyncset.done $0x0  }
0x187: {  	[sflag:s25] =	ssyncadd.s32 $0xFFFFFD80  }
0x188: {  	_ =	swait.ge [sflag:s25], $0x280  }
0x189: {  	[sflag:s25] =	ssyncset.done $0x0  }
0x18a: {  	[sflag:s25] =	ssyncadd.s32 $0xFFFFFD80  }
0x18b: {  	_ =	swait.ge [sflag:s25], $0x280  }
0x18c: {  	[sflag:s25] =	ssyncset.done $0x0  }
0x18d: {  	[sflag:s25] =	ssyncadd.s32 $0xFFFFFD80  }
0x18e: {  	_ =	swait.ge [sflag:s25], $0x280  }
0x18f: {  	[sflag:s25] =	ssyncset.done $0x0  }
0x190: {  	[sflag:s25] =	ssyncadd.s32 $0xFFFFFD80  }
0x191: {  	_ =	swait.ge [sflag:s25], $0x280  }
0x192: {  	[sflag:s25] =	ssyncset.done $0x0  }
0x193: {  	[sflag:s25] =	ssyncadd.s32 $0xFFFFFD80  }
0x194: {  	_ =	swait.ge [sflag:s25], $0x280  }
0x195: {  	[sflag:s25] =	ssyncset.done $0x0  }
0x196: {  	[sflag:s25] =	ssyncadd.s32 $0xFFFFFD80  }
0x197: {  	_ =	swait.ge [sflag:s25], $0x280  }
0x198: {  	[sflag:s25] =	ssyncset.done $0x0  }
0x199: {  	[sflag:s25] =	ssyncadd.s32 $0xFFFFFD80  }
0x19a: {  	_ =	swait.ge [sflag:s25], $0x280  }
0x19b: {  	[sflag:s25] =	ssyncset.done $0x0  }
0x19c: {  	[sflag:s25] =	ssyncadd.s32 $0xFFFFFD80  }
0x19d: {  	_ =	swait.ge [sflag:s25], $0x280  }
0x19e: {  	[sflag:s25] =	ssyncset.done $0x0  }
0x19f: {  	[sflag:s25] =	ssyncadd.s32 $0xFFFFFD80  }
0x1a0: {  	_ =	swait.ge [sflag:s25], $0x280  }
0x1a1: {  	[sflag:s25] =	ssyncset.done $0x0  }
0x1a2: {  	[sflag:s25] =	ssyncadd.s32 $0xFFFFFD80  }
0x1a3: {  	_ =	swait.ge [sflag:s25], $0x280  }
0x1a4: {  	[sflag:s25] =	ssyncset.done $0x0  }
0x1a5: {  	s13 =	simm.s32 $0x7C0;
	[sflag:s25] =	ssyncadd.s32 $0xFFFFFD80  }
0x1a6: {  	v1 =	vld [tilespmem:s13+$0xFFFFFFC0];
	_ =	sdelay $0x1  }
0x1a7: {  	v4 =	vld [tilespmem:s13+$0xFFFFFFD0]  }
0x1a8: {  	v6 =	vld [tilespmem:s13+$0xFFFFFFE0]  }
0x1a9: {  	v2 =	vld [tilespmem:s13+$0x0]  }
0x1aa: {  	v0 =	vld [tilespmem:s13+$0x10];
	v5 =	vmul.f32 $1.000000010e-01, v1  }
0x1ab: {  	v3 =	vld [tilespmem:s13+$0x20]  }
0x1ac: {  	v1 =	vld [tilespmem:s13+$0x30];
	[tilespmem:s13+$0xFFFFFFC0] =	vst v5;
	v5 =	vmul.f32 $1.000000010e-01, v4  }
0x1ad: {  	s15 =	simm.s32 $0x0;
	s17 =	simm.s32 $0x840;
	v6 =	vmul.f32 $1.000000010e-01, v6;
	v4 =	vld [tilespmem:s13+$0xFFFFFFF0]  }
.LBB2_3:
0x1ae: {  	v7 =	vld [tilespmem:s17+$0xFFFFFFC0];
	[tilespmem:s13+$0xFFFFFFD0] =	vst v5;
	v2 =	vmul.f32 $1.000000010e-01, v2  }
0x1af: {  	s15 =	sadd.s32 $0x4, s15;
	v5 =	vld [tilespmem:s17+$0xFFFFFFD0];
	[tilespmem:s13+$0xFFFFFFE0] =	vst v6;
	v0 =	vmul.f32 $1.000000010e-01, v0  }
0x1b0: {  	p0 =	slt.u32 s15, $0x9C;
	v6 =	vld [tilespmem:s17+$0xFFFFFFE0];
	[tilespmem:s13+$0x0] =	vst v2;
	v3 =	vmul.f32 $1.000000010e-01, v3  }
.Ltmp0:
0x1b1: {  	v2 =	vld [tilespmem:s17+$0x0];
	[tilespmem:s13+$0x10] =	vst v0;
	v1 =	vmul.f32 $1.000000010e-01, v1;
	(pc) =	sbr.rel @p0 .LBB2_3-.Ltmp0, $4  }
0x1b2: {  	v0 =	vld [tilespmem:s17+$0x10];
	v4 =	vmul.f32 $1.000000010e-01, v4;
	[tilespmem:s13+$0x20] =	vst v3  }
0x1b3: {  	v7 =	vmul.f32 $1.000000010e-01, v7;
	v3 =	vld [tilespmem:s17+$0x20];
	[tilespmem:s13+$0x30] =	vst v1  }
0x1b4: {  	v5 =	vmul.f32 $1.000000010e-01, v5;
	v1 =	vld [tilespmem:s17+$0x30];
	[tilespmem:s13+$0xFFFFFFF0] =	vst v4;
	s13 =	smov.u32 s17  }
0x1b5: {  	s17 =	sadd.s32 $0x80, s17;
	[tilespmem:s13+$0xFFFFFFC0] =	vst v7;
	v6 =	vmul.f32 $1.000000010e-01, v6;
	v4 =	vld [tilespmem:s13+$0xFFFFFFF0]  }
0x1b6: {  	[tilespmem:s13+$0xFFFFFFD0] =	vst v5;
	v2 =	vmul.f32 $1.000000010e-01, v2  }
0x1b7: {  	[tilespmem:s13+$0xFFFFFFE0] =	vst v6;
	v0 =	vmul.f32 $1.000000010e-01, v0  }
0x1b8: {  	[tilespmem:s13+$0x0] =	vst v2;
	v61 =	vmul.f32 $1.000000010e-01, v3  }
0x1b9: {  	[tilespmem:s13+$0x10] =	vst v0;
	v62 =	vmul.f32 $1.000000010e-01, v1  }
0x1ba: {  	s11 =	smul.u32 $0x50, s11;
	s1 =	sadd.s32 $0x1, s1;
	v63 =	vmul.f32 $1.000000010e-01, v4;
	[tilespmem:s13+$0x20] =	vst v61  }
0x1bb: {  	s17 =	rddreg [dreg:$0x1];
	p0 =	sne.s32 s1, $0x10;
	[tilespmem:s13+$0x30] =	vst v62  }
.Ltmp1:
0x1bc: {  	s11 =	sadd.s32 s17, s11;
	[tilespmem:s13+$0xFFFFFFF0] =	vst v63;
	(pc) =	sbr.rel @p0 .LBB2_2-.Ltmp1, $4  }
0x1bd: {  	[hbm4b:s11+s2] =	stream.linear.scatter [tilespmem:s10], [sflag:$0x2], $0x1400, $0x38;
	[tilespmem:$0x1B80] =	vst v63  }
0x1be: {  	_ =	swait.ge [sflag:s8], $0x1400  }
0x1bf: {  	[sflag:s8] =	ssyncset.done $0x0  }
0x1c0: {  	[sflag:s8] =	ssyncadd.s32 $0xFFFFEC00  }
0x1c1: {  	s11 =	rddreg [dreg:$0x4]  }
0x1c2: {  	s1 =	rddreg [dreg:$0x3];
	s11 =	sadd.s32 $0x1, s11  }
0x1c3: {  	p0 =	sne.s32 s11, s1  }
.Ltmp2:
0x1c4: {  	_ = 	snop;
	(pc) =	sbr.rel @p0 .LBB2_1-.Ltmp2, $1  }
0x1c5: {  	_ =	sdelay $0x3  }
0x1c6: {  	_ =	sfence.sel $0x180000  }
0x1c7: {  	[bflag:$0x0] =	sbarrier.arrive $0xFFFF  }
0x1c8: {  	_ =	strace $0x90000047  }
0x1c9: {  	s0 =	stileid.u32;
	[bflag:$0x2] =	sbarrier.arrive $0xFFFF  }
0x1ca: {  	p0 =	sne.s32 s0, $0x0;
	s0 =	rddreg [dreg:$0x2]  }
0x1cb: {  	s0 =	sadd.s32 @!p0 $0x100000, s0  }
0x1cc: {  	[sflag:s0] =	ssyncadd.tile.s32 @!p0 $0x1;
	_ =	shalt  }
.Lfunc_end2:
_tile_overlayer_lowered:
.L_overlay_start_2:
0x1cd: {  	(tag) =	ssettag $0x2  }
0x1ce: {  	s0 =	rddreg [dreg:$0x0];
	s2 =	stileid.u32  }
0x1cf: {  	s1 =	rddreg [dreg:$0x1];
	p0 =	sne.s32 s2, $0x0  }
0x1d0: {  	s3 =	rddreg [dreg:$0x2];
	[bflag:$0x3] =	sbarrier.arrive $0xFFFF;
	s2 =	simm.s32 @!p0 $0x1C02  }
0x1d1: {  	[timem:s3], [sflag:s2] =	dma.local @!p0 [hbm:s0], s1  }
0x1d2: {  	s0 =	simm.s32 @!p0 $0x2  }
0x1d3: {  	_ =	swait.ge @!p0 [sflag:s0], s1  }
0x1d4: {  	s1 =	ssub.s32 @!p0 $0x0, s1;
	[sflag:s0] =	ssyncset.done @!p0 $0x0  }
0x1d5: {  	[sflag:s0] =	ssyncadd.s32 @!p0 s1  }
0x1d6: {  	[bflag:$0x3] =	sbarrier.arrive $0xFFFF  }
0x1d7: {  	_ =	shalt  }

</sc_bundles>
